<compile_context>
chip_gen: v7x
topology: tpu7x:2x2x1
jax: 0.10.2.dev20260603
libtpu: 0.0.44.dev20260713+nightly
codegen_flags: <defaults>
</compile_context>

<pallas_src>
import functools

import jax
import jax.numpy as jnp
from jax import lax
from jax.experimental import pallas as pl
from jax.experimental.pallas import tpu as pltpu
from jax.experimental.pallas import tpu_sc as plsc

NC, NS, LANES = 2, 16, 16
CH = 80
PIECE = 50
NACC = 10240
WR = 80


def _sc_mesh():
    return plsc.VectorSubcoreMesh(
        core_axis_name="c", subcore_axis_name="s", num_cores=NC, num_subcores=NS
    )


def _degree_hist(src3d, dst3d, n_pad):
    _, nch_w, ch = src3d.shape
    zb_len = n_pad // NS

    qd = 8

    def body(src_hbm, dst_hbm, din_hbm, dout_hbm, idx_v, ones_v, zb_v,
             hist_sp, sem):
        c = lax.axis_index("c")
        s = lax.axis_index("s")

        def zloop(i, carry):
            zb_v[pl.ds(i * LANES, LANES)] = jnp.zeros((LANES,), jnp.float32)
            return carry

        lax.fori_loop(0, zb_len // LANES, zloop, 0)
        for i in range(ch // LANES):
            ones_v[pl.ds(i * LANES, LANES)] = jnp.ones((LANES,), jnp.float32)
        pltpu.sync_copy(zb_v, hist_sp.at[pl.ds(s * zb_len, zb_len)])
        plsc.subcore_barrier()

        @pl.when(c == 0)
        def _():
            pltpu.sync_copy(dst_hbm.at[s], idx_v)

        @pl.when(c == 1)
        def _():
            pltpu.sync_copy(src_hbm.at[s], idx_v)

        def drain_one():
            pltpu.make_async_copy(
                din_hbm.at[pl.ds(0, ch)], ones_v, sem).wait()

        def chunk(j, carry):
            @pl.when(j >= qd)
            def _():
                drain_one()

            pltpu.async_copy(ones_v, hist_sp.at[idx_v.at[j]], sem, add=True)
            return carry

        lax.fori_loop(0, nch_w, chunk, 0)
        for _ in range(qd):
            drain_one()
        plsc.subcore_barrier()
        pltpu.sync_copy(hist_sp.at[pl.ds(s * zb_len, zb_len)], zb_v)

        @pl.when(c == 0)
        def _():
            pltpu.sync_copy(zb_v, din_hbm.at[pl.ds(s * zb_len, zb_len)])

        @pl.when(c == 1)
        def _():
            pltpu.sync_copy(zb_v, dout_hbm.at[pl.ds(s * zb_len, zb_len)])

    call = pl.kernel(
        body,
        out_type=[
            jax.ShapeDtypeStruct((n_pad,), jnp.float32),
            jax.ShapeDtypeStruct((n_pad,), jnp.float32),
        ],
        mesh=_sc_mesh(),
        scratch_types=[
            pltpu.VMEM((nch_w, ch), jnp.int32),
            pltpu.VMEM((ch,), jnp.float32),
            pltpu.VMEM((zb_len,), jnp.float32),
            pltpu.VMEM_SHARED((n_pad,), jnp.float32),
            pltpu.SemaphoreType.DMA,
        ],
    )
    return call(src3d, dst3d)


def _edge_aggregate(h_flat, src_flat, dst4d, n):
    e = src_flat.shape[0]
    _, npieces, piece, ch = dst4d.shape
    epw = e // NS
    eps = piece * ch
    zpt = NACC // NS
    own = n - (NS - 1) * zpt

    def body(h_hbm, src_hbm, dst_hbm, out_hbm,
             src_v, dst_v, b0, b1, sg0, sg1, ss0, ss1, acc_sp):
        c = lax.axis_index("c")
        s = lax.axis_index("s")
        bufs = (b0, b1)
        sgs = (sg0, sg1)
        sss = (ss0, ss1)
        row_off = c * n

        def gstart(jj, u):
            pltpu.async_copy(
                h_hbm.at[src_v.at[pl.ds(jj * ch, ch)]], bufs[u], sgs[u])

        def gwait(jj, u):
            pltpu.make_async_copy(
                h_hbm.at[src_v.at[pl.ds(jj * ch, ch)]], bufs[u], sgs[u]
            ).wait()

        def sstart(jj, u):
            pltpu.async_copy(
                bufs[u], acc_sp.at[dst_v.at[jj]], sss[u], add=True)

        def sdrain(u):
            pltpu.make_async_copy(
                h_hbm.at[pl.ds(0, ch)], bufs[u], sss[u]
            ).wait()

        def zrow(i, carry):
            for k in range(128 // LANES):
                b0[i, pl.ds(k * LANES, LANES)] = jnp.zeros(
                    (LANES,), jnp.float32)
            return carry

        lax.fori_loop(0, ch, zrow, 0)
        for r in range(zpt // WR):
            pltpu.sync_copy(b0, acc_sp.at[pl.ds(s * zpt + r * WR, WR)])
        plsc.subcore_barrier()

        def piece_body(q, carry):
            pltpu.sync_copy(
                src_hbm.at[pl.ds(s * epw + q * eps, eps)], src_v)
            pltpu.sync_copy(dst_hbm.at[s, q], dst_v)

            def shift(i, carry2):
                sl = pl.ds(i * LANES, LANES)
                src_v[sl] = src_v[sl] + row_off
                return carry2

            lax.fori_loop(0, eps // LANES, shift, 0)

            gstart(0, 0)

            def pairs(j2, carry2):
                for u in range(2):
                    jj = j2 * 2 + u
                    gwait(jj, u)

                    @pl.when(jj >= 1)
                    def _():
                        sdrain(1 - u)

                    @pl.when(jj + 1 < piece)
                    def _():
                        gstart(jj + 1, 1 - u)

                    sstart(jj, u)
                return carry2

            lax.fori_loop(0, piece // 2, pairs, 0)
            lastu = (piece - 1) % 2
            if piece % 2:
                gwait(piece - 1, lastu)
                sdrain(1 - lastu)
                sstart(piece - 1, lastu)
            sdrain(lastu)
            return carry

        lax.fori_loop(0, npieces, piece_body, 0)
        plsc.subcore_barrier()

        nwr = jnp.where(s == NS - 1, own // WR, zpt // WR)

        def wout(r, carry):
            sl = pl.ds(s * zpt + r * WR, WR)
            pltpu.sync_copy(acc_sp.at[sl], b0)
            pltpu.sync_copy(b0, out_hbm.at[c, sl])
            return carry

        lax.fori_loop(0, nwr, wout, 0)

    call = pl.kernel(
        body,
        out_type=jax.ShapeDtypeStruct((NC, n, 128), jnp.float32),
        mesh=_sc_mesh(),
        scratch_types=[
            pltpu.VMEM((eps,), jnp.int32),
            pltpu.VMEM((piece, ch), jnp.int32),
            pltpu.VMEM((ch, 128), jnp.float32),
            pltpu.VMEM((ch, 128), jnp.float32),
            pltpu.SemaphoreType.DMA,
            pltpu.SemaphoreType.DMA,
            pltpu.SemaphoreType.DMA,
            pltpu.SemaphoreType.DMA,
            pltpu.VMEM_SHARED((NACC, 128), jnp.float32),
        ],
    )
    return call(h_flat, src_flat, dst4d)


def _rscale(deg_blk):
    return lax.rsqrt(jnp.maximum(deg_blk, 1.0))


def _tc_matmul1(x, w1, bn):
    n, d_in = x.shape
    d_h = w1.shape[1]
    grid = n // bn

    def body(x_ref, w_ref, out_ref):
        out_ref[...] = jnp.dot(x_ref[...].astype(jnp.bfloat16),
                               w_ref[...].astype(jnp.bfloat16),
                               preferred_element_type=jnp.float32)

    return pl.pallas_call(
        body,
        grid=(grid,),
        in_specs=[
            pl.BlockSpec((bn, d_in), lambda i: (i, 0)),
            pl.BlockSpec(w1.shape, lambda i: (0, 0)),
        ],
        out_specs=pl.BlockSpec((bn, d_h), lambda i: (i, 0)),
        out_shape=jax.ShapeDtypeStruct((n, d_h), jnp.float32),
    )(x, w1)


def _tc_layer1(h1, dout, bn):
    n, d_h = h1.shape
    grid = n // bn

    def body(h_ref, do_ref, out_ref):
        rout = _rscale(do_ref[...])
        hs = h_ref[...] * rout
        out_ref[0] = hs[:, : d_h // 2]
        out_ref[1] = hs[:, d_h // 2:]

    return pl.pallas_call(
        body,
        grid=(grid,),
        in_specs=[
            pl.BlockSpec((bn, d_h), lambda i: (i, 0)),
            pl.BlockSpec((bn, 1), lambda i: (i, 0)),
        ],
        out_specs=pl.BlockSpec((2, bn, d_h // 2), lambda i: (0, i, 0)),
        out_shape=jax.ShapeDtypeStruct((2, n, d_h // 2), jnp.float32),
    )(h1, dout)


def _tc_layer2(a1, din, dout, b1, w2, bn):
    _, n, dh2 = a1.shape
    d_h = 2 * dh2
    grid = n // bn

    def body(a_ref, di_ref, do_ref, b_ref, w_ref, out_ref):
        rin = _rscale(di_ref[...])
        rout = _rscale(do_ref[...])
        a = jnp.concatenate([a_ref[0], a_ref[1]], axis=1)
        h = jnp.maximum(a * rin + b_ref[...], 0.0)
        h2 = jnp.dot(h.astype(jnp.bfloat16), w_ref[...].astype(jnp.bfloat16),
                     preferred_element_type=jnp.float32)
        hs = h2 * rout
        out_ref[0] = hs[:, :dh2]
        out_ref[1] = hs[:, dh2:]

    return pl.pallas_call(
        body,
        grid=(grid,),
        in_specs=[
            pl.BlockSpec((2, bn, dh2), lambda i: (0, i, 0)),
            pl.BlockSpec((bn, 1), lambda i: (i, 0)),
            pl.BlockSpec((bn, 1), lambda i: (i, 0)),
            pl.BlockSpec((1, d_h), lambda i: (0, 0)),
            pl.BlockSpec((d_h, d_h), lambda i: (0, 0)),
        ],
        out_specs=pl.BlockSpec((2, bn, dh2), lambda i: (0, i, 0)),
        out_shape=jax.ShapeDtypeStruct((2, n, dh2), jnp.float32),
    )(a1, din, dout, b1, w2)


def _tc_head(a2, din, b2, wp1, bp1, pa, wp2, bp2, bn):
    _, n, dh2 = a2.shape
    d_h = 2 * dh2
    grid = n // bn

    def body(a_ref, di_ref, b2_ref, wp1_ref, bp1_ref, pa_ref, wp2_ref,
             bp2_ref, out_ref):
        i = pl.program_id(0)
        rin = _rscale(di_ref[...])
        a = jnp.concatenate([a_ref[0], a_ref[1]], axis=1)
        h = a * rin + b2_ref[...]
        q = jnp.dot(h.astype(jnp.bfloat16), wp1_ref[...].astype(jnp.bfloat16),
                    preferred_element_type=jnp.float32)
        q = q + bp1_ref[...]
        q = jnp.where(q > 0, q, pa_ref[0, 0] * q)
        p = jnp.dot(q.astype(jnp.bfloat16), wp2_ref[...].astype(jnp.bfloat16),
                    preferred_element_type=jnp.float32)
        p = p + bp2_ref[...]
        ph = jnp.sum(p * h, axis=1)
        pn = jnp.maximum(jnp.sqrt(jnp.sum(p * p, axis=1)), 1e-12)
        hn = jnp.maximum(jnp.sqrt(jnp.sum(h * h, axis=1)), 1e-12)
        part = jnp.sum(ph / (pn * hn))

        @pl.when(i == 0)
        def _():
            out_ref[...] = jnp.zeros((1, 1), jnp.float32)

        out_ref[...] += part

        @pl.when(i == grid - 1)
        def _():
            out_ref[...] = 4.0 - 4.0 * out_ref[...] / n

    return pl.pallas_call(
        body,
        grid=(grid,),
        in_specs=[
            pl.BlockSpec((2, bn, dh2), lambda i: (0, i, 0)),
            pl.BlockSpec((bn, 1), lambda i: (i, 0)),
            pl.BlockSpec((1, d_h), lambda i: (0, 0)),
            pl.BlockSpec((d_h, d_h), lambda i: (0, 0)),
            pl.BlockSpec((1, d_h), lambda i: (0, 0)),
            pl.BlockSpec((1, 1), lambda i: (0, 0)),
            pl.BlockSpec((d_h, d_h), lambda i: (0, 0)),
            pl.BlockSpec((1, d_h), lambda i: (0, 0)),
        ],
        out_specs=pl.BlockSpec((1, 1), lambda i: (0, 0)),
        out_shape=jax.ShapeDtypeStruct((1, 1), jnp.float32),
    )(a2, din, b2, wp1, bp1, pa, wp2, bp2)


def kernel(x, edge_index, W1, b1, W2, b2, Wp1, bp1, prelu_a, Wp2, bp2):
    n, _ = x.shape
    e = edge_index.shape[1]
    n_pad = 10240
    bn = 2000

    src_flat = edge_index[0]
    dst_flat = edge_index[1]
    src3d = src_flat.reshape(NS, e // (NS * CH), CH)
    dst3d = dst_flat.reshape(NS, e // (NS * CH), CH)
    dst4d = dst_flat.reshape(NS, e // (NS * PIECE * CH), PIECE, CH)

    h1 = _tc_matmul1(x, W1, bn)
    din_p, dout_p = _degree_hist(src3d, dst3d, n_pad)
    din = din_p[:n].reshape(n, 1)
    dout = dout_p[:n].reshape(n, 1)

    h1s = _tc_layer1(h1, dout, bn)
    a1 = _edge_aggregate(h1s.reshape(2 * n, 128), src_flat, dst4d, n)
    h2s = _tc_layer2(a1, din, dout, b1.reshape(1, -1), W2, bn)
    a2 = _edge_aggregate(h2s.reshape(2 * n, 128), src_flat, dst4d, n)
    out = _tc_head(
        a2, din, b2.reshape(1, -1), Wp1, bp1.reshape(1, -1),
        jnp.reshape(prelu_a, (1, 1)), Wp2, bp2.reshape(1, -1), bn,
    )
    return out[0, 0]

# --- scband reference (transcript-rebuilt; emitter-appended) ---
"""Pipeline reference for scband-model-bgrl-68264210203012 (READ-ONLY COPY).

The authoritative reference and input builder live on the scoring server;
editing this copy changes nothing except your own understanding.
"""

import jax, jax.numpy as jnp
import numpy as np

N = 10000
E = 320000
D_IN = 128
D_H = 256
PRED_H = 256


def _xavier(key, shape):
    fan_in, fan_out = shape[0], shape[1]
    limit = float(np.sqrt(6.0 / (fan_in + fan_out)))
    return jax.random.uniform(key, shape, dtype=jnp.float32, minval=-limit, maxval=limit)


def setup_inputs(seed: int = 0) -> dict:
    key = jax.random.key(seed)
    ks = jax.random.split(key, 12)
    x = jax.random.normal(ks[0], (N, D_IN), dtype=jnp.float32)
    edge_index = jax.random.randint(ks[1], (2, E), 0, N, dtype=jnp.int32)
    W1 = _xavier(ks[2], (D_IN, D_H))
    b1 = jnp.zeros((D_H,), dtype=jnp.float32)
    W2 = _xavier(ks[3], (D_H, D_H))
    b2 = jnp.zeros((D_H,), dtype=jnp.float32)
    Wp1 = _xavier(ks[4], (D_H, PRED_H))
    bp1 = jnp.full((PRED_H,), 0.01, dtype=jnp.float32)
    prelu_a = jnp.asarray(0.25, dtype=jnp.float32)
    Wp2 = _xavier(ks[5], (PRED_H, D_H))
    bp2 = jnp.full((D_H,), 0.01, dtype=jnp.float32)
    return {"x": x, "edge_index": edge_index, "W1": W1, "b1": b1, "W2": W2, "b2": b2,
            "Wp1": Wp1, "bp1": bp1, "prelu_a": prelu_a, "Wp2": Wp2, "bp2": bp2}


def _gcn_encoder(x, src, dst, W1, b1, W2, b2):
    ones = jnp.ones((E,), dtype=jnp.float32)
    deg_in = jnp.clip(jax.ops.segment_sum(ones, dst, num_segments=N), 1.0, None)
    deg_out = jnp.clip(jax.ops.segment_sum(ones, src, num_segments=N), 1.0, None)
    enorm = jax.lax.rsqrt(deg_out[src] * deg_in[dst])[:, None]
    # layer 1: symmetric-normalized GCN conv + relu
    h = x @ W1
    agg = jax.ops.segment_sum(h[src] * enorm, dst, num_segments=N)
    h = jax.nn.relu(agg + b1)
    # layer 2
    h2 = h @ W2
    agg2 = jax.ops.segment_sum(h2[src] * enorm, dst, num_segments=N)
    return agg2 + b2


def _predictor(h, Wp1, bp1, prelu_a, Wp2, bp2):
    p = h @ Wp1 + bp1
    p = jnp.where(p > 0, p, prelu_a * p)
    return p @ Wp2 + bp2


def _loss_fn(a, b):
    a = a / jnp.clip(jnp.linalg.norm(a, axis=-1, keepdims=True), 1e-12, None)
    b = b / jnp.clip(jnp.linalg.norm(b, axis=-1, keepdims=True), 1e-12, None)
    return 2.0 - 2.0 * (a * b).sum(axis=-1)


def reference(x, edge_index, W1, b1, W2, b2, Wp1, bp1, prelu_a, Wp2, bp2):
    src = edge_index[0]
    dst = edge_index[1]
    # drop rates are 0.0 so both augmented views are the original graph/features
    v1_student = _gcn_encoder(x, src, dst, W1, b1, W2, b2)
    v2_student = _gcn_encoder(x, src, dst, W1, b1, W2, b2)
    v1_pred = _predictor(v1_student, Wp1, bp1, prelu_a, Wp2, bp2)
    v2_pred = _predictor(v2_student, Wp1, bp1, prelu_a, Wp2, bp2)
    # teacher is a deepcopy of the student at init (same weights), no grad
    v1_teacher = jax.lax.stop_gradient(_gcn_encoder(x, src, dst, W1, b1, W2, b2))
    v2_teacher = jax.lax.stop_gradient(_gcn_encoder(x, src, dst, W1, b1, W2, b2))
    loss1 = _loss_fn(v1_pred, v2_teacher)
    loss2 = _loss_fn(v2_pred, v1_teacher)
    return (loss1 + loss2).mean()

if __name__ == "__main__":
    import jax
    _d = setup_inputs()
    print(jax.jit(kernel)(*tuple(_d.values())))

</pallas_src>

<mosaic_0001>
#map = affine_map<(d0, d1) -> (0, 0, 0)>
#map1 = affine_map<(d0, d1) -> (0)>
module attributes {stable_mosaic.version = 14 : i64} {
  func.func @body(%arg0: i32, %arg1: i32, %arg2: memref<16x250x80xi32, #tpu.memory_space<hbm>>, %arg3: memref<16x250x80xi32, #tpu.memory_space<hbm>>, %arg4: memref<10240xf32, #tpu.memory_space<hbm>>, %arg5: memref<10240xf32, #tpu.memory_space<hbm>>, %arg6: memref<250x80xi32, #tpu.memory_space<vmem>>, %arg7: memref<80xf32, #tpu.memory_space<vmem>>, %arg8: memref<640xf32, #tpu.memory_space<vmem>>, %arg9: memref<10240xf32, #tpu.memory_space<vmem_shared>>, %arg10: memref<!tpu.dma_semaphore, #tpu.memory_space<semaphore_mem>>) attributes {dimension_semantics = [#tpu.dimension_semantics<core_parallel>, #tpu.dimension_semantics<subcore_parallel>], iteration_bounds = array<i64: 2, 16>, scalar_prefetch = 0 : i64, scratch_operands = 5 : i64, tpu.core_type = #tpu.core_type<sc_vector_subcore>, window_params = [{transform_indices = #map}, {transform_indices = #map}, {transform_indices = #map1}, {transform_indices = #map1}]} {
    %scan3A = arith.constant 0 : i32
    %scan3A_0 = arith.constant 0 : i32
    %scan3A_1 = arith.constant 40 : i32
    %scan3A_2 = arith.addi %scan3A_0, %scan3A_1 : i32
    %scan3A_3 = arith.constant 1 : i32
    scf.for %scan3A_91 = %scan3A_0 to %scan3A_2 step %scan3A_3  : i32 {
      %broadcast_in_dim3A_92 = arith.constant 0.000000e+00 : f32
      %broadcast_in_dim3A_93 = vector.broadcast %broadcast_in_dim3A_92 : f32 to vector<16xf32>
      %mul3A_94 = arith.constant 16 : i32
      %mul3A_95 = arith.muli %scan3A_91, %mul3A_94 : i32
      %swap3A_96 = arith.index_cast %mul3A_95 : i32 to index
      %swap3A_97 = tpu.vector_load %arg8[%swap3A_96] {strides = array<i32>} : memref<640xf32, #tpu.memory_space<vmem>>, vector<16xf32>,
      %swap3A_98 = vector.shape_cast %swap3A_97 : vector<16xf32> to vector<16xf32>
      %swap3A_99 = vector.shape_cast %broadcast_in_dim3A_93 : vector<16xf32> to vector<16xf32>
      tpu.vector_store %arg8[%swap3A_96], %swap3A_99 {strides = array<i32>} : memref<640xf32, #tpu.memory_space<vmem>>, vector<16xf32>,
    }
    %scan3A_4 = arith.constant 40 : i32
    %broadcast_in_dim3A = arith.constant 1.000000e+00 : f32
    %broadcast_in_dim3A_5 = vector.broadcast %broadcast_in_dim3A : f32 to vector<16xf32>
    %swap3A = arith.constant 0 : index
    %swap3A_6 = tpu.vector_load %arg7[%swap3A] {strides = array<i32>} : memref<80xf32, #tpu.memory_space<vmem>>, vector<16xf32>,
    %swap3A_7 = vector.shape_cast %swap3A_6 : vector<16xf32> to vector<16xf32>
    %swap3A_8 = vector.shape_cast %broadcast_in_dim3A_5 : vector<16xf32> to vector<16xf32>
    tpu.vector_store %arg7[%swap3A], %swap3A_8 {strides = array<i32>} : memref<80xf32, #tpu.memory_space<vmem>>, vector<16xf32>,
    %broadcast_in_dim3A_9 = arith.constant 1.000000e+00 : f32
    %broadcast_in_dim3A_10 = vector.broadcast %broadcast_in_dim3A_9 : f32 to vector<16xf32>
    %swap3A_11 = arith.constant 16 : index
    %swap3A_12 = tpu.vector_load %arg7[%swap3A_11] {strides = array<i32>} : memref<80xf32, #tpu.memory_space<vmem>>, vector<16xf32>,
    %swap3A_13 = vector.shape_cast %swap3A_12 : vector<16xf32> to vector<16xf32>
    %swap3A_14 = vector.shape_cast %broadcast_in_dim3A_10 : vector<16xf32> to vector<16xf32>
    tpu.vector_store %arg7[%swap3A_11], %swap3A_14 {strides = array<i32>} : memref<80xf32, #tpu.memory_space<vmem>>, vector<16xf32>,
    %broadcast_in_dim3A_15 = arith.constant 1.000000e+00 : f32
    %broadcast_in_dim3A_16 = vector.broadcast %broadcast_in_dim3A_15 : f32 to vector<16xf32>
    %swap3A_17 = arith.constant 32 : index
    %swap3A_18 = tpu.vector_load %arg7[%swap3A_17] {strides = array<i32>} : memref<80xf32, #tpu.memory_space<vmem>>, vector<16xf32>,
    %swap3A_19 = vector.shape_cast %swap3A_18 : vector<16xf32> to vector<16xf32>
    %swap3A_20 = vector.shape_cast %broadcast_in_dim3A_16 : vector<16xf32> to vector<16xf32>
    tpu.vector_store %arg7[%swap3A_17], %swap3A_20 {strides = array<i32>} : memref<80xf32, #tpu.memory_space<vmem>>, vector<16xf32>,
    %broadcast_in_dim3A_21 = arith.constant 1.000000e+00 : f32
    %broadcast_in_dim3A_22 = vector.broadcast %broadcast_in_dim3A_21 : f32 to vector<16xf32>
    %swap3A_23 = arith.constant 48 : index
    %swap3A_24 = tpu.vector_load %arg7[%swap3A_23] {strides = array<i32>} : memref<80xf32, #tpu.memory_space<vmem>>, vector<16xf32>,
    %swap3A_25 = vector.shape_cast %swap3A_24 : vector<16xf32> to vector<16xf32>
    %swap3A_26 = vector.shape_cast %broadcast_in_dim3A_22 : vector<16xf32> to vector<16xf32>
    tpu.vector_store %arg7[%swap3A_23], %swap3A_26 {strides = array<i32>} : memref<80xf32, #tpu.memory_space<vmem>>, vector<16xf32>,
    %broadcast_in_dim3A_27 = arith.constant 1.000000e+00 : f32
    %broadcast_in_dim3A_28 = vector.broadcast %broadcast_in_dim3A_27 : f32 to vector<16xf32>
    %swap3A_29 = arith.constant 64 : index
    %swap3A_30 = tpu.vector_load %arg7[%swap3A_29] {strides = array<i32>} : memref<80xf32, #tpu.memory_space<vmem>>, vector<16xf32>,
    %swap3A_31 = vector.shape_cast %swap3A_30 : vector<16xf32> to vector<16xf32>
    %swap3A_32 = vector.shape_cast %broadcast_in_dim3A_28 : vector<16xf32> to vector<16xf32>
    tpu.vector_store %arg7[%swap3A_29], %swap3A_32 {strides = array<i32>} : memref<80xf32, #tpu.memory_space<vmem>>, vector<16xf32>,
    %mul3A = arith.constant 640 : i32
    %mul3A_33 = arith.muli %arg1, %mul3A : i32
    "tpu.region"() ({
      %run_scoped3A = tpu.sem_alloc : memref<!tpu.dma_semaphore, #tpu.memory_space<semaphore_mem>>
      %dma_start3A = tpu.memref_slice %arg9[%mul3A_33] : memref<10240xf32, #tpu.memory_space<vmem_shared>> -> memref<640xf32, #tpu.memory_space<vmem_shared>>
      %dma_start3A_91 = tpu.memref_slice %arg9[%mul3A_33] : memref<10240xf32, #tpu.memory_space<vmem_shared>> -> memref<640xf32, #tpu.memory_space<vmem_shared>>
      tpu.enqueue_dma source(%arg8 : memref<640xf32, #tpu.memory_space<vmem>>) target(%dma_start3A_91 : memref<640xf32, #tpu.memory_space<vmem_shared>>) target_semaphore(%run_scoped3A : memref<!tpu.dma_semaphore, #tpu.memory_space<semaphore_mem>>)
      %dma_wait3A_92 = tpu.memref_slice %arg9[%mul3A_33] : memref<10240xf32, #tpu.memory_space<vmem_shared>> -> memref<640xf32, #tpu.memory_space<vmem_shared>>
      %dma_wait3A_93 = tpu.memref_slice %arg9[%mul3A_33] : memref<10240xf32, #tpu.memory_space<vmem_shared>> -> memref<640xf32, #tpu.memory_space<vmem_shared>>
      tpu.wait_dma2 semaphore(%run_scoped3A : memref<!tpu.dma_semaphore, #tpu.memory_space<semaphore_mem>>) src(%arg8 : memref<640xf32, #tpu.memory_space<vmem>>) dst(%dma_wait3A_93 : memref<640xf32, #tpu.memory_space<vmem_shared>>)
      tpu.yield
    }) : () -> ()
    %barrier3A = arith.constant 0 : index
    tpu.barrier barrier_id(%barrier3A)
    %eq3A = arith.constant 0 : i32
    %eq3A_34 = arith.cmpi eq, %arg0, %eq3A : i32
    %convert_element_type3A = arith.extui %eq3A_34 : i1 to i32
    %cond3A = arith.constant 0 : i32
    %cond3A_35 = arith.cmpi ne, %convert_element_type3A, %cond3A : i32
    scf.if %cond3A_35 {
      "tpu.region"() ({
        %run_scoped3A = tpu.sem_alloc : memref<!tpu.dma_semaphore, #tpu.memory_space<semaphore_mem>>
        %dma_start3A = arith.constant 0 : i32
        %dma_start3A_91 = arith.constant 0 : i32
        %dma_start3A_92 = tpu.memref_slice %arg3[%arg1, %dma_start3A, %dma_start3A_91] : memref<16x250x80xi32, #tpu.memory_space<hbm>> -> memref<1x250x80xi32, #tpu.memory_space<hbm>>
        %dma_start3A_93 = tpu.memref_squeeze %dma_start3A_92 : memref<1x250x80xi32, #tpu.memory_space<hbm>> -> memref<250x80xi32, #tpu.memory_space<hbm>>
        %dma_start3A_94 = arith.constant 0 : i32
        %dma_start3A_95 = arith.constant 0 : i32
        %dma_start3A_96 = tpu.memref_slice %arg3[%arg1, %dma_start3A_94, %dma_start3A_95] : memref<16x250x80xi32, #tpu.memory_space<hbm>> -> memref<1x250x80xi32, #tpu.memory_space<hbm>>
        %dma_start3A_97 = tpu.memref_squeeze %dma_start3A_96 : memref<1x250x80xi32, #tpu.memory_space<hbm>> -> memref<250x80xi32, #tpu.memory_space<hbm>>
        tpu.enqueue_dma source(%dma_start3A_97 : memref<250x80xi32, #tpu.memory_space<hbm>>) target(%arg6 : memref<250x80xi32, #tpu.memory_space<vmem>>) target_semaphore(%run_scoped3A : memref<!tpu.dma_semaphore, #tpu.memory_space<semaphore_mem>>)
        %dma_wait3A_98 = arith.constant 0 : i32
        %dma_wait3A_99 = arith.constant 0 : i32
        %dma_wait3A_100 = tpu.memref_slice %arg3[%arg1, %dma_wait3A_98, %dma_wait3A_99] : memref<16x250x80xi32, #tpu.memory_space<hbm>> -> memref<1x250x80xi32, #tpu.memory_space<hbm>>
        %dma_wait3A_101 = tpu.memref_squeeze %dma_wait3A_100 : memref<1x250x80xi32, #tpu.memory_space<hbm>> -> memref<250x80xi32, #tpu.memory_space<hbm>>
        %dma_wait3A_102 = arith.constant 0 : i32
        %dma_wait3A_103 = arith.constant 0 : i32
        %dma_wait3A_104 = tpu.memref_slice %arg3[%arg1, %dma_wait3A_102, %dma_wait3A_103] : memref<16x250x80xi32, #tpu.memory_space<hbm>> -> memref<1x250x80xi32, #tpu.memory_space<hbm>>
        %dma_wait3A_105 = tpu.memref_squeeze %dma_wait3A_104 : memref<1x250x80xi32, #tpu.memory_space<hbm>> -> memref<250x80xi32, #tpu.memory_space<hbm>>
        tpu.wait_dma2 semaphore(%run_scoped3A : memref<!tpu.dma_semaphore, #tpu.memory_space<semaphore_mem>>) src(%dma_wait3A_105 : memref<250x80xi32, #tpu.memory_space<hbm>>) dst(%arg6 : memref<250x80xi32, #tpu.memory_space<vmem>>)
        tpu.yield
      }) : () -> ()
    } else {
    }
    %eq3A_36 = arith.constant 1 : i32
    %eq3A_37 = arith.cmpi eq, %arg0, %eq3A_36 : i32
    %convert_element_type3A_38 = arith.extui %eq3A_37 : i1 to i32
    %cond3A_39 = arith.constant 0 : i32
    %cond3A_40 = arith.cmpi ne, %convert_element_type3A_38, %cond3A_39 : i32
    scf.if %cond3A_40 {
      "tpu.region"() ({
        %run_scoped3A = tpu.sem_alloc : memref<!tpu.dma_semaphore, #tpu.memory_space<semaphore_mem>>
        %dma_start3A = arith.constant 0 : i32
        %dma_start3A_91 = arith.constant 0 : i32
        %dma_start3A_92 = tpu.memref_slice %arg2[%arg1, %dma_start3A, %dma_start3A_91] : memref<16x250x80xi32, #tpu.memory_space<hbm>> -> memref<1x250x80xi32, #tpu.memory_space<hbm>>
        %dma_start3A_93 = tpu.memref_squeeze %dma_start3A_92 : memref<1x250x80xi32, #tpu.memory_space<hbm>> -> memref<250x80xi32, #tpu.memory_space<hbm>>
        %dma_start3A_94 = arith.constant 0 : i32
        %dma_start3A_95 = arith.constant 0 : i32
        %dma_start3A_96 = tpu.memref_slice %arg2[%arg1, %dma_start3A_94, %dma_start3A_95] : memref<16x250x80xi32, #tpu.memory_space<hbm>> -> memref<1x250x80xi32, #tpu.memory_space<hbm>>
        %dma_start3A_97 = tpu.memref_squeeze %dma_start3A_96 : memref<1x250x80xi32, #tpu.memory_space<hbm>> -> memref<250x80xi32, #tpu.memory_space<hbm>>
        tpu.enqueue_dma source(%dma_start3A_97 : memref<250x80xi32, #tpu.memory_space<hbm>>) target(%arg6 : memref<250x80xi32, #tpu.memory_space<vmem>>) target_semaphore(%run_scoped3A : memref<!tpu.dma_semaphore, #tpu.memory_space<semaphore_mem>>)
        %dma_wait3A_98 = arith.constant 0 : i32
        %dma_wait3A_99 = arith.constant 0 : i32
        %dma_wait3A_100 = tpu.memref_slice %arg2[%arg1, %dma_wait3A_98, %dma_wait3A_99] : memref<16x250x80xi32, #tpu.memory_space<hbm>> -> memref<1x250x80xi32, #tpu.memory_space<hbm>>
        %dma_wait3A_101 = tpu.memref_squeeze %dma_wait3A_100 : memref<1x250x80xi32, #tpu.memory_space<hbm>> -> memref<250x80xi32, #tpu.memory_space<hbm>>
        %dma_wait3A_102 = arith.constant 0 : i32
        %dma_wait3A_103 = arith.constant 0 : i32
        %dma_wait3A_104 = tpu.memref_slice %arg2[%arg1, %dma_wait3A_102, %dma_wait3A_103] : memref<16x250x80xi32, #tpu.memory_space<hbm>> -> memref<1x250x80xi32, #tpu.memory_space<hbm>>
        %dma_wait3A_105 = tpu.memref_squeeze %dma_wait3A_104 : memref<1x250x80xi32, #tpu.memory_space<hbm>> -> memref<250x80xi32, #tpu.memory_space<hbm>>
        tpu.wait_dma2 semaphore(%run_scoped3A : memref<!tpu.dma_semaphore, #tpu.memory_space<semaphore_mem>>) src(%dma_wait3A_105 : memref<250x80xi32, #tpu.memory_space<hbm>>) dst(%arg6 : memref<250x80xi32, #tpu.memory_space<vmem>>)
        tpu.yield
      }) : () -> ()
    } else {
    }
    %scan3A_41 = arith.constant 0 : i32
    %scan3A_42 = arith.constant 0 : i32
    %scan3A_43 = arith.constant 250 : i32
    %scan3A_44 = arith.addi %scan3A_42, %scan3A_43 : i32
    %scan3A_45 = arith.constant 1 : i32
    scf.for %scan3A_91 = %scan3A_42 to %scan3A_44 step %scan3A_45  : i32 {
      %ge3A = arith.constant 8 : i32
      %ge3A_92 = arith.cmpi sge, %scan3A_91, %ge3A : i32
      %convert_element_type3A_93 = arith.extui %ge3A_92 : i1 to i32
      %cond3A_94 = arith.constant 0 : i32
      %cond3A_95 = arith.cmpi ne, %convert_element_type3A_93, %cond3A_94 : i32
      scf.if %cond3A_95 {
        %dma_wait3A_100 = arith.constant 0 : i32
        %dma_wait3A_101 = tpu.memref_slice %arg4[%dma_wait3A_100] : memref<10240xf32, #tpu.memory_space<hbm>> -> memref<80xf32, #tpu.memory_space<hbm>>
        %dma_wait3A_102 = arith.constant 0 : i32
        %dma_wait3A_103 = tpu.memref_slice %arg4[%dma_wait3A_102] : memref<10240xf32, #tpu.memory_space<hbm>> -> memref<80xf32, #tpu.memory_space<hbm>>
        tpu.wait_dma2 semaphore(%arg10 : memref<!tpu.dma_semaphore, #tpu.memory_space<semaphore_mem>>) src(%dma_wait3A_103 : memref<80xf32, #tpu.memory_space<hbm>>) dst(%arg7 : memref<80xf32, #tpu.memory_space<vmem>>)
      } else {
      }
      %dma_start3A = arith.constant 0 : i32
      %dma_start3A_96 = tpu.memref_slice %arg6[%scan3A_91, %dma_start3A] : memref<250x80xi32, #tpu.memory_space<vmem>> -> memref<1x80xi32, #tpu.memory_space<vmem>>
      %dma_start3A_97 = tpu.memref_squeeze %dma_start3A_96 : memref<1x80xi32, #tpu.memory_space<vmem>> -> memref<80xi32, #tpu.memory_space<vmem>>
      %dma_start3A_98 = arith.constant 0 : i32
      %dma_start3A_99 = tpu.memref_slice %arg9[%dma_start3A_98] : memref<10240xf32, #tpu.memory_space<vmem_shared>> -> memref<10240xf32, #tpu.memory_space<vmem_shared>>
      tpu.enqueue_indirect_dma source(%arg7 : memref<80xf32, #tpu.memory_space<vmem>>) target(%dma_start3A_99 : memref<10240xf32, #tpu.memory_space<vmem_shared>>) offsets(%dma_start3A_97 : memref<80xi32, #tpu.memory_space<vmem>>) semaphore(%arg10 : memref<!tpu.dma_semaphore, #tpu.memory_space<semaphore_mem>>) {add = true}
    }
    %scan3A_46 = arith.constant 250 : i32
    %dma_wait3A = arith.constant 0 : i32
    %dma_wait3A_47 = tpu.memref_slice %arg4[%dma_wait3A] : memref<10240xf32, #tpu.memory_space<hbm>> -> memref<80xf32, #tpu.memory_space<hbm>>
    %dma_wait3A_48 = arith.constant 0 : i32
    %dma_wait3A_49 = tpu.memref_slice %arg4[%dma_wait3A_48] : memref<10240xf32, #tpu.memory_space<hbm>> -> memref<80xf32, #tpu.memory_space<hbm>>
    tpu.wait_dma2 semaphore(%arg10 : memref<!tpu.dma_semaphore, #tpu.memory_space<semaphore_mem>>) src(%dma_wait3A_49 : memref<80xf32, #tpu.memory_space<hbm>>) dst(%arg7 : memref<80xf32, #tpu.memory_space<vmem>>)
    %dma_wait3A_50 = arith.constant 0 : i32
    %dma_wait3A_51 = tpu.memref_slice %arg4[%dma_wait3A_50] : memref<10240xf32, #tpu.memory_space<hbm>> -> memref<80xf32, #tpu.memory_space<hbm>>
    %dma_wait3A_52 = arith.constant 0 : i32
    %dma_wait3A_53 = tpu.memref_slice %arg4[%dma_wait3A_52] : memref<10240xf32, #tpu.memory_space<hbm>> -> memref<80xf32, #tpu.memory_space<hbm>>
    tpu.wait_dma2 semaphore(%arg10 : memref<!tpu.dma_semaphore, #tpu.memory_space<semaphore_mem>>) src(%dma_wait3A_53 : memref<80xf32, #tpu.memory_space<hbm>>) dst(%arg7 : memref<80xf32, #tpu.memory_space<vmem>>)
    %dma_wait3A_54 = arith.constant 0 : i32
    %dma_wait3A_55 = tpu.memref_slice %arg4[%dma_wait3A_54] : memref<10240xf32, #tpu.memory_space<hbm>> -> memref<80xf32, #tpu.memory_space<hbm>>
    %dma_wait3A_56 = arith.constant 0 : i32
    %dma_wait3A_57 = tpu.memref_slice %arg4[%dma_wait3A_56] : memref<10240xf32, #tpu.memory_space<hbm>> -> memref<80xf32, #tpu.memory_space<hbm>>
    tpu.wait_dma2 semaphore(%arg10 : memref<!tpu.dma_semaphore, #tpu.memory_space<semaphore_mem>>) src(%dma_wait3A_57 : memref<80xf32, #tpu.memory_space<hbm>>) dst(%arg7 : memref<80xf32, #tpu.memory_space<vmem>>)
    %dma_wait3A_58 = arith.constant 0 : i32
    %dma_wait3A_59 = tpu.memref_slice %arg4[%dma_wait3A_58] : memref<10240xf32, #tpu.memory_space<hbm>> -> memref<80xf32, #tpu.memory_space<hbm>>
    %dma_wait3A_60 = arith.constant 0 : i32
    %dma_wait3A_61 = tpu.memref_slice %arg4[%dma_wait3A_60] : memref<10240xf32, #tpu.memory_space<hbm>> -> memref<80xf32, #tpu.memory_space<hbm>>
    tpu.wait_dma2 semaphore(%arg10 : memref<!tpu.dma_semaphore, #tpu.memory_space<semaphore_mem>>) src(%dma_wait3A_61 : memref<80xf32, #tpu.memory_space<hbm>>) dst(%arg7 : memref<80xf32, #tpu.memory_space<vmem>>)
    %dma_wait3A_62 = arith.constant 0 : i32
    %dma_wait3A_63 = tpu.memref_slice %arg4[%dma_wait3A_62] : memref<10240xf32, #tpu.memory_space<hbm>> -> memref<80xf32, #tpu.memory_space<hbm>>
    %dma_wait3A_64 = arith.constant 0 : i32
    %dma_wait3A_65 = tpu.memref_slice %arg4[%dma_wait3A_64] : memref<10240xf32, #tpu.memory_space<hbm>> -> memref<80xf32, #tpu.memory_space<hbm>>
    tpu.wait_dma2 semaphore(%arg10 : memref<!tpu.dma_semaphore, #tpu.memory_space<semaphore_mem>>) src(%dma_wait3A_65 : memref<80xf32, #tpu.memory_space<hbm>>) dst(%arg7 : memref<80xf32, #tpu.memory_space<vmem>>)
    %dma_wait3A_66 = arith.constant 0 : i32
    %dma_wait3A_67 = tpu.memref_slice %arg4[%dma_wait3A_66] : memref<10240xf32, #tpu.memory_space<hbm>> -> memref<80xf32, #tpu.memory_space<hbm>>
    %dma_wait3A_68 = arith.constant 0 : i32
    %dma_wait3A_69 = tpu.memref_slice %arg4[%dma_wait3A_68] : memref<10240xf32, #tpu.memory_space<hbm>> -> memref<80xf32, #tpu.memory_space<hbm>>
    tpu.wait_dma2 semaphore(%arg10 : memref<!tpu.dma_semaphore, #tpu.memory_space<semaphore_mem>>) src(%dma_wait3A_69 : memref<80xf32, #tpu.memory_space<hbm>>) dst(%arg7 : memref<80xf32, #tpu.memory_space<vmem>>)
    %dma_wait3A_70 = arith.constant 0 : i32
    %dma_wait3A_71 = tpu.memref_slice %arg4[%dma_wait3A_70] : memref<10240xf32, #tpu.memory_space<hbm>> -> memref<80xf32, #tpu.memory_space<hbm>>
    %dma_wait3A_72 = arith.constant 0 : i32
    %dma_wait3A_73 = tpu.memref_slice %arg4[%dma_wait3A_72] : memref<10240xf32, #tpu.memory_space<hbm>> -> memref<80xf32, #tpu.memory_space<hbm>>
    tpu.wait_dma2 semaphore(%arg10 : memref<!tpu.dma_semaphore, #tpu.memory_space<semaphore_mem>>) src(%dma_wait3A_73 : memref<80xf32, #tpu.memory_space<hbm>>) dst(%arg7 : memref<80xf32, #tpu.memory_space<vmem>>)
    %dma_wait3A_74 = arith.constant 0 : i32
    %dma_wait3A_75 = tpu.memref_slice %arg4[%dma_wait3A_74] : memref<10240xf32, #tpu.memory_space<hbm>> -> memref<80xf32, #tpu.memory_space<hbm>>
    %dma_wait3A_76 = arith.constant 0 : i32
    %dma_wait3A_77 = tpu.memref_slice %arg4[%dma_wait3A_76] : memref<10240xf32, #tpu.memory_space<hbm>> -> memref<80xf32, #tpu.memory_space<hbm>>
    tpu.wait_dma2 semaphore(%arg10 : memref<!tpu.dma_semaphore, #tpu.memory_space<semaphore_mem>>) src(%dma_wait3A_77 : memref<80xf32, #tpu.memory_space<hbm>>) dst(%arg7 : memref<80xf32, #tpu.memory_space<vmem>>)
    %barrier3A_78 = arith.constant 0 : index
    tpu.barrier barrier_id(%barrier3A_78)
    %mul3A_79 = arith.constant 640 : i32
    %mul3A_80 = arith.muli %arg1, %mul3A_79 : i32
    "tpu.region"() ({
      %run_scoped3A = tpu.sem_alloc : memref<!tpu.dma_semaphore, #tpu.memory_space<semaphore_mem>>
      %dma_start3A = tpu.memref_slice %arg9[%mul3A_80] : memref<10240xf32, #tpu.memory_space<vmem_shared>> -> memref<640xf32, #tpu.memory_space<vmem_shared>>
      %dma_start3A_91 = tpu.memref_slice %arg9[%mul3A_80] : memref<10240xf32, #tpu.memory_space<vmem_shared>> -> memref<640xf32, #tpu.memory_space<vmem_shared>>
      tpu.enqueue_dma source(%dma_start3A_91 : memref<640xf32, #tpu.memory_space<vmem_shared>>) target(%arg8 : memref<640xf32, #tpu.memory_space<vmem>>) target_semaphore(%run_scoped3A : memref<!tpu.dma_semaphore, #tpu.memory_space<semaphore_mem>>)
      %dma_wait3A_92 = tpu.memref_slice %arg9[%mul3A_80] : memref<10240xf32, #tpu.memory_space<vmem_shared>> -> memref<640xf32, #tpu.memory_space<vmem_shared>>
      %dma_wait3A_93 = tpu.memref_slice %arg9[%mul3A_80] : memref<10240xf32, #tpu.memory_space<vmem_shared>> -> memref<640xf32, #tpu.memory_space<vmem_shared>>
      tpu.wait_dma2 semaphore(%run_scoped3A : memref<!tpu.dma_semaphore, #tpu.memory_space<semaphore_mem>>) src(%dma_wait3A_93 : memref<640xf32, #tpu.memory_space<vmem_shared>>) dst(%arg8 : memref<640xf32, #tpu.memory_space<vmem>>)
      tpu.yield
    }) : () -> ()
    %eq3A_81 = arith.constant 0 : i32
    %eq3A_82 = arith.cmpi eq, %arg0, %eq3A_81 : i32
    %convert_element_type3A_83 = arith.extui %eq3A_82 : i1 to i32
    %cond3A_84 = arith.constant 0 : i32
    %cond3A_85 = arith.cmpi ne, %convert_element_type3A_83, %cond3A_84 : i32
    scf.if %cond3A_85 {
      %mul3A_91 = arith.constant 640 : i32
      %mul3A_92 = arith.muli %arg1, %mul3A_91 : i32
      "tpu.region"() ({
        %run_scoped3A = tpu.sem_alloc : memref<!tpu.dma_semaphore, #tpu.memory_space<semaphore_mem>>
        %dma_start3A = tpu.memref_slice %arg4[%mul3A_92] : memref<10240xf32, #tpu.memory_space<hbm>> -> memref<640xf32, #tpu.memory_space<hbm>>
        %dma_start3A_93 = tpu.memref_slice %arg4[%mul3A_92] : memref<10240xf32, #tpu.memory_space<hbm>> -> memref<640xf32, #tpu.memory_space<hbm>>
        tpu.enqueue_dma source(%arg8 : memref<640xf32, #tpu.memory_space<vmem>>) target(%dma_start3A_93 : memref<640xf32, #tpu.memory_space<hbm>>) target_semaphore(%run_scoped3A : memref<!tpu.dma_semaphore, #tpu.memory_space<semaphore_mem>>)
        %dma_wait3A_94 = tpu.memref_slice %arg4[%mul3A_92] : memref<10240xf32, #tpu.memory_space<hbm>> -> memref<640xf32, #tpu.memory_space<hbm>>
        %dma_wait3A_95 = tpu.memref_slice %arg4[%mul3A_92] : memref<10240xf32, #tpu.memory_space<hbm>> -> memref<640xf32, #tpu.memory_space<hbm>>
        tpu.wait_dma2 semaphore(%run_scoped3A : memref<!tpu.dma_semaphore, #tpu.memory_space<semaphore_mem>>) src(%arg8 : memref<640xf32, #tpu.memory_space<vmem>>) dst(%dma_wait3A_95 : memref<640xf32, #tpu.memory_space<hbm>>)
        tpu.yield
      }) : () -> ()
    } else {
    }
    %eq3A_86 = arith.constant 1 : i32
    %eq3A_87 = arith.cmpi eq, %arg0, %eq3A_86 : i32
    %convert_element_type3A_88 = arith.extui %eq3A_87 : i1 to i32
    %cond3A_89 = arith.constant 0 : i32
    %cond3A_90 = arith.cmpi ne, %convert_element_type3A_88, %cond3A_89 : i32
    scf.if %cond3A_90 {
      %mul3A_91 = arith.constant 640 : i32
      %mul3A_92 = arith.muli %arg1, %mul3A_91 : i32
      "tpu.region"() ({
        %run_scoped3A = tpu.sem_alloc : memref<!tpu.dma_semaphore, #tpu.memory_space<semaphore_mem>>
        %dma_start3A = tpu.memref_slice %arg5[%mul3A_92] : memref<10240xf32, #tpu.memory_space<hbm>> -> memref<640xf32, #tpu.memory_space<hbm>>
        %dma_start3A_93 = tpu.memref_slice %arg5[%mul3A_92] : memref<10240xf32, #tpu.memory_space<hbm>> -> memref<640xf32, #tpu.memory_space<hbm>>
        tpu.enqueue_dma source(%arg8 : memref<640xf32, #tpu.memory_space<vmem>>) target(%dma_start3A_93 : memref<640xf32, #tpu.memory_space<hbm>>) target_semaphore(%run_scoped3A : memref<!tpu.dma_semaphore, #tpu.memory_space<semaphore_mem>>)
        %dma_wait3A_94 = tpu.memref_slice %arg5[%mul3A_92] : memref<10240xf32, #tpu.memory_space<hbm>> -> memref<640xf32, #tpu.memory_space<hbm>>
        %dma_wait3A_95 = tpu.memref_slice %arg5[%mul3A_92] : memref<10240xf32, #tpu.memory_space<hbm>> -> memref<640xf32, #tpu.memory_space<hbm>>
        tpu.wait_dma2 semaphore(%run_scoped3A : memref<!tpu.dma_semaphore, #tpu.memory_space<semaphore_mem>>) src(%arg8 : memref<640xf32, #tpu.memory_space<vmem>>) dst(%dma_wait3A_95 : memref<640xf32, #tpu.memory_space<hbm>>)
        tpu.yield
      }) : () -> ()
    } else {
    }
    return
  }
}

#map = affine_map<(d0, d1) -> (0, 0)>
#map1 = affine_map<(d0, d1) -> (0)>
#map2 = affine_map<(d0, d1) -> (0, 0, 0, 0)>
#map3 = affine_map<(d0, d1) -> (0, 0, 0)>
module attributes {stable_mosaic.version = 14 : i64} {
  func.func @body(%arg0: i32, %arg1: i32, %arg2: memref<20000x128xf32, #tpu.memory_space<hbm>>, %arg3: memref<320000xi32, #tpu.memory_space<hbm>>, %arg4: memref<16x5x50x80xi32, #tpu.memory_space<hbm>>, %arg5: memref<2x10000x128xf32, #tpu.memory_space<hbm>>, %arg6: memref<4000xi32, #tpu.memory_space<vmem>>, %arg7: memref<50x80xi32, #tpu.memory_space<vmem>>, %arg8: memref<80x128xf32, #tpu.memory_space<vmem>>, %arg9: memref<80x128xf32, #tpu.memory_space<vmem>>, %arg10: memref<!tpu.dma_semaphore, #tpu.memory_space<semaphore_mem>>, %arg11: memref<!tpu.dma_semaphore, #tpu.memory_space<semaphore_mem>>, %arg12: memref<!tpu.dma_semaphore, #tpu.memory_space<semaphore_mem>>, %arg13: memref<!tpu.dma_semaphore, #tpu.memory_space<semaphore_mem>>, %arg14: memref<10240x128xf32, #tpu.memory_space<vmem_shared>>) attributes {dimension_semantics = [#tpu.dimension_semantics<core_parallel>, #tpu.dimension_semantics<subcore_parallel>], iteration_bounds = array<i64: 2, 16>, scalar_prefetch = 0 : i64, scratch_operands = 9 : i64, tpu.core_type = #tpu.core_type<sc_vector_subcore>, window_params = [{transform_indices = #map}, {transform_indices = #map1}, {transform_indices = #map2}, {transform_indices = #map3}]} {
    %mul3A = arith.constant 10000 : i32
    %mul3A_0 = arith.muli %arg0, %mul3A : i32
    %scan3A = arith.constant 0 : i32
    %scan3A_1 = arith.constant 0 : i32
    %scan3A_2 = arith.constant 80 : i32
    %scan3A_3 = arith.addi %scan3A_1, %scan3A_2 : i32
    %scan3A_4 = arith.constant 1 : i32
    scf.for %scan3A_55 = %scan3A_1 to %scan3A_3 step %scan3A_4  : i32 {
      %broadcast_in_dim3A = arith.constant 0.000000e+00 : f32
      %broadcast_in_dim3A_56 = vector.broadcast %broadcast_in_dim3A : f32 to vector<16xf32>
      %swap3A = arith.index_cast %scan3A_55 : i32 to index
      %swap3A_57 = arith.constant 0 : index
      %swap3A_58 = tpu.vector_load %arg8[%swap3A, %swap3A_57] {strides = array<i32>} : memref<80x128xf32, #tpu.memory_space<vmem>>, vector<1x16xf32>,
      %swap3A_59 = vector.shape_cast %swap3A_58 : vector<1x16xf32> to vector<16xf32>
      %swap3A_60 = vector.shape_cast %broadcast_in_dim3A_56 : vector<16xf32> to vector<1x16xf32>
      tpu.vector_store %arg8[%swap3A, %swap3A_57], %swap3A_60 {strides = array<i32>} : memref<80x128xf32, #tpu.memory_space<vmem>>, vector<1x16xf32>,
      %broadcast_in_dim3A_61 = arith.constant 0.000000e+00 : f32
      %broadcast_in_dim3A_62 = vector.broadcast %broadcast_in_dim3A_61 : f32 to vector<16xf32>
      %swap3A_63 = arith.index_cast %scan3A_55 : i32 to index
      %swap3A_64 = arith.constant 16 : index
      %swap3A_65 = tpu.vector_load %arg8[%swap3A_63, %swap3A_64] {strides = array<i32>} : memref<80x128xf32, #tpu.memory_space<vmem>>, vector<1x16xf32>,
      %swap3A_66 = vector.shape_cast %swap3A_65 : vector<1x16xf32> to vector<16xf32>
      %swap3A_67 = vector.shape_cast %broadcast_in_dim3A_62 : vector<16xf32> to vector<1x16xf32>
      tpu.vector_store %arg8[%swap3A_63, %swap3A_64], %swap3A_67 {strides = array<i32>} : memref<80x128xf32, #tpu.memory_space<vmem>>, vector<1x16xf32>,
      %broadcast_in_dim3A_68 = arith.constant 0.000000e+00 : f32
      %broadcast_in_dim3A_69 = vector.broadcast %broadcast_in_dim3A_68 : f32 to vector<16xf32>
      %swap3A_70 = arith.index_cast %scan3A_55 : i32 to index
      %swap3A_71 = arith.constant 32 : index
      %swap3A_72 = tpu.vector_load %arg8[%swap3A_70, %swap3A_71] {strides = array<i32>} : memref<80x128xf32, #tpu.memory_space<vmem>>, vector<1x16xf32>,
      %swap3A_73 = vector.shape_cast %swap3A_72 : vector<1x16xf32> to vector<16xf32>
      %swap3A_74 = vector.shape_cast %broadcast_in_dim3A_69 : vector<16xf32> to vector<1x16xf32>
      tpu.vector_store %arg8[%swap3A_70, %swap3A_71], %swap3A_74 {strides = array<i32>} : memref<80x128xf32, #tpu.memory_space<vmem>>, vector<1x16xf32>,
      %broadcast_in_dim3A_75 = arith.constant 0.000000e+00 : f32
      %broadcast_in_dim3A_76 = vector.broadcast %broadcast_in_dim3A_75 : f32 to vector<16xf32>
      %swap3A_77 = arith.index_cast %scan3A_55 : i32 to index
      %swap3A_78 = arith.constant 48 : index
      %swap3A_79 = tpu.vector_load %arg8[%swap3A_77, %swap3A_78] {strides = array<i32>} : memref<80x128xf32, #tpu.memory_space<vmem>>, vector<1x16xf32>,
      %swap3A_80 = vector.shape_cast %swap3A_79 : vector<1x16xf32> to vector<16xf32>
      %swap3A_81 = vector.shape_cast %broadcast_in_dim3A_76 : vector<16xf32> to vector<1x16xf32>
      tpu.vector_store %arg8[%swap3A_77, %swap3A_78], %swap3A_81 {strides = array<i32>} : memref<80x128xf32, #tpu.memory_space<vmem>>, vector<1x16xf32>,
      %broadcast_in_dim3A_82 = arith.constant 0.000000e+00 : f32
      %broadcast_in_dim3A_83 = vector.broadcast %broadcast_in_dim3A_82 : f32 to vector<16xf32>
      %swap3A_84 = arith.index_cast %scan3A_55 : i32 to index
      %swap3A_85 = arith.constant 64 : index
      %swap3A_86 = tpu.vector_load %arg8[%swap3A_84, %swap3A_85] {strides = array<i32>} : memref<80x128xf32, #tpu.memory_space<vmem>>, vector<1x16xf32>,
      %swap3A_87 = vector.shape_cast %swap3A_86 : vector<1x16xf32> to vector<16xf32>
      %swap3A_88 = vector.shape_cast %broadcast_in_dim3A_83 : vector<16xf32> to vector<1x16xf32>
      tpu.vector_store %arg8[%swap3A_84, %swap3A_85], %swap3A_88 {strides = array<i32>} : memref<80x128xf32, #tpu.memory_space<vmem>>, vector<1x16xf32>,
      %broadcast_in_dim3A_89 = arith.constant 0.000000e+00 : f32
      %broadcast_in_dim3A_90 = vector.broadcast %broadcast_in_dim3A_89 : f32 to vector<16xf32>
      %swap3A_91 = arith.index_cast %scan3A_55 : i32 to index
      %swap3A_92 = arith.constant 80 : index
      %swap3A_93 = tpu.vector_load %arg8[%swap3A_91, %swap3A_92] {strides = array<i32>} : memref<80x128xf32, #tpu.memory_space<vmem>>, vector<1x16xf32>,
      %swap3A_94 = vector.shape_cast %swap3A_93 : vector<1x16xf32> to vector<16xf32>
      %swap3A_95 = vector.shape_cast %broadcast_in_dim3A_90 : vector<16xf32> to vector<1x16xf32>
      tpu.vector_store %arg8[%swap3A_91, %swap3A_92], %swap3A_95 {strides = array<i32>} : memref<80x128xf32, #tpu.memory_space<vmem>>, vector<1x16xf32>,
      %broadcast_in_dim3A_96 = arith.constant 0.000000e+00 : f32
      %broadcast_in_dim3A_97 = vector.broadcast %broadcast_in_dim3A_96 : f32 to vector<16xf32>
      %swap3A_98 = arith.index_cast %scan3A_55 : i32 to index
      %swap3A_99 = arith.constant 96 : index
      %swap3A_100 = tpu.vector_load %arg8[%swap3A_98, %swap3A_99] {strides = array<i32>} : memref<80x128xf32, #tpu.memory_space<vmem>>, vector<1x16xf32>,
      %swap3A_101 = vector.shape_cast %swap3A_100 : vector<1x16xf32> to vector<16xf32>
      %swap3A_102 = vector.shape_cast %broadcast_in_dim3A_97 : vector<16xf32> to vector<1x16xf32>
      tpu.vector_store %arg8[%swap3A_98, %swap3A_99], %swap3A_102 {strides = array<i32>} : memref<80x128xf32, #tpu.memory_space<vmem>>, vector<1x16xf32>,
      %broadcast_in_dim3A_103 = arith.constant 0.000000e+00 : f32
      %broadcast_in_dim3A_104 = vector.broadcast %broadcast_in_dim3A_103 : f32 to vector<16xf32>
      %swap3A_105 = arith.index_cast %scan3A_55 : i32 to index
      %swap3A_106 = arith.constant 112 : index
      %swap3A_107 = tpu.vector_load %arg8[%swap3A_105, %swap3A_106] {strides = array<i32>} : memref<80x128xf32, #tpu.memory_space<vmem>>, vector<1x16xf32>,
      %swap3A_108 = vector.shape_cast %swap3A_107 : vector<1x16xf32> to vector<16xf32>
      %swap3A_109 = vector.shape_cast %broadcast_in_dim3A_104 : vector<16xf32> to vector<1x16xf32>
      tpu.vector_store %arg8[%swap3A_105, %swap3A_106], %swap3A_109 {strides = array<i32>} : memref<80x128xf32, #tpu.memory_space<vmem>>, vector<1x16xf32>,
    }
    %scan3A_5 = arith.constant 80 : i32
    %mul3A_6 = arith.constant 640 : i32
    %mul3A_7 = arith.muli %arg1, %mul3A_6 : i32
    %add3A = arith.constant 0 : i32
    %add3A_8 = arith.addi %mul3A_7, %add3A : i32
    "tpu.region"() ({
      %run_scoped3A = tpu.sem_alloc : memref<!tpu.dma_semaphore, #tpu.memory_space<semaphore_mem>>
      %dma_start3A = arith.constant 0 : i32
      %dma_start3A_55 = tpu.memref_slice %arg14[%add3A_8, %dma_start3A] : memref<10240x128xf32, #tpu.memory_space<vmem_shared>> -> memref<80x128xf32, #tpu.memory_space<vmem_shared>>
      %dma_start3A_56 = arith.constant 0 : i32
      %dma_start3A_57 = tpu.memref_slice %arg14[%add3A_8, %dma_start3A_56] : memref<10240x128xf32, #tpu.memory_space<vmem_shared>> -> memref<80x128xf32, #tpu.memory_space<vmem_shared>>
      tpu.enqueue_dma source(%arg8 : memref<80x128xf32, #tpu.memory_space<vmem>>) target(%dma_start3A_57 : memref<80x128xf32, #tpu.memory_space<vmem_shared>>) target_semaphore(%run_scoped3A : memref<!tpu.dma_semaphore, #tpu.memory_space<semaphore_mem>>)
      %dma_wait3A = arith.constant 0 : i32
      %dma_wait3A_58 = tpu.memref_slice %arg14[%add3A_8, %dma_wait3A] : memref<10240x128xf32, #tpu.memory_space<vmem_shared>> -> memref<80x128xf32, #tpu.memory_space<vmem_shared>>
      %dma_wait3A_59 = arith.constant 0 : i32
      %dma_wait3A_60 = tpu.memref_slice %arg14[%add3A_8, %dma_wait3A_59] : memref<10240x128xf32, #tpu.memory_space<vmem_shared>> -> memref<80x128xf32, #tpu.memory_space<vmem_shared>>
      tpu.wait_dma2 semaphore(%run_scoped3A : memref<!tpu.dma_semaphore, #tpu.memory_space<semaphore_mem>>) src(%arg8 : memref<80x128xf32, #tpu.memory_space<vmem>>) dst(%dma_wait3A_60 : memref<80x128xf32, #tpu.memory_space<vmem_shared>>)
      tpu.yield
    }) : () -> ()
    %mul3A_9 = arith.constant 640 : i32
    %mul3A_10 = arith.muli %arg1, %mul3A_9 : i32
    %add3A_11 = arith.constant 80 : i32
    %add3A_12 = arith.addi %mul3A_10, %add3A_11 : i32
    "tpu.region"() ({
      %run_scoped3A = tpu.sem_alloc : memref<!tpu.dma_semaphore, #tpu.memory_space<semaphore_mem>>
      %dma_start3A = arith.constant 0 : i32
      %dma_start3A_55 = tpu.memref_slice %arg14[%add3A_12, %dma_start3A] : memref<10240x128xf32, #tpu.memory_space<vmem_shared>> -> memref<80x128xf32, #tpu.memory_space<vmem_shared>>
      %dma_start3A_56 = arith.constant 0 : i32
      %dma_start3A_57 = tpu.memref_slice %arg14[%add3A_12, %dma_start3A_56] : memref<10240x128xf32, #tpu.memory_space<vmem_shared>> -> memref<80x128xf32, #tpu.memory_space<vmem_shared>>
      tpu.enqueue_dma source(%arg8 : memref<80x128xf32, #tpu.memory_space<vmem>>) target(%dma_start3A_57 : memref<80x128xf32, #tpu.memory_space<vmem_shared>>) target_semaphore(%run_scoped3A : memref<!tpu.dma_semaphore, #tpu.memory_space<semaphore_mem>>)
      %dma_wait3A = arith.constant 0 : i32
      %dma_wait3A_58 = tpu.memref_slice %arg14[%add3A_12, %dma_wait3A] : memref<10240x128xf32, #tpu.memory_space<vmem_shared>> -> memref<80x128xf32, #tpu.memory_space<vmem_shared>>
      %dma_wait3A_59 = arith.constant 0 : i32
      %dma_wait3A_60 = tpu.memref_slice %arg14[%add3A_12, %dma_wait3A_59] : memref<10240x128xf32, #tpu.memory_space<vmem_shared>> -> memref<80x128xf32, #tpu.memory_space<vmem_shared>>
      tpu.wait_dma2 semaphore(%run_scoped3A : memref<!tpu.dma_semaphore, #tpu.memory_space<semaphore_mem>>) src(%arg8 : memref<80x128xf32, #tpu.memory_space<vmem>>) dst(%dma_wait3A_60 : memref<80x128xf32, #tpu.memory_space<vmem_shared>>)
      tpu.yield
    }) : () -> ()
    %mul3A_13 = arith.constant 640 : i32
    %mul3A_14 = arith.muli %arg1, %mul3A_13 : i32
    %add3A_15 = arith.constant 160 : i32
    %add3A_16 = arith.addi %mul3A_14, %add3A_15 : i32
    "tpu.region"() ({
      %run_scoped3A = tpu.sem_alloc : memref<!tpu.dma_semaphore, #tpu.memory_space<semaphore_mem>>
      %dma_start3A = arith.constant 0 : i32
      %dma_start3A_55 = tpu.memref_slice %arg14[%add3A_16, %dma_start3A] : memref<10240x128xf32, #tpu.memory_space<vmem_shared>> -> memref<80x128xf32, #tpu.memory_space<vmem_shared>>
      %dma_start3A_56 = arith.constant 0 : i32
      %dma_start3A_57 = tpu.memref_slice %arg14[%add3A_16, %dma_start3A_56] : memref<10240x128xf32, #tpu.memory_space<vmem_shared>> -> memref<80x128xf32, #tpu.memory_space<vmem_shared>>
      tpu.enqueue_dma source(%arg8 : memref<80x128xf32, #tpu.memory_space<vmem>>) target(%dma_start3A_57 : memref<80x128xf32, #tpu.memory_space<vmem_shared>>) target_semaphore(%run_scoped3A : memref<!tpu.dma_semaphore, #tpu.memory_space<semaphore_mem>>)
      %dma_wait3A = arith.constant 0 : i32
      %dma_wait3A_58 = tpu.memref_slice %arg14[%add3A_16, %dma_wait3A] : memref<10240x128xf32, #tpu.memory_space<vmem_shared>> -> memref<80x128xf32, #tpu.memory_space<vmem_shared>>
      %dma_wait3A_59 = arith.constant 0 : i32
      %dma_wait3A_60 = tpu.memref_slice %arg14[%add3A_16, %dma_wait3A_59] : memref<10240x128xf32, #tpu.memory_space<vmem_shared>> -> memref<80x128xf32, #tpu.memory_space<vmem_shared>>
      tpu.wait_dma2 semaphore(%run_scoped3A : memref<!tpu.dma_semaphore, #tpu.memory_space<semaphore_mem>>) src(%arg8 : memref<80x128xf32, #tpu.memory_space<vmem>>) dst(%dma_wait3A_60 : memref<80x128xf32, #tpu.memory_space<vmem_shared>>)
      tpu.yield
    }) : () -> ()
    %mul3A_17 = arith.constant 640 : i32
    %mul3A_18 = arith.muli %arg1, %mul3A_17 : i32
    %add3A_19 = arith.constant 240 : i32
    %add3A_20 = arith.addi %mul3A_18, %add3A_19 : i32
    "tpu.region"() ({
      %run_scoped3A = tpu.sem_alloc : memref<!tpu.dma_semaphore, #tpu.memory_space<semaphore_mem>>
      %dma_start3A = arith.constant 0 : i32
      %dma_start3A_55 = tpu.memref_slice %arg14[%add3A_20, %dma_start3A] : memref<10240x128xf32, #tpu.memory_space<vmem_shared>> -> memref<80x128xf32, #tpu.memory_space<vmem_shared>>
      %dma_start3A_56 = arith.constant 0 : i32
      %dma_start3A_57 = tpu.memref_slice %arg14[%add3A_20, %dma_start3A_56] : memref<10240x128xf32, #tpu.memory_space<vmem_shared>> -> memref<80x128xf32, #tpu.memory_space<vmem_shared>>
      tpu.enqueue_dma source(%arg8 : memref<80x128xf32, #tpu.memory_space<vmem>>) target(%dma_start3A_57 : memref<80x128xf32, #tpu.memory_space<vmem_shared>>) target_semaphore(%run_scoped3A : memref<!tpu.dma_semaphore, #tpu.memory_space<semaphore_mem>>)
      %dma_wait3A = arith.constant 0 : i32
      %dma_wait3A_58 = tpu.memref_slice %arg14[%add3A_20, %dma_wait3A] : memref<10240x128xf32, #tpu.memory_space<vmem_shared>> -> memref<80x128xf32, #tpu.memory_space<vmem_shared>>
      %dma_wait3A_59 = arith.constant 0 : i32
      %dma_wait3A_60 = tpu.memref_slice %arg14[%add3A_20, %dma_wait3A_59] : memref<10240x128xf32, #tpu.memory_space<vmem_shared>> -> memref<80x128xf32, #tpu.memory_space<vmem_shared>>
      tpu.wait_dma2 semaphore(%run_scoped3A : memref<!tpu.dma_semaphore, #tpu.memory_space<semaphore_mem>>) src(%arg8 : memref<80x128xf32, #tpu.memory_space<vmem>>) dst(%dma_wait3A_60 : memref<80x128xf32, #tpu.memory_space<vmem_shared>>)
      tpu.yield
    }) : () -> ()
    %mul3A_21 = arith.constant 640 : i32
    %mul3A_22 = arith.muli %arg1, %mul3A_21 : i32
    %add3A_23 = arith.constant 320 : i32
    %add3A_24 = arith.addi %mul3A_22, %add3A_23 : i32
    "tpu.region"() ({
      %run_scoped3A = tpu.sem_alloc : memref<!tpu.dma_semaphore, #tpu.memory_space<semaphore_mem>>
      %dma_start3A = arith.constant 0 : i32
      %dma_start3A_55 = tpu.memref_slice %arg14[%add3A_24, %dma_start3A] : memref<10240x128xf32, #tpu.memory_space<vmem_shared>> -> memref<80x128xf32, #tpu.memory_space<vmem_shared>>
      %dma_start3A_56 = arith.constant 0 : i32
      %dma_start3A_57 = tpu.memref_slice %arg14[%add3A_24, %dma_start3A_56] : memref<10240x128xf32, #tpu.memory_space<vmem_shared>> -> memref<80x128xf32, #tpu.memory_space<vmem_shared>>
      tpu.enqueue_dma source(%arg8 : memref<80x128xf32, #tpu.memory_space<vmem>>) target(%dma_start3A_57 : memref<80x128xf32, #tpu.memory_space<vmem_shared>>) target_semaphore(%run_scoped3A : memref<!tpu.dma_semaphore, #tpu.memory_space<semaphore_mem>>)
      %dma_wait3A = arith.constant 0 : i32
      %dma_wait3A_58 = tpu.memref_slice %arg14[%add3A_24, %dma_wait3A] : memref<10240x128xf32, #tpu.memory_space<vmem_shared>> -> memref<80x128xf32, #tpu.memory_space<vmem_shared>>
      %dma_wait3A_59 = arith.constant 0 : i32
      %dma_wait3A_60 = tpu.memref_slice %arg14[%add3A_24, %dma_wait3A_59] : memref<10240x128xf32, #tpu.memory_space<vmem_shared>> -> memref<80x128xf32, #tpu.memory_space<vmem_shared>>
      tpu.wait_dma2 semaphore(%run_scoped3A : memref<!tpu.dma_semaphore, #tpu.memory_space<semaphore_mem>>) src(%arg8 : memref<80x128xf32, #tpu.memory_space<vmem>>) dst(%dma_wait3A_60 : memref<80x128xf32, #tpu.memory_space<vmem_shared>>)
      tpu.yield
    }) : () -> ()
    %mul3A_25 = arith.constant 640 : i32
    %mul3A_26 = arith.muli %arg1, %mul3A_25 : i32
    %add3A_27 = arith.constant 400 : i32
    %add3A_28 = arith.addi %mul3A_26, %add3A_27 : i32
    "tpu.region"() ({
      %run_scoped3A = tpu.sem_alloc : memref<!tpu.dma_semaphore, #tpu.memory_space<semaphore_mem>>
      %dma_start3A = arith.constant 0 : i32
      %dma_start3A_55 = tpu.memref_slice %arg14[%add3A_28, %dma_start3A] : memref<10240x128xf32, #tpu.memory_space<vmem_shared>> -> memref<80x128xf32, #tpu.memory_space<vmem_shared>>
      %dma_start3A_56 = arith.constant 0 : i32
      %dma_start3A_57 = tpu.memref_slice %arg14[%add3A_28, %dma_start3A_56] : memref<10240x128xf32, #tpu.memory_space<vmem_shared>> -> memref<80x128xf32, #tpu.memory_space<vmem_shared>>
      tpu.enqueue_dma source(%arg8 : memref<80x128xf32, #tpu.memory_space<vmem>>) target(%dma_start3A_57 : memref<80x128xf32, #tpu.memory_space<vmem_shared>>) target_semaphore(%run_scoped3A : memref<!tpu.dma_semaphore, #tpu.memory_space<semaphore_mem>>)
      %dma_wait3A = arith.constant 0 : i32
      %dma_wait3A_58 = tpu.memref_slice %arg14[%add3A_28, %dma_wait3A] : memref<10240x128xf32, #tpu.memory_space<vmem_shared>> -> memref<80x128xf32, #tpu.memory_space<vmem_shared>>
      %dma_wait3A_59 = arith.constant 0 : i32
      %dma_wait3A_60 = tpu.memref_slice %arg14[%add3A_28, %dma_wait3A_59] : memref<10240x128xf32, #tpu.memory_space<vmem_shared>> -> memref<80x128xf32, #tpu.memory_space<vmem_shared>>
      tpu.wait_dma2 semaphore(%run_scoped3A : memref<!tpu.dma_semaphore, #tpu.memory_space<semaphore_mem>>) src(%arg8 : memref<80x128xf32, #tpu.memory_space<vmem>>) dst(%dma_wait3A_60 : memref<80x128xf32, #tpu.memory_space<vmem_shared>>)
      tpu.yield
    }) : () -> ()
    %mul3A_29 = arith.constant 640 : i32
    %mul3A_30 = arith.muli %arg1, %mul3A_29 : i32
    %add3A_31 = arith.constant 480 : i32
    %add3A_32 = arith.addi %mul3A_30, %add3A_31 : i32
    "tpu.region"() ({
      %run_scoped3A = tpu.sem_alloc : memref<!tpu.dma_semaphore, #tpu.memory_space<semaphore_mem>>
      %dma_start3A = arith.constant 0 : i32
      %dma_start3A_55 = tpu.memref_slice %arg14[%add3A_32, %dma_start3A] : memref<10240x128xf32, #tpu.memory_space<vmem_shared>> -> memref<80x128xf32, #tpu.memory_space<vmem_shared>>
      %dma_start3A_56 = arith.constant 0 : i32
      %dma_start3A_57 = tpu.memref_slice %arg14[%add3A_32, %dma_start3A_56] : memref<10240x128xf32, #tpu.memory_space<vmem_shared>> -> memref<80x128xf32, #tpu.memory_space<vmem_shared>>
      tpu.enqueue_dma source(%arg8 : memref<80x128xf32, #tpu.memory_space<vmem>>) target(%dma_start3A_57 : memref<80x128xf32, #tpu.memory_space<vmem_shared>>) target_semaphore(%run_scoped3A : memref<!tpu.dma_semaphore, #tpu.memory_space<semaphore_mem>>)
      %dma_wait3A = arith.constant 0 : i32
      %dma_wait3A_58 = tpu.memref_slice %arg14[%add3A_32, %dma_wait3A] : memref<10240x128xf32, #tpu.memory_space<vmem_shared>> -> memref<80x128xf32, #tpu.memory_space<vmem_shared>>
      %dma_wait3A_59 = arith.constant 0 : i32
      %dma_wait3A_60 = tpu.memref_slice %arg14[%add3A_32, %dma_wait3A_59] : memref<10240x128xf32, #tpu.memory_space<vmem_shared>> -> memref<80x128xf32, #tpu.memory_space<vmem_shared>>
      tpu.wait_dma2 semaphore(%run_scoped3A : memref<!tpu.dma_semaphore, #tpu.memory_space<semaphore_mem>>) src(%arg8 : memref<80x128xf32, #tpu.memory_space<vmem>>) dst(%dma_wait3A_60 : memref<80x128xf32, #tpu.memory_space<vmem_shared>>)
      tpu.yield
    }) : () -> ()
    %mul3A_33 = arith.constant 640 : i32
    %mul3A_34 = arith.muli %arg1, %mul3A_33 : i32
    %add3A_35 = arith.constant 560 : i32
    %add3A_36 = arith.addi %mul3A_34, %add3A_35 : i32
    "tpu.region"() ({
      %run_scoped3A = tpu.sem_alloc : memref<!tpu.dma_semaphore, #tpu.memory_space<semaphore_mem>>
      %dma_start3A = arith.constant 0 : i32
      %dma_start3A_55 = tpu.memref_slice %arg14[%add3A_36, %dma_start3A] : memref<10240x128xf32, #tpu.memory_space<vmem_shared>> -> memref<80x128xf32, #tpu.memory_space<vmem_shared>>
      %dma_start3A_56 = arith.constant 0 : i32
      %dma_start3A_57 = tpu.memref_slice %arg14[%add3A_36, %dma_start3A_56] : memref<10240x128xf32, #tpu.memory_space<vmem_shared>> -> memref<80x128xf32, #tpu.memory_space<vmem_shared>>
      tpu.enqueue_dma source(%arg8 : memref<80x128xf32, #tpu.memory_space<vmem>>) target(%dma_start3A_57 : memref<80x128xf32, #tpu.memory_space<vmem_shared>>) target_semaphore(%run_scoped3A : memref<!tpu.dma_semaphore, #tpu.memory_space<semaphore_mem>>)
      %dma_wait3A = arith.constant 0 : i32
      %dma_wait3A_58 = tpu.memref_slice %arg14[%add3A_36, %dma_wait3A] : memref<10240x128xf32, #tpu.memory_space<vmem_shared>> -> memref<80x128xf32, #tpu.memory_space<vmem_shared>>
      %dma_wait3A_59 = arith.constant 0 : i32
      %dma_wait3A_60 = tpu.memref_slice %arg14[%add3A_36, %dma_wait3A_59] : memref<10240x128xf32, #tpu.memory_space<vmem_shared>> -> memref<80x128xf32, #tpu.memory_space<vmem_shared>>
      tpu.wait_dma2 semaphore(%run_scoped3A : memref<!tpu.dma_semaphore, #tpu.memory_space<semaphore_mem>>) src(%arg8 : memref<80x128xf32, #tpu.memory_space<vmem>>) dst(%dma_wait3A_60 : memref<80x128xf32, #tpu.memory_space<vmem_shared>>)
      tpu.yield
    }) : () -> ()
    %barrier3A = arith.constant 0 : index
    tpu.barrier barrier_id(%barrier3A)
    %scan3A_37 = arith.constant 0 : i32
    %scan3A_38 = arith.constant 0 : i32
    %scan3A_39 = arith.constant 5 : i32
    %scan3A_40 = arith.addi %scan3A_38, %scan3A_39 : i32
    %scan3A_41 = arith.constant 1 : i32
    scf.for %scan3A_55 = %scan3A_38 to %scan3A_40 step %scan3A_41  : i32 {
      %mul3A_56 = arith.constant 20000 : i32
      %mul3A_57 = arith.muli %arg1, %mul3A_56 : i32
      %mul3A_58 = arith.constant 4000 : i32
      %mul3A_59 = arith.muli %scan3A_55, %mul3A_58 : i32
      %add3A_60 = arith.addi %mul3A_57, %mul3A_59 : i32
      "tpu.region"() ({
        %run_scoped3A = tpu.sem_alloc : memref<!tpu.dma_semaphore, #tpu.memory_space<semaphore_mem>>
        %dma_start3A_82 = tpu.memref_slice %arg3[%add3A_60] : memref<320000xi32, #tpu.memory_space<hbm>> -> memref<4000xi32, #tpu.memory_space<hbm>>
        %dma_start3A_83 = tpu.memref_slice %arg3[%add3A_60] : memref<320000xi32, #tpu.memory_space<hbm>> -> memref<4000xi32, #tpu.memory_space<hbm>>
        tpu.enqueue_dma source(%dma_start3A_83 : memref<4000xi32, #tpu.memory_space<hbm>>) target(%arg6 : memref<4000xi32, #tpu.memory_space<vmem>>) target_semaphore(%run_scoped3A : memref<!tpu.dma_semaphore, #tpu.memory_space<semaphore_mem>>)
        %dma_wait3A_84 = tpu.memref_slice %arg3[%add3A_60] : memref<320000xi32, #tpu.memory_space<hbm>> -> memref<4000xi32, #tpu.memory_space<hbm>>
        %dma_wait3A_85 = tpu.memref_slice %arg3[%add3A_60] : memref<320000xi32, #tpu.memory_space<hbm>> -> memref<4000xi32, #tpu.memory_space<hbm>>
        tpu.wait_dma2 semaphore(%run_scoped3A : memref<!tpu.dma_semaphore, #tpu.memory_space<semaphore_mem>>) src(%dma_wait3A_85 : memref<4000xi32, #tpu.memory_space<hbm>>) dst(%arg6 : memref<4000xi32, #tpu.memory_space<vmem>>)
        tpu.yield
      }) : () -> ()
      "tpu.region"() ({
        %run_scoped3A = tpu.sem_alloc : memref<!tpu.dma_semaphore, #tpu.memory_space<semaphore_mem>>
        %dma_start3A_82 = arith.constant 0 : i32
        %dma_start3A_83 = arith.constant 0 : i32
        %dma_start3A_84 = tpu.memref_slice %arg4[%arg1, %scan3A_55, %dma_start3A_82, %dma_start3A_83] : memref<16x5x50x80xi32, #tpu.memory_space<hbm>> -> memref<1x1x50x80xi32, #tpu.memory_space<hbm>>
        %dma_start3A_85 = tpu.memref_squeeze %dma_start3A_84 : memref<1x1x50x80xi32, #tpu.memory_space<hbm>> -> memref<50x80xi32, #tpu.memory_space<hbm>>
        %dma_start3A_86 = arith.constant 0 : i32
        %dma_start3A_87 = arith.constant 0 : i32
        %dma_start3A_88 = tpu.memref_slice %arg4[%arg1, %scan3A_55, %dma_start3A_86, %dma_start3A_87] : memref<16x5x50x80xi32, #tpu.memory_space<hbm>> -> memref<1x1x50x80xi32, #tpu.memory_space<hbm>>
        %dma_start3A_89 = tpu.memref_squeeze %dma_start3A_88 : memref<1x1x50x80xi32, #tpu.memory_space<hbm>> -> memref<50x80xi32, #tpu.memory_space<hbm>>
        tpu.enqueue_dma source(%dma_start3A_89 : memref<50x80xi32, #tpu.memory_space<hbm>>) target(%arg7 : memref<50x80xi32, #tpu.memory_space<vmem>>) target_semaphore(%run_scoped3A : memref<!tpu.dma_semaphore, #tpu.memory_space<semaphore_mem>>)
        %dma_wait3A_90 = arith.constant 0 : i32
        %dma_wait3A_91 = arith.constant 0 : i32
        %dma_wait3A_92 = tpu.memref_slice %arg4[%arg1, %scan3A_55, %dma_wait3A_90, %dma_wait3A_91] : memref<16x5x50x80xi32, #tpu.memory_space<hbm>> -> memref<1x1x50x80xi32, #tpu.memory_space<hbm>>
        %dma_wait3A_93 = tpu.memref_squeeze %dma_wait3A_92 : memref<1x1x50x80xi32, #tpu.memory_space<hbm>> -> memref<50x80xi32, #tpu.memory_space<hbm>>
        %dma_wait3A_94 = arith.constant 0 : i32
        %dma_wait3A_95 = arith.constant 0 : i32
        %dma_wait3A_96 = tpu.memref_slice %arg4[%arg1, %scan3A_55, %dma_wait3A_94, %dma_wait3A_95] : memref<16x5x50x80xi32, #tpu.memory_space<hbm>> -> memref<1x1x50x80xi32, #tpu.memory_space<hbm>>
        %dma_wait3A_97 = tpu.memref_squeeze %dma_wait3A_96 : memref<1x1x50x80xi32, #tpu.memory_space<hbm>> -> memref<50x80xi32, #tpu.memory_space<hbm>>
        tpu.wait_dma2 semaphore(%run_scoped3A : memref<!tpu.dma_semaphore, #tpu.memory_space<semaphore_mem>>) src(%dma_wait3A_97 : memref<50x80xi32, #tpu.memory_space<hbm>>) dst(%arg7 : memref<50x80xi32, #tpu.memory_space<vmem>>)
        tpu.yield
      }) : () -> ()
      %scan3A_61 = arith.constant 0 : i32
      %scan3A_62 = arith.constant 0 : i32
      %scan3A_63 = arith.constant 250 : i32
      %scan3A_64 = arith.addi %scan3A_62, %scan3A_63 : i32
      %scan3A_65 = arith.constant 1 : i32
      scf.for %scan3A_82 = %scan3A_62 to %scan3A_64 step %scan3A_65  : i32 {
        %mul3A_83 = arith.constant 16 : i32
        %mul3A_84 = arith.muli %scan3A_82, %mul3A_83 : i32
        %get3A = arith.index_cast %mul3A_84 : i32 to index
        %get3A_85 = tpu.vector_load %arg6[%get3A] {strides = array<i32>} : memref<4000xi32, #tpu.memory_space<vmem>>, vector<16xi32>,
        %get3A_86 = vector.shape_cast %get3A_85 : vector<16xi32> to vector<16xi32>
        %add3A_87 = vector.broadcast %mul3A_0 : i32 to vector<16xi32>
        %add3A_88 = arith.addi %get3A_86, %add3A_87 : vector<16xi32>
        %swap3A = arith.index_cast %mul3A_84 : i32 to index
        %swap3A_89 = tpu.vector_load %arg6[%swap3A] {strides = array<i32>} : memref<4000xi32, #tpu.memory_space<vmem>>, vector<16xi32>,
        %swap3A_90 = vector.shape_cast %swap3A_89 : vector<16xi32> to vector<16xi32>
        %swap3A_91 = vector.shape_cast %add3A_88 : vector<16xi32> to vector<16xi32>
        tpu.vector_store %arg6[%swap3A], %swap3A_91 {strides = array<i32>} : memref<4000xi32, #tpu.memory_space<vmem>>, vector<16xi32>,
      }
      %scan3A_66 = arith.constant 250 : i32
      %dma_start3A = arith.constant 0 : i32
      %dma_start3A_67 = tpu.memref_slice %arg6[%dma_start3A] : memref<4000xi32, #tpu.memory_space<vmem>> -> memref<80xi32, #tpu.memory_space<vmem>>
      %dma_start3A_68 = arith.constant 0 : i32
      %dma_start3A_69 = arith.constant 0 : i32
      %dma_start3A_70 = tpu.memref_slice %arg2[%dma_start3A_68, %dma_start3A_69] : memref<20000x128xf32, #tpu.memory_space<hbm>> -> memref<20000x128xf32, #tpu.memory_space<hbm>>
      tpu.enqueue_indirect_dma source(%dma_start3A_70 : memref<20000x128xf32, #tpu.memory_space<hbm>>) target(%arg8 : memref<80x128xf32, #tpu.memory_space<vmem>>) offsets(%dma_start3A_67 : memref<80xi32, #tpu.memory_space<vmem>>) semaphore(%arg10 : memref<!tpu.dma_semaphore, #tpu.memory_space<semaphore_mem>>)
      %scan3A_71 = arith.constant 0 : i32
      %scan3A_72 = arith.constant 0 : i32
      %scan3A_73 = arith.constant 25 : i32
      %scan3A_74 = arith.addi %scan3A_72, %scan3A_73 : i32
      %scan3A_75 = arith.constant 1 : i32
      scf.for %scan3A_82 = %scan3A_72 to %scan3A_74 step %scan3A_75  : i32 {
        %mul3A_83 = arith.constant 2 : i32
        %mul3A_84 = arith.muli %scan3A_82, %mul3A_83 : i32
        %add3A_85 = arith.constant 0 : i32
        %add3A_86 = arith.addi %mul3A_84, %add3A_85 : i32
        %mul3A_87 = arith.constant 80 : i32
        %mul3A_88 = arith.muli %add3A_86, %mul3A_87 : i32
        %dma_wait3A_89 = tpu.memref_slice %arg6[%mul3A_88] : memref<4000xi32, #tpu.memory_space<vmem>> -> memref<80xi32, #tpu.memory_space<vmem>>
        %dma_wait3A_90 = arith.constant 0 : i32
        %dma_wait3A_91 = arith.constant 0 : i32
        %dma_wait3A_92 = tpu.memref_slice %arg2[%dma_wait3A_90, %dma_wait3A_91] : memref<20000x128xf32, #tpu.memory_space<hbm>> -> memref<20000x128xf32, #tpu.memory_space<hbm>>
        tpu.wait_indirect_dma semaphore(%arg10 : memref<!tpu.dma_semaphore, #tpu.memory_space<semaphore_mem>>) src(%dma_wait3A_92 : memref<20000x128xf32, #tpu.memory_space<hbm>>) dst(%arg8 : memref<80x128xf32, #tpu.memory_space<vmem>>)
        %ge3A = arith.constant 1 : i32
        %ge3A_93 = arith.cmpi sge, %add3A_86, %ge3A : i32
        %convert_element_type3A = arith.extui %ge3A_93 : i1 to i32
        %cond3A = arith.constant 0 : i32
        %cond3A_94 = arith.cmpi ne, %convert_element_type3A, %cond3A : i32
        scf.if %cond3A_94 {
          %dma_wait3A_135 = arith.constant 0 : i32
          %dma_wait3A_136 = arith.constant 0 : i32
          %dma_wait3A_137 = tpu.memref_slice %arg2[%dma_wait3A_135, %dma_wait3A_136] : memref<20000x128xf32, #tpu.memory_space<hbm>> -> memref<80x128xf32, #tpu.memory_space<hbm>>
          %dma_wait3A_138 = arith.constant 0 : i32
          %dma_wait3A_139 = arith.constant 0 : i32
          %dma_wait3A_140 = tpu.memref_slice %arg2[%dma_wait3A_138, %dma_wait3A_139] : memref<20000x128xf32, #tpu.memory_space<hbm>> -> memref<80x128xf32, #tpu.memory_space<hbm>>
          tpu.wait_dma2 semaphore(%arg13 : memref<!tpu.dma_semaphore, #tpu.memory_space<semaphore_mem>>) src(%dma_wait3A_140 : memref<80x128xf32, #tpu.memory_space<hbm>>) dst(%arg9 : memref<80x128xf32, #tpu.memory_space<vmem>>)
        } else {
        }
        %add3A_95 = arith.constant 1 : i32
        %add3A_96 = arith.addi %add3A_86, %add3A_95 : i32
        %lt3A = arith.constant 50 : i32
        %lt3A_97 = arith.cmpi slt, %add3A_96, %lt3A : i32
        %convert_element_type3A_98 = arith.extui %lt3A_97 : i1 to i32
        %cond3A_99 = arith.constant 0 : i32
        %cond3A_100 = arith.cmpi ne, %convert_element_type3A_98, %cond3A_99 : i32
        scf.if %cond3A_100 {
          %add3A_135 = arith.constant 1 : i32
          %add3A_136 = arith.addi %add3A_86, %add3A_135 : i32
          %mul3A_137 = arith.constant 80 : i32
          %mul3A_138 = arith.muli %add3A_136, %mul3A_137 : i32
          %dma_start3A_139 = tpu.memref_slice %arg6[%mul3A_138] : memref<4000xi32, #tpu.memory_space<vmem>> -> memref<80xi32, #tpu.memory_space<vmem>>
          %dma_start3A_140 = arith.constant 0 : i32
          %dma_start3A_141 = arith.constant 0 : i32
          %dma_start3A_142 = tpu.memref_slice %arg2[%dma_start3A_140, %dma_start3A_141] : memref<20000x128xf32, #tpu.memory_space<hbm>> -> memref<20000x128xf32, #tpu.memory_space<hbm>>
          tpu.enqueue_indirect_dma source(%dma_start3A_142 : memref<20000x128xf32, #tpu.memory_space<hbm>>) target(%arg9 : memref<80x128xf32, #tpu.memory_space<vmem>>) offsets(%dma_start3A_139 : memref<80xi32, #tpu.memory_space<vmem>>) semaphore(%arg11 : memref<!tpu.dma_semaphore, #tpu.memory_space<semaphore_mem>>)
        } else {
        }
        %dma_start3A_101 = arith.constant 0 : i32
        %dma_start3A_102 = tpu.memref_slice %arg7[%add3A_86, %dma_start3A_101] : memref<50x80xi32, #tpu.memory_space<vmem>> -> memref<1x80xi32, #tpu.memory_space<vmem>>
        %dma_start3A_103 = tpu.memref_squeeze %dma_start3A_102 : memref<1x80xi32, #tpu.memory_space<vmem>> -> memref<80xi32, #tpu.memory_space<vmem>>
        %dma_start3A_104 = arith.constant 0 : i32
        %dma_start3A_105 = arith.constant 0 : i32
        %dma_start3A_106 = tpu.memref_slice %arg14[%dma_start3A_104, %dma_start3A_105] : memref<10240x128xf32, #tpu.memory_space<vmem_shared>> -> memref<10240x128xf32, #tpu.memory_space<vmem_shared>>
        tpu.enqueue_indirect_dma source(%arg8 : memref<80x128xf32, #tpu.memory_space<vmem>>) target(%dma_start3A_106 : memref<10240x128xf32, #tpu.memory_space<vmem_shared>>) offsets(%dma_start3A_103 : memref<80xi32, #tpu.memory_space<vmem>>) semaphore(%arg12 : memref<!tpu.dma_semaphore, #tpu.memory_space<semaphore_mem>>) {add = true}
        %mul3A_107 = arith.constant 2 : i32
        %mul3A_108 = arith.muli %scan3A_82, %mul3A_107 : i32
        %add3A_109 = arith.constant 1 : i32
        %add3A_110 = arith.addi %mul3A_108, %add3A_109 : i32
        %mul3A_111 = arith.constant 80 : i32
        %mul3A_112 = arith.muli %add3A_110, %mul3A_111 : i32
        %dma_wait3A_113 = tpu.memref_slice %arg6[%mul3A_112] : memref<4000xi32, #tpu.memory_space<vmem>> -> memref<80xi32, #tpu.memory_space<vmem>>
        %dma_wait3A_114 = arith.constant 0 : i32
        %dma_wait3A_115 = arith.constant 0 : i32
        %dma_wait3A_116 = tpu.memref_slice %arg2[%dma_wait3A_114, %dma_wait3A_115] : memref<20000x128xf32, #tpu.memory_space<hbm>> -> memref<20000x128xf32, #tpu.memory_space<hbm>>
        tpu.wait_indirect_dma semaphore(%arg11 : memref<!tpu.dma_semaphore, #tpu.memory_space<semaphore_mem>>) src(%dma_wait3A_116 : memref<20000x128xf32, #tpu.memory_space<hbm>>) dst(%arg9 : memref<80x128xf32, #tpu.memory_space<vmem>>)
        %ge3A_117 = arith.constant 1 : i32
        %ge3A_118 = arith.cmpi sge, %add3A_110, %ge3A_117 : i32
        %convert_element_type3A_119 = arith.extui %ge3A_118 : i1 to i32
        %cond3A_120 = arith.constant 0 : i32
        %cond3A_121 = arith.cmpi ne, %convert_element_type3A_119, %cond3A_120 : i32
        scf.if %cond3A_121 {
          %dma_wait3A_135 = arith.constant 0 : i32
          %dma_wait3A_136 = arith.constant 0 : i32
          %dma_wait3A_137 = tpu.memref_slice %arg2[%dma_wait3A_135, %dma_wait3A_136] : memref<20000x128xf32, #tpu.memory_space<hbm>> -> memref<80x128xf32, #tpu.memory_space<hbm>>
          %dma_wait3A_138 = arith.constant 0 : i32
          %dma_wait3A_139 = arith.constant 0 : i32
          %dma_wait3A_140 = tpu.memref_slice %arg2[%dma_wait3A_138, %dma_wait3A_139] : memref<20000x128xf32, #tpu.memory_space<hbm>> -> memref<80x128xf32, #tpu.memory_space<hbm>>
          tpu.wait_dma2 semaphore(%arg12 : memref<!tpu.dma_semaphore, #tpu.memory_space<semaphore_mem>>) src(%dma_wait3A_140 : memref<80x128xf32, #tpu.memory_space<hbm>>) dst(%arg8 : memref<80x128xf32, #tpu.memory_space<vmem>>)
        } else {
        }
        %add3A_122 = arith.constant 1 : i32
        %add3A_123 = arith.addi %add3A_110, %add3A_122 : i32
        %lt3A_124 = arith.constant 50 : i32
        %lt3A_125 = arith.cmpi slt, %add3A_123, %lt3A_124 : i32
        %convert_element_type3A_126 = arith.extui %lt3A_125 : i1 to i32
        %cond3A_127 = arith.constant 0 : i32
        %cond3A_128 = arith.cmpi ne, %convert_element_type3A_126, %cond3A_127 : i32
        scf.if %cond3A_128 {
          %add3A_135 = arith.constant 1 : i32
          %add3A_136 = arith.addi %add3A_110, %add3A_135 : i32
          %mul3A_137 = arith.constant 80 : i32
          %mul3A_138 = arith.muli %add3A_136, %mul3A_137 : i32
          %dma_start3A_139 = tpu.memref_slice %arg6[%mul3A_138] : memref<4000xi32, #tpu.memory_space<vmem>> -> memref<80xi32, #tpu.memory_space<vmem>>
          %dma_start3A_140 = arith.constant 0 : i32
          %dma_start3A_141 = arith.constant 0 : i32
          %dma_start3A_142 = tpu.memref_slice %arg2[%dma_start3A_140, %dma_start3A_141] : memref<20000x128xf32, #tpu.memory_space<hbm>> -> memref<20000x128xf32, #tpu.memory_space<hbm>>
          tpu.enqueue_indirect_dma source(%dma_start3A_142 : memref<20000x128xf32, #tpu.memory_space<hbm>>) target(%arg8 : memref<80x128xf32, #tpu.memory_space<vmem>>) offsets(%dma_start3A_139 : memref<80xi32, #tpu.memory_space<vmem>>) semaphore(%arg10 : memref<!tpu.dma_semaphore, #tpu.memory_space<semaphore_mem>>)
        } else {
        }
        %dma_start3A_129 = arith.constant 0 : i32
        %dma_start3A_130 = tpu.memref_slice %arg7[%add3A_110, %dma_start3A_129] : memref<50x80xi32, #tpu.memory_space<vmem>> -> memref<1x80xi32, #tpu.memory_space<vmem>>
        %dma_start3A_131 = tpu.memref_squeeze %dma_start3A_130 : memref<1x80xi32, #tpu.memory_space<vmem>> -> memref<80xi32, #tpu.memory_space<vmem>>
        %dma_start3A_132 = arith.constant 0 : i32
        %dma_start3A_133 = arith.constant 0 : i32
        %dma_start3A_134 = tpu.memref_slice %arg14[%dma_start3A_132, %dma_start3A_133] : memref<10240x128xf32, #tpu.memory_space<vmem_shared>> -> memref<10240x128xf32, #tpu.memory_space<vmem_shared>>
        tpu.enqueue_indirect_dma source(%arg9 : memref<80x128xf32, #tpu.memory_space<vmem>>) target(%dma_start3A_134 : memref<10240x128xf32, #tpu.memory_space<vmem_shared>>) offsets(%dma_start3A_131 : memref<80xi32, #tpu.memory_space<vmem>>) semaphore(%arg13 : memref<!tpu.dma_semaphore, #tpu.memory_space<semaphore_mem>>) {add = true}
      }
      %scan3A_76 = arith.constant 25 : i32
      %dma_wait3A = arith.constant 0 : i32
      %dma_wait3A_77 = arith.constant 0 : i32
      %dma_wait3A_78 = tpu.memref_slice %arg2[%dma_wait3A, %dma_wait3A_77] : memref<20000x128xf32, #tpu.memory_space<hbm>> -> memref<80x128xf32, #tpu.memory_space<hbm>>
      %dma_wait3A_79 = arith.constant 0 : i32
      %dma_wait3A_80 = arith.constant 0 : i32
      %dma_wait3A_81 = tpu.memref_slice %arg2[%dma_wait3A_79, %dma_wait3A_80] : memref<20000x128xf32, #tpu.memory_space<hbm>> -> memref<80x128xf32, #tpu.memory_space<hbm>>
      tpu.wait_dma2 semaphore(%arg13 : memref<!tpu.dma_semaphore, #tpu.memory_space<semaphore_mem>>) src(%dma_wait3A_81 : memref<80x128xf32, #tpu.memory_space<hbm>>) dst(%arg9 : memref<80x128xf32, #tpu.memory_space<vmem>>)
    }
    %scan3A_42 = arith.constant 5 : i32
    %barrier3A_43 = arith.constant 0 : index
    tpu.barrier barrier_id(%barrier3A_43)
    %eq3A = arith.constant 15 : i32
    %eq3A_44 = arith.cmpi eq, %arg1, %eq3A : i32
    %jit3A = arith.constant 5 : i32
    %jit3A_45 = arith.constant 8 : i32
    %select_n3A = arith.select %eq3A_44, %jit3A, %jit3A_45 : i32
    %while3A = arith.constant 0 : i32
    %while3A_46 = arith.constant 0 : i32
    %while3A_47 = arith.subi %select_n3A, %while3A_46 : i32
    %while3A_48 = arith.addi %while3A_46, %while3A_47 : i32
    %while3A_49 = arith.constant 1 : i32
    %while3A_50 = arith.divsi %while3A_47, %while3A_49 : i32
    %while3A_51 = arith.muli %while3A_50, %while3A_49 : i32
    %while3A_52 = arith.addi %while3A_46, %while3A_51 : i32
    %while3A_53 = arith.constant 1 : i32
    scf.for %while3A_55 = %while3A_46 to %while3A_52 step %while3A_53  : i32 {
      %mul3A_56 = arith.constant 640 : i32
      %mul3A_57 = arith.muli %arg1, %mul3A_56 : i32
      %mul3A_58 = arith.constant 80 : i32
      %mul3A_59 = arith.muli %while3A_55, %mul3A_58 : i32
      %add3A_60 = arith.addi %mul3A_57, %mul3A_59 : i32
      "tpu.region"() ({
        %run_scoped3A = tpu.sem_alloc : memref<!tpu.dma_semaphore, #tpu.memory_space<semaphore_mem>>
        %dma_start3A = arith.constant 0 : i32
        %dma_start3A_61 = tpu.memref_slice %arg14[%add3A_60, %dma_start3A] : memref<10240x128xf32, #tpu.memory_space<vmem_shared>> -> memref<80x128xf32, #tpu.memory_space<vmem_shared>>
        %dma_start3A_62 = arith.constant 0 : i32
        %dma_start3A_63 = tpu.memref_slice %arg14[%add3A_60, %dma_start3A_62] : memref<10240x128xf32, #tpu.memory_space<vmem_shared>> -> memref<80x128xf32, #tpu.memory_space<vmem_shared>>
        tpu.enqueue_dma source(%dma_start3A_63 : memref<80x128xf32, #tpu.memory_space<vmem_shared>>) target(%arg8 : memref<80x128xf32, #tpu.memory_space<vmem>>) target_semaphore(%run_scoped3A : memref<!tpu.dma_semaphore, #tpu.memory_space<semaphore_mem>>)
        %dma_wait3A = arith.constant 0 : i32
        %dma_wait3A_64 = tpu.memref_slice %arg14[%add3A_60, %dma_wait3A] : memref<10240x128xf32, #tpu.memory_space<vmem_shared>> -> memref<80x128xf32, #tpu.memory_space<vmem_shared>>
        %dma_wait3A_65 = arith.constant 0 : i32
        %dma_wait3A_66 = tpu.memref_slice %arg14[%add3A_60, %dma_wait3A_65] : memref<10240x128xf32, #tpu.memory_space<vmem_shared>> -> memref<80x128xf32, #tpu.memory_space<vmem_shared>>
        tpu.wait_dma2 semaphore(%run_scoped3A : memref<!tpu.dma_semaphore, #tpu.memory_space<semaphore_mem>>) src(%dma_wait3A_66 : memref<80x128xf32, #tpu.memory_space<vmem_shared>>) dst(%arg8 : memref<80x128xf32, #tpu.memory_space<vmem>>)
        tpu.yield
      }) : () -> ()
      "tpu.region"() ({
        %run_scoped3A = tpu.sem_alloc : memref<!tpu.dma_semaphore, #tpu.memory_space<semaphore_mem>>
        %dma_start3A = arith.constant 0 : i32
        %dma_start3A_61 = tpu.memref_slice %arg5[%arg0, %add3A_60, %dma_start3A] : memref<2x10000x128xf32, #tpu.memory_space<hbm>> -> memref<1x80x128xf32, #tpu.memory_space<hbm>>
        %dma_start3A_62 = tpu.memref_squeeze %dma_start3A_61 : memref<1x80x128xf32, #tpu.memory_space<hbm>> -> memref<80x128xf32, #tpu.memory_space<hbm>>
        %dma_start3A_63 = arith.constant 0 : i32
        %dma_start3A_64 = tpu.memref_slice %arg5[%arg0, %add3A_60, %dma_start3A_63] : memref<2x10000x128xf32, #tpu.memory_space<hbm>> -> memref<1x80x128xf32, #tpu.memory_space<hbm>>
        %dma_start3A_65 = tpu.memref_squeeze %dma_start3A_64 : memref<1x80x128xf32, #tpu.memory_space<hbm>> -> memref<80x128xf32, #tpu.memory_space<hbm>>
        tpu.enqueue_dma source(%arg8 : memref<80x128xf32, #tpu.memory_space<vmem>>) target(%dma_start3A_65 : memref<80x128xf32, #tpu.memory_space<hbm>>) target_semaphore(%run_scoped3A : memref<!tpu.dma_semaphore, #tpu.memory_space<semaphore_mem>>)
        %dma_wait3A = arith.constant 0 : i32
        %dma_wait3A_66 = tpu.memref_slice %arg5[%arg0, %add3A_60, %dma_wait3A] : memref<2x10000x128xf32, #tpu.memory_space<hbm>> -> memref<1x80x128xf32, #tpu.memory_space<hbm>>
        %dma_wait3A_67 = tpu.memref_squeeze %dma_wait3A_66 : memref<1x80x128xf32, #tpu.memory_space<hbm>> -> memref<80x128xf32, #tpu.memory_space<hbm>>
        %dma_wait3A_68 = arith.constant 0 : i32
        %dma_wait3A_69 = tpu.memref_slice %arg5[%arg0, %add3A_60, %dma_wait3A_68] : memref<2x10000x128xf32, #tpu.memory_space<hbm>> -> memref<1x80x128xf32, #tpu.memory_space<hbm>>
        %dma_wait3A_70 = tpu.memref_squeeze %dma_wait3A_69 : memref<1x80x128xf32, #tpu.memory_space<hbm>> -> memref<80x128xf32, #tpu.memory_space<hbm>>
        tpu.wait_dma2 semaphore(%run_scoped3A : memref<!tpu.dma_semaphore, #tpu.memory_space<semaphore_mem>>) src(%arg8 : memref<80x128xf32, #tpu.memory_space<vmem>>) dst(%dma_wait3A_70 : memref<80x128xf32, #tpu.memory_space<hbm>>)
        tpu.yield
      }) : () -> ()
    }
    %while3A_54 = arith.constant 1 : i32
    scf.for %while3A_55 = %while3A_52 to %while3A_48 step %while3A_54  : i32 {
      %mul3A_56 = arith.constant 640 : i32
      %mul3A_57 = arith.muli %arg1, %mul3A_56 : i32
      %mul3A_58 = arith.constant 80 : i32
      %mul3A_59 = arith.muli %while3A_55, %mul3A_58 : i32
      %add3A_60 = arith.addi %mul3A_57, %mul3A_59 : i32
      "tpu.region"() ({
        %run_scoped3A = tpu.sem_alloc : memref<!tpu.dma_semaphore, #tpu.memory_space<semaphore_mem>>
        %dma_start3A = arith.constant 0 : i32
        %dma_start3A_61 = tpu.memref_slice %arg14[%add3A_60, %dma_start3A] : memref<10240x128xf32, #tpu.memory_space<vmem_shared>> -> memref<80x128xf32, #tpu.memory_space<vmem_shared>>
        %dma_start3A_62 = arith.constant 0 : i32
        %dma_start3A_63 = tpu.memref_slice %arg14[%add3A_60, %dma_start3A_62] : memref<10240x128xf32, #tpu.memory_space<vmem_shared>> -> memref<80x128xf32, #tpu.memory_space<vmem_shared>>
        tpu.enqueue_dma source(%dma_start3A_63 : memref<80x128xf32, #tpu.memory_space<vmem_shared>>) target(%arg8 : memref<80x128xf32, #tpu.memory_space<vmem>>) target_semaphore(%run_scoped3A : memref<!tpu.dma_semaphore, #tpu.memory_space<semaphore_mem>>)
        %dma_wait3A = arith.constant 0 : i32
        %dma_wait3A_64 = tpu.memref_slice %arg14[%add3A_60, %dma_wait3A] : memref<10240x128xf32, #tpu.memory_space<vmem_shared>> -> memref<80x128xf32, #tpu.memory_space<vmem_shared>>
        %dma_wait3A_65 = arith.constant 0 : i32
        %dma_wait3A_66 = tpu.memref_slice %arg14[%add3A_60, %dma_wait3A_65] : memref<10240x128xf32, #tpu.memory_space<vmem_shared>> -> memref<80x128xf32, #tpu.memory_space<vmem_shared>>
        tpu.wait_dma2 semaphore(%run_scoped3A : memref<!tpu.dma_semaphore, #tpu.memory_space<semaphore_mem>>) src(%dma_wait3A_66 : memref<80x128xf32, #tpu.memory_space<vmem_shared>>) dst(%arg8 : memref<80x128xf32, #tpu.memory_space<vmem>>)
        tpu.yield
      }) : () -> ()
      "tpu.region"() ({
        %run_scoped3A = tpu.sem_alloc : memref<!tpu.dma_semaphore, #tpu.memory_space<semaphore_mem>>
        %dma_start3A = arith.constant 0 : i32
        %dma_start3A_61 = tpu.memref_slice %arg5[%arg0, %add3A_60, %dma_start3A] : memref<2x10000x128xf32, #tpu.memory_space<hbm>> -> memref<1x80x128xf32, #tpu.memory_space<hbm>>
        %dma_start3A_62 = tpu.memref_squeeze %dma_start3A_61 : memref<1x80x128xf32, #tpu.memory_space<hbm>> -> memref<80x128xf32, #tpu.memory_space<hbm>>
        %dma_start3A_63 = arith.constant 0 : i32
        %dma_start3A_64 = tpu.memref_slice %arg5[%arg0, %add3A_60, %dma_start3A_63] : memref<2x10000x128xf32, #tpu.memory_space<hbm>> -> memref<1x80x128xf32, #tpu.memory_space<hbm>>
        %dma_start3A_65 = tpu.memref_squeeze %dma_start3A_64 : memref<1x80x128xf32, #tpu.memory_space<hbm>> -> memref<80x128xf32, #tpu.memory_space<hbm>>
        tpu.enqueue_dma source(%arg8 : memref<80x128xf32, #tpu.memory_space<vmem>>) target(%dma_start3A_65 : memref<80x128xf32, #tpu.memory_space<hbm>>) target_semaphore(%run_scoped3A : memref<!tpu.dma_semaphore, #tpu.memory_space<semaphore_mem>>)
        %dma_wait3A = arith.constant 0 : i32
        %dma_wait3A_66 = tpu.memref_slice %arg5[%arg0, %add3A_60, %dma_wait3A] : memref<2x10000x128xf32, #tpu.memory_space<hbm>> -> memref<1x80x128xf32, #tpu.memory_space<hbm>>
        %dma_wait3A_67 = tpu.memref_squeeze %dma_wait3A_66 : memref<1x80x128xf32, #tpu.memory_space<hbm>> -> memref<80x128xf32, #tpu.memory_space<hbm>>
        %dma_wait3A_68 = arith.constant 0 : i32
        %dma_wait3A_69 = tpu.memref_slice %arg5[%arg0, %add3A_60, %dma_wait3A_68] : memref<2x10000x128xf32, #tpu.memory_space<hbm>> -> memref<1x80x128xf32, #tpu.memory_space<hbm>>
        %dma_wait3A_70 = tpu.memref_squeeze %dma_wait3A_69 : memref<1x80x128xf32, #tpu.memory_space<hbm>> -> memref<80x128xf32, #tpu.memory_space<hbm>>
        tpu.wait_dma2 semaphore(%run_scoped3A : memref<!tpu.dma_semaphore, #tpu.memory_space<semaphore_mem>>) src(%arg8 : memref<80x128xf32, #tpu.memory_space<vmem>>) dst(%dma_wait3A_70 : memref<80x128xf32, #tpu.memory_space<hbm>>)
        tpu.yield
      }) : () -> ()
    }
    return
  }
}

#map = affine_map<(d0, d1) -> (0, 0)>
#map1 = affine_map<(d0, d1) -> (0)>
#map2 = affine_map<(d0, d1) -> (0, 0, 0, 0)>
#map3 = affine_map<(d0, d1) -> (0, 0, 0)>
module attributes {stable_mosaic.version = 14 : i64} {
  func.func @body(%arg0: i32, %arg1: i32, %arg2: memref<20000x128xf32, #tpu.memory_space<hbm>>, %arg3: memref<320000xi32, #tpu.memory_space<hbm>>, %arg4: memref<16x5x50x80xi32, #tpu.memory_space<hbm>>, %arg5: memref<2x10000x128xf32, #tpu.memory_space<hbm>>, %arg6: memref<4000xi32, #tpu.memory_space<vmem>>, %arg7: memref<50x80xi32, #tpu.memory_space<vmem>>, %arg8: memref<80x128xf32, #tpu.memory_space<vmem>>, %arg9: memref<80x128xf32, #tpu.memory_space<vmem>>, %arg10: memref<!tpu.dma_semaphore, #tpu.memory_space<semaphore_mem>>, %arg11: memref<!tpu.dma_semaphore, #tpu.memory_space<semaphore_mem>>, %arg12: memref<!tpu.dma_semaphore, #tpu.memory_space<semaphore_mem>>, %arg13: memref<!tpu.dma_semaphore, #tpu.memory_space<semaphore_mem>>, %arg14: memref<10240x128xf32, #tpu.memory_space<vmem_shared>>) attributes {dimension_semantics = [#tpu.dimension_semantics<core_parallel>, #tpu.dimension_semantics<subcore_parallel>], iteration_bounds = array<i64: 2, 16>, scalar_prefetch = 0 : i64, scratch_operands = 9 : i64, tpu.core_type = #tpu.core_type<sc_vector_subcore>, window_params = [{transform_indices = #map}, {transform_indices = #map1}, {transform_indices = #map2}, {transform_indices = #map3}]} {
    %mul3A = arith.constant 10000 : i32
    %mul3A_0 = arith.muli %arg0, %mul3A : i32
    %scan3A = arith.constant 0 : i32
    %scan3A_1 = arith.constant 0 : i32
    %scan3A_2 = arith.constant 80 : i32
    %scan3A_3 = arith.addi %scan3A_1, %scan3A_2 : i32
    %scan3A_4 = arith.constant 1 : i32
    scf.for %scan3A_55 = %scan3A_1 to %scan3A_3 step %scan3A_4  : i32 {
      %broadcast_in_dim3A = arith.constant 0.000000e+00 : f32
      %broadcast_in_dim3A_56 = vector.broadcast %broadcast_in_dim3A : f32 to vector<16xf32>
      %swap3A = arith.index_cast %scan3A_55 : i32 to index
      %swap3A_57 = arith.constant 0 : index
      %swap3A_58 = tpu.vector_load %arg8[%swap3A, %swap3A_57] {strides = array<i32>} : memref<80x128xf32, #tpu.memory_space<vmem>>, vector<1x16xf32>,
      %swap3A_59 = vector.shape_cast %swap3A_58 : vector<1x16xf32> to vector<16xf32>
      %swap3A_60 = vector.shape_cast %broadcast_in_dim3A_56 : vector<16xf32> to vector<1x16xf32>
      tpu.vector_store %arg8[%swap3A, %swap3A_57], %swap3A_60 {strides = array<i32>} : memref<80x128xf32, #tpu.memory_space<vmem>>, vector<1x16xf32>,
      %broadcast_in_dim3A_61 = arith.constant 0.000000e+00 : f32
      %broadcast_in_dim3A_62 = vector.broadcast %broadcast_in_dim3A_61 : f32 to vector<16xf32>
      %swap3A_63 = arith.index_cast %scan3A_55 : i32 to index
      %swap3A_64 = arith.constant 16 : index
      %swap3A_65 = tpu.vector_load %arg8[%swap3A_63, %swap3A_64] {strides = array<i32>} : memref<80x128xf32, #tpu.memory_space<vmem>>, vector<1x16xf32>,
      %swap3A_66 = vector.shape_cast %swap3A_65 : vector<1x16xf32> to vector<16xf32>
      %swap3A_67 = vector.shape_cast %broadcast_in_dim3A_62 : vector<16xf32> to vector<1x16xf32>
      tpu.vector_store %arg8[%swap3A_63, %swap3A_64], %swap3A_67 {strides = array<i32>} : memref<80x128xf32, #tpu.memory_space<vmem>>, vector<1x16xf32>,
      %broadcast_in_dim3A_68 = arith.constant 0.000000e+00 : f32
      %broadcast_in_dim3A_69 = vector.broadcast %broadcast_in_dim3A_68 : f32 to vector<16xf32>
      %swap3A_70 = arith.index_cast %scan3A_55 : i32 to index
      %swap3A_71 = arith.constant 32 : index
      %swap3A_72 = tpu.vector_load %arg8[%swap3A_70, %swap3A_71] {strides = array<i32>} : memref<80x128xf32, #tpu.memory_space<vmem>>, vector<1x16xf32>,
      %swap3A_73 = vector.shape_cast %swap3A_72 : vector<1x16xf32> to vector<16xf32>
      %swap3A_74 = vector.shape_cast %broadcast_in_dim3A_69 : vector<16xf32> to vector<1x16xf32>
      tpu.vector_store %arg8[%swap3A_70, %swap3A_71], %swap3A_74 {strides = array<i32>} : memref<80x128xf32, #tpu.memory_space<vmem>>, vector<1x16xf32>,
      %broadcast_in_dim3A_75 = arith.constant 0.000000e+00 : f32
      %broadcast_in_dim3A_76 = vector.broadcast %broadcast_in_dim3A_75 : f32 to vector<16xf32>
      %swap3A_77 = arith.index_cast %scan3A_55 : i32 to index
      %swap3A_78 = arith.constant 48 : index
      %swap3A_79 = tpu.vector_load %arg8[%swap3A_77, %swap3A_78] {strides = array<i32>} : memref<80x128xf32, #tpu.memory_space<vmem>>, vector<1x16xf32>,
      %swap3A_80 = vector.shape_cast %swap3A_79 : vector<1x16xf32> to vector<16xf32>
      %swap3A_81 = vector.shape_cast %broadcast_in_dim3A_76 : vector<16xf32> to vector<1x16xf32>
      tpu.vector_store %arg8[%swap3A_77, %swap3A_78], %swap3A_81 {strides = array<i32>} : memref<80x128xf32, #tpu.memory_space<vmem>>, vector<1x16xf32>,
      %broadcast_in_dim3A_82 = arith.constant 0.000000e+00 : f32
      %broadcast_in_dim3A_83 = vector.broadcast %broadcast_in_dim3A_82 : f32 to vector<16xf32>
      %swap3A_84 = arith.index_cast %scan3A_55 : i32 to index
      %swap3A_85 = arith.constant 64 : index
      %swap3A_86 = tpu.vector_load %arg8[%swap3A_84, %swap3A_85] {strides = array<i32>} : memref<80x128xf32, #tpu.memory_space<vmem>>, vector<1x16xf32>,
      %swap3A_87 = vector.shape_cast %swap3A_86 : vector<1x16xf32> to vector<16xf32>
      %swap3A_88 = vector.shape_cast %broadcast_in_dim3A_83 : vector<16xf32> to vector<1x16xf32>
      tpu.vector_store %arg8[%swap3A_84, %swap3A_85], %swap3A_88 {strides = array<i32>} : memref<80x128xf32, #tpu.memory_space<vmem>>, vector<1x16xf32>,
      %broadcast_in_dim3A_89 = arith.constant 0.000000e+00 : f32
      %broadcast_in_dim3A_90 = vector.broadcast %broadcast_in_dim3A_89 : f32 to vector<16xf32>
      %swap3A_91 = arith.index_cast %scan3A_55 : i32 to index
      %swap3A_92 = arith.constant 80 : index
      %swap3A_93 = tpu.vector_load %arg8[%swap3A_91, %swap3A_92] {strides = array<i32>} : memref<80x128xf32, #tpu.memory_space<vmem>>, vector<1x16xf32>,
      %swap3A_94 = vector.shape_cast %swap3A_93 : vector<1x16xf32> to vector<16xf32>
      %swap3A_95 = vector.shape_cast %broadcast_in_dim3A_90 : vector<16xf32> to vector<1x16xf32>
      tpu.vector_store %arg8[%swap3A_91, %swap3A_92], %swap3A_95 {strides = array<i32>} : memref<80x128xf32, #tpu.memory_space<vmem>>, vector<1x16xf32>,
      %broadcast_in_dim3A_96 = arith.constant 0.000000e+00 : f32
      %broadcast_in_dim3A_97 = vector.broadcast %broadcast_in_dim3A_96 : f32 to vector<16xf32>
      %swap3A_98 = arith.index_cast %scan3A_55 : i32 to index
      %swap3A_99 = arith.constant 96 : index
      %swap3A_100 = tpu.vector_load %arg8[%swap3A_98, %swap3A_99] {strides = array<i32>} : memref<80x128xf32, #tpu.memory_space<vmem>>, vector<1x16xf32>,
      %swap3A_101 = vector.shape_cast %swap3A_100 : vector<1x16xf32> to vector<16xf32>
      %swap3A_102 = vector.shape_cast %broadcast_in_dim3A_97 : vector<16xf32> to vector<1x16xf32>
      tpu.vector_store %arg8[%swap3A_98, %swap3A_99], %swap3A_102 {strides = array<i32>} : memref<80x128xf32, #tpu.memory_space<vmem>>, vector<1x16xf32>,
      %broadcast_in_dim3A_103 = arith.constant 0.000000e+00 : f32
      %broadcast_in_dim3A_104 = vector.broadcast %broadcast_in_dim3A_103 : f32 to vector<16xf32>
      %swap3A_105 = arith.index_cast %scan3A_55 : i32 to index
      %swap3A_106 = arith.constant 112 : index
      %swap3A_107 = tpu.vector_load %arg8[%swap3A_105, %swap3A_106] {strides = array<i32>} : memref<80x128xf32, #tpu.memory_space<vmem>>, vector<1x16xf32>,
      %swap3A_108 = vector.shape_cast %swap3A_107 : vector<1x16xf32> to vector<16xf32>
      %swap3A_109 = vector.shape_cast %broadcast_in_dim3A_104 : vector<16xf32> to vector<1x16xf32>
      tpu.vector_store %arg8[%swap3A_105, %swap3A_106], %swap3A_109 {strides = array<i32>} : memref<80x128xf32, #tpu.memory_space<vmem>>, vector<1x16xf32>,
    }
    %scan3A_5 = arith.constant 80 : i32
    %mul3A_6 = arith.constant 640 : i32
    %mul3A_7 = arith.muli %arg1, %mul3A_6 : i32
    %add3A = arith.constant 0 : i32
    %add3A_8 = arith.addi %mul3A_7, %add3A : i32
    "tpu.region"() ({
      %run_scoped3A = tpu.sem_alloc : memref<!tpu.dma_semaphore, #tpu.memory_space<semaphore_mem>>
      %dma_start3A = arith.constant 0 : i32
      %dma_start3A_55 = tpu.memref_slice %arg14[%add3A_8, %dma_start3A] : memref<10240x128xf32, #tpu.memory_space<vmem_shared>> -> memref<80x128xf32, #tpu.memory_space<vmem_shared>>
      %dma_start3A_56 = arith.constant 0 : i32
      %dma_start3A_57 = tpu.memref_slice %arg14[%add3A_8, %dma_start3A_56] : memref<10240x128xf32, #tpu.memory_space<vmem_shared>> -> memref<80x128xf32, #tpu.memory_space<vmem_shared>>
      tpu.enqueue_dma source(%arg8 : memref<80x128xf32, #tpu.memory_space<vmem>>) target(%dma_start3A_57 : memref<80x128xf32, #tpu.memory_space<vmem_shared>>) target_semaphore(%run_scoped3A : memref<!tpu.dma_semaphore, #tpu.memory_space<semaphore_mem>>)
      %dma_wait3A = arith.constant 0 : i32
      %dma_wait3A_58 = tpu.memref_slice %arg14[%add3A_8, %dma_wait3A] : memref<10240x128xf32, #tpu.memory_space<vmem_shared>> -> memref<80x128xf32, #tpu.memory_space<vmem_shared>>
      %dma_wait3A_59 = arith.constant 0 : i32
      %dma_wait3A_60 = tpu.memref_slice %arg14[%add3A_8, %dma_wait3A_59] : memref<10240x128xf32, #tpu.memory_space<vmem_shared>> -> memref<80x128xf32, #tpu.memory_space<vmem_shared>>
      tpu.wait_dma2 semaphore(%run_scoped3A : memref<!tpu.dma_semaphore, #tpu.memory_space<semaphore_mem>>) src(%arg8 : memref<80x128xf32, #tpu.memory_space<vmem>>) dst(%dma_wait3A_60 : memref<80x128xf32, #tpu.memory_space<vmem_shared>>)
      tpu.yield
    }) : () -> ()
    %mul3A_9 = arith.constant 640 : i32
    %mul3A_10 = arith.muli %arg1, %mul3A_9 : i32
    %add3A_11 = arith.constant 80 : i32
    %add3A_12 = arith.addi %mul3A_10, %add3A_11 : i32
    "tpu.region"() ({
      %run_scoped3A = tpu.sem_alloc : memref<!tpu.dma_semaphore, #tpu.memory_space<semaphore_mem>>
      %dma_start3A = arith.constant 0 : i32
      %dma_start3A_55 = tpu.memref_slice %arg14[%add3A_12, %dma_start3A] : memref<10240x128xf32, #tpu.memory_space<vmem_shared>> -> memref<80x128xf32, #tpu.memory_space<vmem_shared>>
      %dma_start3A_56 = arith.constant 0 : i32
      %dma_start3A_57 = tpu.memref_slice %arg14[%add3A_12, %dma_start3A_56] : memref<10240x128xf32, #tpu.memory_space<vmem_shared>> -> memref<80x128xf32, #tpu.memory_space<vmem_shared>>
      tpu.enqueue_dma source(%arg8 : memref<80x128xf32, #tpu.memory_space<vmem>>) target(%dma_start3A_57 : memref<80x128xf32, #tpu.memory_space<vmem_shared>>) target_semaphore(%run_scoped3A : memref<!tpu.dma_semaphore, #tpu.memory_space<semaphore_mem>>)
      %dma_wait3A = arith.constant 0 : i32
      %dma_wait3A_58 = tpu.memref_slice %arg14[%add3A_12, %dma_wait3A] : memref<10240x128xf32, #tpu.memory_space<vmem_shared>> -> memref<80x128xf32, #tpu.memory_space<vmem_shared>>
      %dma_wait3A_59 = arith.constant 0 : i32
      %dma_wait3A_60 = tpu.memref_slice %arg14[%add3A_12, %dma_wait3A_59] : memref<10240x128xf32, #tpu.memory_space<vmem_shared>> -> memref<80x128xf32, #tpu.memory_space<vmem_shared>>
      tpu.wait_dma2 semaphore(%run_scoped3A : memref<!tpu.dma_semaphore, #tpu.memory_space<semaphore_mem>>) src(%arg8 : memref<80x128xf32, #tpu.memory_space<vmem>>) dst(%dma_wait3A_60 : memref<80x128xf32, #tpu.memory_space<vmem_shared>>)
      tpu.yield
    }) : () -> ()
    %mul3A_13 = arith.constant 640 : i32
    %mul3A_14 = arith.muli %arg1, %mul3A_13 : i32
    %add3A_15 = arith.constant 160 : i32
    %add3A_16 = arith.addi %mul3A_14, %add3A_15 : i32
    "tpu.region"() ({
      %run_scoped3A = tpu.sem_alloc : memref<!tpu.dma_semaphore, #tpu.memory_space<semaphore_mem>>
      %dma_start3A = arith.constant 0 : i32
      %dma_start3A_55 = tpu.memref_slice %arg14[%add3A_16, %dma_start3A] : memref<10240x128xf32, #tpu.memory_space<vmem_shared>> -> memref<80x128xf32, #tpu.memory_space<vmem_shared>>
      %dma_start3A_56 = arith.constant 0 : i32
      %dma_start3A_57 = tpu.memref_slice %arg14[%add3A_16, %dma_start3A_56] : memref<10240x128xf32, #tpu.memory_space<vmem_shared>> -> memref<80x128xf32, #tpu.memory_space<vmem_shared>>
      tpu.enqueue_dma source(%arg8 : memref<80x128xf32, #tpu.memory_space<vmem>>) target(%dma_start3A_57 : memref<80x128xf32, #tpu.memory_space<vmem_shared>>) target_semaphore(%run_scoped3A : memref<!tpu.dma_semaphore, #tpu.memory_space<semaphore_mem>>)
      %dma_wait3A = arith.constant 0 : i32
      %dma_wait3A_58 = tpu.memref_slice %arg14[%add3A_16, %dma_wait3A] : memref<10240x128xf32, #tpu.memory_space<vmem_shared>> -> memref<80x128xf32, #tpu.memory_space<vmem_shared>>
      %dma_wait3A_59 = arith.constant 0 : i32
      %dma_wait3A_60 = tpu.memref_slice %arg14[%add3A_16, %dma_wait3A_59] : memref<10240x128xf32, #tpu.memory_space<vmem_shared>> -> memref<80x128xf32, #tpu.memory_space<vmem_shared>>
      tpu.wait_dma2 semaphore(%run_scoped3A : memref<!tpu.dma_semaphore, #tpu.memory_space<semaphore_mem>>) src(%arg8 : memref<80x128xf32, #tpu.memory_space<vmem>>) dst(%dma_wait3A_60 : memref<80x128xf32, #tpu.memory_space<vmem_shared>>)
      tpu.yield
    }) : () -> ()
    %mul3A_17 = arith.constant 640 : i32
    %mul3A_18 = arith.muli %arg1, %mul3A_17 : i32
    %add3A_19 = arith.constant 240 : i32
    %add3A_20 = arith.addi %mul3A_18, %add3A_19 : i32
    "tpu.region"() ({
      %run_scoped3A = tpu.sem_alloc : memref<!tpu.dma_semaphore, #tpu.memory_space<semaphore_mem>>
      %dma_start3A = arith.constant 0 : i32
      %dma_start3A_55 = tpu.memref_slice %arg14[%add3A_20, %dma_start3A] : memref<10240x128xf32, #tpu.memory_space<vmem_shared>> -> memref<80x128xf32, #tpu.memory_space<vmem_shared>>
      %dma_start3A_56 = arith.constant 0 : i32
      %dma_start3A_57 = tpu.memref_slice %arg14[%add3A_20, %dma_start3A_56] : memref<10240x128xf32, #tpu.memory_space<vmem_shared>> -> memref<80x128xf32, #tpu.memory_space<vmem_shared>>
      tpu.enqueue_dma source(%arg8 : memref<80x128xf32, #tpu.memory_space<vmem>>) target(%dma_start3A_57 : memref<80x128xf32, #tpu.memory_space<vmem_shared>>) target_semaphore(%run_scoped3A : memref<!tpu.dma_semaphore, #tpu.memory_space<semaphore_mem>>)
      %dma_wait3A = arith.constant 0 : i32
      %dma_wait3A_58 = tpu.memref_slice %arg14[%add3A_20, %dma_wait3A] : memref<10240x128xf32, #tpu.memory_space<vmem_shared>> -> memref<80x128xf32, #tpu.memory_space<vmem_shared>>
      %dma_wait3A_59 = arith.constant 0 : i32
      %dma_wait3A_60 = tpu.memref_slice %arg14[%add3A_20, %dma_wait3A_59] : memref<10240x128xf32, #tpu.memory_space<vmem_shared>> -> memref<80x128xf32, #tpu.memory_space<vmem_shared>>
      tpu.wait_dma2 semaphore(%run_scoped3A : memref<!tpu.dma_semaphore, #tpu.memory_space<semaphore_mem>>) src(%arg8 : memref<80x128xf32, #tpu.memory_space<vmem>>) dst(%dma_wait3A_60 : memref<80x128xf32, #tpu.memory_space<vmem_shared>>)
      tpu.yield
    }) : () -> ()
    %mul3A_21 = arith.constant 640 : i32
    %mul3A_22 = arith.muli %arg1, %mul3A_21 : i32
    %add3A_23 = arith.constant 320 : i32
    %add3A_24 = arith.addi %mul3A_22, %add3A_23 : i32
    "tpu.region"() ({
      %run_scoped3A = tpu.sem_alloc : memref<!tpu.dma_semaphore, #tpu.memory_space<semaphore_mem>>
      %dma_start3A = arith.constant 0 : i32
      %dma_start3A_55 = tpu.memref_slice %arg14[%add3A_24, %dma_start3A] : memref<10240x128xf32, #tpu.memory_space<vmem_shared>> -> memref<80x128xf32, #tpu.memory_space<vmem_shared>>
      %dma_start3A_56 = arith.constant 0 : i32
      %dma_start3A_57 = tpu.memref_slice %arg14[%add3A_24, %dma_start3A_56] : memref<10240x128xf32, #tpu.memory_space<vmem_shared>> -> memref<80x128xf32, #tpu.memory_space<vmem_shared>>
      tpu.enqueue_dma source(%arg8 : memref<80x128xf32, #tpu.memory_space<vmem>>) target(%dma_start3A_57 : memref<80x128xf32, #tpu.memory_space<vmem_shared>>) target_semaphore(%run_scoped3A : memref<!tpu.dma_semaphore, #tpu.memory_space<semaphore_mem>>)
      %dma_wait3A = arith.constant 0 : i32
      %dma_wait3A_58 = tpu.memref_slice %arg14[%add3A_24, %dma_wait3A] : memref<10240x128xf32, #tpu.memory_space<vmem_shared>> -> memref<80x128xf32, #tpu.memory_space<vmem_shared>>
      %dma_wait3A_59 = arith.constant 0 : i32
      %dma_wait3A_60 = tpu.memref_slice %arg14[%add3A_24, %dma_wait3A_59] : memref<10240x128xf32, #tpu.memory_space<vmem_shared>> -> memref<80x128xf32, #tpu.memory_space<vmem_shared>>
      tpu.wait_dma2 semaphore(%run_scoped3A : memref<!tpu.dma_semaphore, #tpu.memory_space<semaphore_mem>>) src(%arg8 : memref<80x128xf32, #tpu.memory_space<vmem>>) dst(%dma_wait3A_60 : memref<80x128xf32, #tpu.memory_space<vmem_shared>>)
      tpu.yield
    }) : () -> ()
    %mul3A_25 = arith.constant 640 : i32
    %mul3A_26 = arith.muli %arg1, %mul3A_25 : i32
    %add3A_27 = arith.constant 400 : i32
    %add3A_28 = arith.addi %mul3A_26, %add3A_27 : i32
    "tpu.region"() ({
      %run_scoped3A = tpu.sem_alloc : memref<!tpu.dma_semaphore, #tpu.memory_space<semaphore_mem>>
      %dma_start3A = arith.constant 0 : i32
      %dma_start3A_55 = tpu.memref_slice %arg14[%add3A_28, %dma_start3A] : memref<10240x128xf32, #tpu.memory_space<vmem_shared>> -> memref<80x128xf32, #tpu.memory_space<vmem_shared>>
      %dma_start3A_56 = arith.constant 0 : i32
      %dma_start3A_57 = tpu.memref_slice %arg14[%add3A_28, %dma_start3A_56] : memref<10240x128xf32, #tpu.memory_space<vmem_shared>> -> memref<80x128xf32, #tpu.memory_space<vmem_shared>>
      tpu.enqueue_dma source(%arg8 : memref<80x128xf32, #tpu.memory_space<vmem>>) target(%dma_start3A_57 : memref<80x128xf32, #tpu.memory_space<vmem_shared>>) target_semaphore(%run_scoped3A : memref<!tpu.dma_semaphore, #tpu.memory_space<semaphore_mem>>)
      %dma_wait3A = arith.constant 0 : i32
      %dma_wait3A_58 = tpu.memref_slice %arg14[%add3A_28, %dma_wait3A] : memref<10240x128xf32, #tpu.memory_space<vmem_shared>> -> memref<80x128xf32, #tpu.memory_space<vmem_shared>>
      %dma_wait3A_59 = arith.constant 0 : i32
      %dma_wait3A_60 = tpu.memref_slice %arg14[%add3A_28, %dma_wait3A_59] : memref<10240x128xf32, #tpu.memory_space<vmem_shared>> -> memref<80x128xf32, #tpu.memory_space<vmem_shared>>
      tpu.wait_dma2 semaphore(%run_scoped3A : memref<!tpu.dma_semaphore, #tpu.memory_space<semaphore_mem>>) src(%arg8 : memref<80x128xf32, #tpu.memory_space<vmem>>) dst(%dma_wait3A_60 : memref<80x128xf32, #tpu.memory_space<vmem_shared>>)
      tpu.yield
    }) : () -> ()
    %mul3A_29 = arith.constant 640 : i32
    %mul3A_30 = arith.muli %arg1, %mul3A_29 : i32
    %add3A_31 = arith.constant 480 : i32
    %add3A_32 = arith.addi %mul3A_30, %add3A_31 : i32
    "tpu.region"() ({
      %run_scoped3A = tpu.sem_alloc : memref<!tpu.dma_semaphore, #tpu.memory_space<semaphore_mem>>
      %dma_start3A = arith.constant 0 : i32
      %dma_start3A_55 = tpu.memref_slice %arg14[%add3A_32, %dma_start3A] : memref<10240x128xf32, #tpu.memory_space<vmem_shared>> -> memref<80x128xf32, #tpu.memory_space<vmem_shared>>
      %dma_start3A_56 = arith.constant 0 : i32
      %dma_start3A_57 = tpu.memref_slice %arg14[%add3A_32, %dma_start3A_56] : memref<10240x128xf32, #tpu.memory_space<vmem_shared>> -> memref<80x128xf32, #tpu.memory_space<vmem_shared>>
      tpu.enqueue_dma source(%arg8 : memref<80x128xf32, #tpu.memory_space<vmem>>) target(%dma_start3A_57 : memref<80x128xf32, #tpu.memory_space<vmem_shared>>) target_semaphore(%run_scoped3A : memref<!tpu.dma_semaphore, #tpu.memory_space<semaphore_mem>>)
      %dma_wait3A = arith.constant 0 : i32
      %dma_wait3A_58 = tpu.memref_slice %arg14[%add3A_32, %dma_wait3A] : memref<10240x128xf32, #tpu.memory_space<vmem_shared>> -> memref<80x128xf32, #tpu.memory_space<vmem_shared>>
      %dma_wait3A_59 = arith.constant 0 : i32
      %dma_wait3A_60 = tpu.memref_slice %arg14[%add3A_32, %dma_wait3A_59] : memref<10240x128xf32, #tpu.memory_space<vmem_shared>> -> memref<80x128xf32, #tpu.memory_space<vmem_shared>>
      tpu.wait_dma2 semaphore(%run_scoped3A : memref<!tpu.dma_semaphore, #tpu.memory_space<semaphore_mem>>) src(%arg8 : memref<80x128xf32, #tpu.memory_space<vmem>>) dst(%dma_wait3A_60 : memref<80x128xf32, #tpu.memory_space<vmem_shared>>)
      tpu.yield
    }) : () -> ()
    %mul3A_33 = arith.constant 640 : i32
    %mul3A_34 = arith.muli %arg1, %mul3A_33 : i32
    %add3A_35 = arith.constant 560 : i32
    %add3A_36 = arith.addi %mul3A_34, %add3A_35 : i32
    "tpu.region"() ({
      %run_scoped3A = tpu.sem_alloc : memref<!tpu.dma_semaphore, #tpu.memory_space<semaphore_mem>>
      %dma_start3A = arith.constant 0 : i32
      %dma_start3A_55 = tpu.memref_slice %arg14[%add3A_36, %dma_start3A] : memref<10240x128xf32, #tpu.memory_space<vmem_shared>> -> memref<80x128xf32, #tpu.memory_space<vmem_shared>>
      %dma_start3A_56 = arith.constant 0 : i32
      %dma_start3A_57 = tpu.memref_slice %arg14[%add3A_36, %dma_start3A_56] : memref<10240x128xf32, #tpu.memory_space<vmem_shared>> -> memref<80x128xf32, #tpu.memory_space<vmem_shared>>
      tpu.enqueue_dma source(%arg8 : memref<80x128xf32, #tpu.memory_space<vmem>>) target(%dma_start3A_57 : memref<80x128xf32, #tpu.memory_space<vmem_shared>>) target_semaphore(%run_scoped3A : memref<!tpu.dma_semaphore, #tpu.memory_space<semaphore_mem>>)
      %dma_wait3A = arith.constant 0 : i32
      %dma_wait3A_58 = tpu.memref_slice %arg14[%add3A_36, %dma_wait3A] : memref<10240x128xf32, #tpu.memory_space<vmem_shared>> -> memref<80x128xf32, #tpu.memory_space<vmem_shared>>
      %dma_wait3A_59 = arith.constant 0 : i32
      %dma_wait3A_60 = tpu.memref_slice %arg14[%add3A_36, %dma_wait3A_59] : memref<10240x128xf32, #tpu.memory_space<vmem_shared>> -> memref<80x128xf32, #tpu.memory_space<vmem_shared>>
      tpu.wait_dma2 semaphore(%run_scoped3A : memref<!tpu.dma_semaphore, #tpu.memory_space<semaphore_mem>>) src(%arg8 : memref<80x128xf32, #tpu.memory_space<vmem>>) dst(%dma_wait3A_60 : memref<80x128xf32, #tpu.memory_space<vmem_shared>>)
      tpu.yield
    }) : () -> ()
    %barrier3A = arith.constant 0 : index
    tpu.barrier barrier_id(%barrier3A)
    %scan3A_37 = arith.constant 0 : i32
    %scan3A_38 = arith.constant 0 : i32
    %scan3A_39 = arith.constant 5 : i32
    %scan3A_40 = arith.addi %scan3A_38, %scan3A_39 : i32
    %scan3A_41 = arith.constant 1 : i32
    scf.for %scan3A_55 = %scan3A_38 to %scan3A_40 step %scan3A_41  : i32 {
      %mul3A_56 = arith.constant 20000 : i32
      %mul3A_57 = arith.muli %arg1, %mul3A_56 : i32
      %mul3A_58 = arith.constant 4000 : i32
      %mul3A_59 = arith.muli %scan3A_55, %mul3A_58 : i32
      %add3A_60 = arith.addi %mul3A_57, %mul3A_59 : i32
      "tpu.region"() ({
        %run_scoped3A = tpu.sem_alloc : memref<!tpu.dma_semaphore, #tpu.memory_space<semaphore_mem>>
        %dma_start3A_82 = tpu.memref_slice %arg3[%add3A_60] : memref<320000xi32, #tpu.memory_space<hbm>> -> memref<4000xi32, #tpu.memory_space<hbm>>
        %dma_start3A_83 = tpu.memref_slice %arg3[%add3A_60] : memref<320000xi32, #tpu.memory_space<hbm>> -> memref<4000xi32, #tpu.memory_space<hbm>>
        tpu.enqueue_dma source(%dma_start3A_83 : memref<4000xi32, #tpu.memory_space<hbm>>) target(%arg6 : memref<4000xi32, #tpu.memory_space<vmem>>) target_semaphore(%run_scoped3A : memref<!tpu.dma_semaphore, #tpu.memory_space<semaphore_mem>>)
        %dma_wait3A_84 = tpu.memref_slice %arg3[%add3A_60] : memref<320000xi32, #tpu.memory_space<hbm>> -> memref<4000xi32, #tpu.memory_space<hbm>>
        %dma_wait3A_85 = tpu.memref_slice %arg3[%add3A_60] : memref<320000xi32, #tpu.memory_space<hbm>> -> memref<4000xi32, #tpu.memory_space<hbm>>
        tpu.wait_dma2 semaphore(%run_scoped3A : memref<!tpu.dma_semaphore, #tpu.memory_space<semaphore_mem>>) src(%dma_wait3A_85 : memref<4000xi32, #tpu.memory_space<hbm>>) dst(%arg6 : memref<4000xi32, #tpu.memory_space<vmem>>)
        tpu.yield
      }) : () -> ()
      "tpu.region"() ({
        %run_scoped3A = tpu.sem_alloc : memref<!tpu.dma_semaphore, #tpu.memory_space<semaphore_mem>>
        %dma_start3A_82 = arith.constant 0 : i32
        %dma_start3A_83 = arith.constant 0 : i32
        %dma_start3A_84 = tpu.memref_slice %arg4[%arg1, %scan3A_55, %dma_start3A_82, %dma_start3A_83] : memref<16x5x50x80xi32, #tpu.memory_space<hbm>> -> memref<1x1x50x80xi32, #tpu.memory_space<hbm>>
        %dma_start3A_85 = tpu.memref_squeeze %dma_start3A_84 : memref<1x1x50x80xi32, #tpu.memory_space<hbm>> -> memref<50x80xi32, #tpu.memory_space<hbm>>
        %dma_start3A_86 = arith.constant 0 : i32
        %dma_start3A_87 = arith.constant 0 : i32
        %dma_start3A_88 = tpu.memref_slice %arg4[%arg1, %scan3A_55, %dma_start3A_86, %dma_start3A_87] : memref<16x5x50x80xi32, #tpu.memory_space<hbm>> -> memref<1x1x50x80xi32, #tpu.memory_space<hbm>>
        %dma_start3A_89 = tpu.memref_squeeze %dma_start3A_88 : memref<1x1x50x80xi32, #tpu.memory_space<hbm>> -> memref<50x80xi32, #tpu.memory_space<hbm>>
        tpu.enqueue_dma source(%dma_start3A_89 : memref<50x80xi32, #tpu.memory_space<hbm>>) target(%arg7 : memref<50x80xi32, #tpu.memory_space<vmem>>) target_semaphore(%run_scoped3A : memref<!tpu.dma_semaphore, #tpu.memory_space<semaphore_mem>>)
        %dma_wait3A_90 = arith.constant 0 : i32
        %dma_wait3A_91 = arith.constant 0 : i32
        %dma_wait3A_92 = tpu.memref_slice %arg4[%arg1, %scan3A_55, %dma_wait3A_90, %dma_wait3A_91] : memref<16x5x50x80xi32, #tpu.memory_space<hbm>> -> memref<1x1x50x80xi32, #tpu.memory_space<hbm>>
        %dma_wait3A_93 = tpu.memref_squeeze %dma_wait3A_92 : memref<1x1x50x80xi32, #tpu.memory_space<hbm>> -> memref<50x80xi32, #tpu.memory_space<hbm>>
        %dma_wait3A_94 = arith.constant 0 : i32
        %dma_wait3A_95 = arith.constant 0 : i32
        %dma_wait3A_96 = tpu.memref_slice %arg4[%arg1, %scan3A_55, %dma_wait3A_94, %dma_wait3A_95] : memref<16x5x50x80xi32, #tpu.memory_space<hbm>> -> memref<1x1x50x80xi32, #tpu.memory_space<hbm>>
        %dma_wait3A_97 = tpu.memref_squeeze %dma_wait3A_96 : memref<1x1x50x80xi32, #tpu.memory_space<hbm>> -> memref<50x80xi32, #tpu.memory_space<hbm>>
        tpu.wait_dma2 semaphore(%run_scoped3A : memref<!tpu.dma_semaphore, #tpu.memory_space<semaphore_mem>>) src(%dma_wait3A_97 : memref<50x80xi32, #tpu.memory_space<hbm>>) dst(%arg7 : memref<50x80xi32, #tpu.memory_space<vmem>>)
        tpu.yield
      }) : () -> ()
      %scan3A_61 = arith.constant 0 : i32
      %scan3A_62 = arith.constant 0 : i32
      %scan3A_63 = arith.constant 250 : i32
      %scan3A_64 = arith.addi %scan3A_62, %scan3A_63 : i32
      %scan3A_65 = arith.constant 1 : i32
      scf.for %scan3A_82 = %scan3A_62 to %scan3A_64 step %scan3A_65  : i32 {
        %mul3A_83 = arith.constant 16 : i32
        %mul3A_84 = arith.muli %scan3A_82, %mul3A_83 : i32
        %get3A = arith.index_cast %mul3A_84 : i32 to index
        %get3A_85 = tpu.vector_load %arg6[%get3A] {strides = array<i32>} : memref<4000xi32, #tpu.memory_space<vmem>>, vector<16xi32>,
        %get3A_86 = vector.shape_cast %get3A_85 : vector<16xi32> to vector<16xi32>
        %add3A_87 = vector.broadcast %mul3A_0 : i32 to vector<16xi32>
        %add3A_88 = arith.addi %get3A_86, %add3A_87 : vector<16xi32>
        %swap3A = arith.index_cast %mul3A_84 : i32 to index
        %swap3A_89 = tpu.vector_load %arg6[%swap3A] {strides = array<i32>} : memref<4000xi32, #tpu.memory_space<vmem>>, vector<16xi32>,
        %swap3A_90 = vector.shape_cast %swap3A_89 : vector<16xi32> to vector<16xi32>
        %swap3A_91 = vector.shape_cast %add3A_88 : vector<16xi32> to vector<16xi32>
        tpu.vector_store %arg6[%swap3A], %swap3A_91 {strides = array<i32>} : memref<4000xi32, #tpu.memory_space<vmem>>, vector<16xi32>,
      }
      %scan3A_66 = arith.constant 250 : i32
      %dma_start3A = arith.constant 0 : i32
      %dma_start3A_67 = tpu.memref_slice %arg6[%dma_start3A] : memref<4000xi32, #tpu.memory_space<vmem>> -> memref<80xi32, #tpu.memory_space<vmem>>
      %dma_start3A_68 = arith.constant 0 : i32
      %dma_start3A_69 = arith.constant 0 : i32
      %dma_start3A_70 = tpu.memref_slice %arg2[%dma_start3A_68, %dma_start3A_69] : memref<20000x128xf32, #tpu.memory_space<hbm>> -> memref<20000x128xf32, #tpu.memory_space<hbm>>
      tpu.enqueue_indirect_dma source(%dma_start3A_70 : memref<20000x128xf32, #tpu.memory_space<hbm>>) target(%arg8 : memref<80x128xf32, #tpu.memory_space<vmem>>) offsets(%dma_start3A_67 : memref<80xi32, #tpu.memory_space<vmem>>) semaphore(%arg10 : memref<!tpu.dma_semaphore, #tpu.memory_space<semaphore_mem>>)
      %scan3A_71 = arith.constant 0 : i32
      %scan3A_72 = arith.constant 0 : i32
      %scan3A_73 = arith.constant 25 : i32
      %scan3A_74 = arith.addi %scan3A_72, %scan3A_73 : i32
      %scan3A_75 = arith.constant 1 : i32
      scf.for %scan3A_82 = %scan3A_72 to %scan3A_74 step %scan3A_75  : i32 {
        %mul3A_83 = arith.constant 2 : i32
        %mul3A_84 = arith.muli %scan3A_82, %mul3A_83 : i32
        %add3A_85 = arith.constant 0 : i32
        %add3A_86 = arith.addi %mul3A_84, %add3A_85 : i32
        %mul3A_87 = arith.constant 80 : i32
        %mul3A_88 = arith.muli %add3A_86, %mul3A_87 : i32
        %dma_wait3A_89 = tpu.memref_slice %arg6[%mul3A_88] : memref<4000xi32, #tpu.memory_space<vmem>> -> memref<80xi32, #tpu.memory_space<vmem>>
        %dma_wait3A_90 = arith.constant 0 : i32
        %dma_wait3A_91 = arith.constant 0 : i32
        %dma_wait3A_92 = tpu.memref_slice %arg2[%dma_wait3A_90, %dma_wait3A_91] : memref<20000x128xf32, #tpu.memory_space<hbm>> -> memref<20000x128xf32, #tpu.memory_space<hbm>>
        tpu.wait_indirect_dma semaphore(%arg10 : memref<!tpu.dma_semaphore, #tpu.memory_space<semaphore_mem>>) src(%dma_wait3A_92 : memref<20000x128xf32, #tpu.memory_space<hbm>>) dst(%arg8 : memref<80x128xf32, #tpu.memory_space<vmem>>)
        %ge3A = arith.constant 1 : i32
        %ge3A_93 = arith.cmpi sge, %add3A_86, %ge3A : i32
        %convert_element_type3A = arith.extui %ge3A_93 : i1 to i32
        %cond3A = arith.constant 0 : i32
        %cond3A_94 = arith.cmpi ne, %convert_element_type3A, %cond3A : i32
        scf.if %cond3A_94 {
          %dma_wait3A_135 = arith.constant 0 : i32
          %dma_wait3A_136 = arith.constant 0 : i32
          %dma_wait3A_137 = tpu.memref_slice %arg2[%dma_wait3A_135, %dma_wait3A_136] : memref<20000x128xf32, #tpu.memory_space<hbm>> -> memref<80x128xf32, #tpu.memory_space<hbm>>
          %dma_wait3A_138 = arith.constant 0 : i32
          %dma_wait3A_139 = arith.constant 0 : i32
          %dma_wait3A_140 = tpu.memref_slice %arg2[%dma_wait3A_138, %dma_wait3A_139] : memref<20000x128xf32, #tpu.memory_space<hbm>> -> memref<80x128xf32, #tpu.memory_space<hbm>>
          tpu.wait_dma2 semaphore(%arg13 : memref<!tpu.dma_semaphore, #tpu.memory_space<semaphore_mem>>) src(%dma_wait3A_140 : memref<80x128xf32, #tpu.memory_space<hbm>>) dst(%arg9 : memref<80x128xf32, #tpu.memory_space<vmem>>)
        } else {
        }
        %add3A_95 = arith.constant 1 : i32
        %add3A_96 = arith.addi %add3A_86, %add3A_95 : i32
        %lt3A = arith.constant 50 : i32
        %lt3A_97 = arith.cmpi slt, %add3A_96, %lt3A : i32
        %convert_element_type3A_98 = arith.extui %lt3A_97 : i1 to i32
        %cond3A_99 = arith.constant 0 : i32
        %cond3A_100 = arith.cmpi ne, %convert_element_type3A_98, %cond3A_99 : i32
        scf.if %cond3A_100 {
          %add3A_135 = arith.constant 1 : i32
          %add3A_136 = arith.addi %add3A_86, %add3A_135 : i32
          %mul3A_137 = arith.constant 80 : i32
          %mul3A_138 = arith.muli %add3A_136, %mul3A_137 : i32
          %dma_start3A_139 = tpu.memref_slice %arg6[%mul3A_138] : memref<4000xi32, #tpu.memory_space<vmem>> -> memref<80xi32, #tpu.memory_space<vmem>>
          %dma_start3A_140 = arith.constant 0 : i32
          %dma_start3A_141 = arith.constant 0 : i32
          %dma_start3A_142 = tpu.memref_slice %arg2[%dma_start3A_140, %dma_start3A_141] : memref<20000x128xf32, #tpu.memory_space<hbm>> -> memref<20000x128xf32, #tpu.memory_space<hbm>>
          tpu.enqueue_indirect_dma source(%dma_start3A_142 : memref<20000x128xf32, #tpu.memory_space<hbm>>) target(%arg9 : memref<80x128xf32, #tpu.memory_space<vmem>>) offsets(%dma_start3A_139 : memref<80xi32, #tpu.memory_space<vmem>>) semaphore(%arg11 : memref<!tpu.dma_semaphore, #tpu.memory_space<semaphore_mem>>)
        } else {
        }
        %dma_start3A_101 = arith.constant 0 : i32
        %dma_start3A_102 = tpu.memref_slice %arg7[%add3A_86, %dma_start3A_101] : memref<50x80xi32, #tpu.memory_space<vmem>> -> memref<1x80xi32, #tpu.memory_space<vmem>>
        %dma_start3A_103 = tpu.memref_squeeze %dma_start3A_102 : memref<1x80xi32, #tpu.memory_space<vmem>> -> memref<80xi32, #tpu.memory_space<vmem>>
        %dma_start3A_104 = arith.constant 0 : i32
        %dma_start3A_105 = arith.constant 0 : i32
        %dma_start3A_106 = tpu.memref_slice %arg14[%dma_start3A_104, %dma_start3A_105] : memref<10240x128xf32, #tpu.memory_space<vmem_shared>> -> memref<10240x128xf32, #tpu.memory_space<vmem_shared>>
        tpu.enqueue_indirect_dma source(%arg8 : memref<80x128xf32, #tpu.memory_space<vmem>>) target(%dma_start3A_106 : memref<10240x128xf32, #tpu.memory_space<vmem_shared>>) offsets(%dma_start3A_103 : memref<80xi32, #tpu.memory_space<vmem>>) semaphore(%arg12 : memref<!tpu.dma_semaphore, #tpu.memory_space<semaphore_mem>>) {add = true}
        %mul3A_107 = arith.constant 2 : i32
        %mul3A_108 = arith.muli %scan3A_82, %mul3A_107 : i32
        %add3A_109 = arith.constant 1 : i32
        %add3A_110 = arith.addi %mul3A_108, %add3A_109 : i32
        %mul3A_111 = arith.constant 80 : i32
        %mul3A_112 = arith.muli %add3A_110, %mul3A_111 : i32
        %dma_wait3A_113 = tpu.memref_slice %arg6[%mul3A_112] : memref<4000xi32, #tpu.memory_space<vmem>> -> memref<80xi32, #tpu.memory_space<vmem>>
        %dma_wait3A_114 = arith.constant 0 : i32
        %dma_wait3A_115 = arith.constant 0 : i32
        %dma_wait3A_116 = tpu.memref_slice %arg2[%dma_wait3A_114, %dma_wait3A_115] : memref<20000x128xf32, #tpu.memory_space<hbm>> -> memref<20000x128xf32, #tpu.memory_space<hbm>>
        tpu.wait_indirect_dma semaphore(%arg11 : memref<!tpu.dma_semaphore, #tpu.memory_space<semaphore_mem>>) src(%dma_wait3A_116 : memref<20000x128xf32, #tpu.memory_space<hbm>>) dst(%arg9 : memref<80x128xf32, #tpu.memory_space<vmem>>)
        %ge3A_117 = arith.constant 1 : i32
        %ge3A_118 = arith.cmpi sge, %add3A_110, %ge3A_117 : i32
        %convert_element_type3A_119 = arith.extui %ge3A_118 : i1 to i32
        %cond3A_120 = arith.constant 0 : i32
        %cond3A_121 = arith.cmpi ne, %convert_element_type3A_119, %cond3A_120 : i32
        scf.if %cond3A_121 {
          %dma_wait3A_135 = arith.constant 0 : i32
          %dma_wait3A_136 = arith.constant 0 : i32
          %dma_wait3A_137 = tpu.memref_slice %arg2[%dma_wait3A_135, %dma_wait3A_136] : memref<20000x128xf32, #tpu.memory_space<hbm>> -> memref<80x128xf32, #tpu.memory_space<hbm>>
          %dma_wait3A_138 = arith.constant 0 : i32
          %dma_wait3A_139 = arith.constant 0 : i32
          %dma_wait3A_140 = tpu.memref_slice %arg2[%dma_wait3A_138, %dma_wait3A_139] : memref<20000x128xf32, #tpu.memory_space<hbm>> -> memref<80x128xf32, #tpu.memory_space<hbm>>
          tpu.wait_dma2 semaphore(%arg12 : memref<!tpu.dma_semaphore, #tpu.memory_space<semaphore_mem>>) src(%dma_wait3A_140 : memref<80x128xf32, #tpu.memory_space<hbm>>) dst(%arg8 : memref<80x128xf32, #tpu.memory_space<vmem>>)
        } else {
        }
        %add3A_122 = arith.constant 1 : i32
        %add3A_123 = arith.addi %add3A_110, %add3A_122 : i32
        %lt3A_124 = arith.constant 50 : i32
        %lt3A_125 = arith.cmpi slt, %add3A_123, %lt3A_124 : i32
        %convert_element_type3A_126 = arith.extui %lt3A_125 : i1 to i32
        %cond3A_127 = arith.constant 0 : i32
        %cond3A_128 = arith.cmpi ne, %convert_element_type3A_126, %cond3A_127 : i32
        scf.if %cond3A_128 {
          %add3A_135 = arith.constant 1 : i32
          %add3A_136 = arith.addi %add3A_110, %add3A_135 : i32
          %mul3A_137 = arith.constant 80 : i32
          %mul3A_138 = arith.muli %add3A_136, %mul3A_137 : i32
          %dma_start3A_139 = tpu.memref_slice %arg6[%mul3A_138] : memref<4000xi32, #tpu.memory_space<vmem>> -> memref<80xi32, #tpu.memory_space<vmem>>
          %dma_start3A_140 = arith.constant 0 : i32
          %dma_start3A_141 = arith.constant 0 : i32
          %dma_start3A_142 = tpu.memref_slice %arg2[%dma_start3A_140, %dma_start3A_141] : memref<20000x128xf32, #tpu.memory_space<hbm>> -> memref<20000x128xf32, #tpu.memory_space<hbm>>
          tpu.enqueue_indirect_dma source(%dma_start3A_142 : memref<20000x128xf32, #tpu.memory_space<hbm>>) target(%arg8 : memref<80x128xf32, #tpu.memory_space<vmem>>) offsets(%dma_start3A_139 : memref<80xi32, #tpu.memory_space<vmem>>) semaphore(%arg10 : memref<!tpu.dma_semaphore, #tpu.memory_space<semaphore_mem>>)
        } else {
        }
        %dma_start3A_129 = arith.constant 0 : i32
        %dma_start3A_130 = tpu.memref_slice %arg7[%add3A_110, %dma_start3A_129] : memref<50x80xi32, #tpu.memory_space<vmem>> -> memref<1x80xi32, #tpu.memory_space<vmem>>
        %dma_start3A_131 = tpu.memref_squeeze %dma_start3A_130 : memref<1x80xi32, #tpu.memory_space<vmem>> -> memref<80xi32, #tpu.memory_space<vmem>>
        %dma_start3A_132 = arith.constant 0 : i32
        %dma_start3A_133 = arith.constant 0 : i32
        %dma_start3A_134 = tpu.memref_slice %arg14[%dma_start3A_132, %dma_start3A_133] : memref<10240x128xf32, #tpu.memory_space<vmem_shared>> -> memref<10240x128xf32, #tpu.memory_space<vmem_shared>>
        tpu.enqueue_indirect_dma source(%arg9 : memref<80x128xf32, #tpu.memory_space<vmem>>) target(%dma_start3A_134 : memref<10240x128xf32, #tpu.memory_space<vmem_shared>>) offsets(%dma_start3A_131 : memref<80xi32, #tpu.memory_space<vmem>>) semaphore(%arg13 : memref<!tpu.dma_semaphore, #tpu.memory_space<semaphore_mem>>) {add = true}
      }
      %scan3A_76 = arith.constant 25 : i32
      %dma_wait3A = arith.constant 0 : i32
      %dma_wait3A_77 = arith.constant 0 : i32
      %dma_wait3A_78 = tpu.memref_slice %arg2[%dma_wait3A, %dma_wait3A_77] : memref<20000x128xf32, #tpu.memory_space<hbm>> -> memref<80x128xf32, #tpu.memory_space<hbm>>
      %dma_wait3A_79 = arith.constant 0 : i32
      %dma_wait3A_80 = arith.constant 0 : i32
      %dma_wait3A_81 = tpu.memref_slice %arg2[%dma_wait3A_79, %dma_wait3A_80] : memref<20000x128xf32, #tpu.memory_space<hbm>> -> memref<80x128xf32, #tpu.memory_space<hbm>>
      tpu.wait_dma2 semaphore(%arg13 : memref<!tpu.dma_semaphore, #tpu.memory_space<semaphore_mem>>) src(%dma_wait3A_81 : memref<80x128xf32, #tpu.memory_space<hbm>>) dst(%arg9 : memref<80x128xf32, #tpu.memory_space<vmem>>)
    }
    %scan3A_42 = arith.constant 5 : i32
    %barrier3A_43 = arith.constant 0 : index
    tpu.barrier barrier_id(%barrier3A_43)
    %eq3A = arith.constant 15 : i32
    %eq3A_44 = arith.cmpi eq, %arg1, %eq3A : i32
    %jit3A = arith.constant 5 : i32
    %jit3A_45 = arith.constant 8 : i32
    %select_n3A = arith.select %eq3A_44, %jit3A, %jit3A_45 : i32
    %while3A = arith.constant 0 : i32
    %while3A_46 = arith.constant 0 : i32
    %while3A_47 = arith.subi %select_n3A, %while3A_46 : i32
    %while3A_48 = arith.addi %while3A_46, %while3A_47 : i32
    %while3A_49 = arith.constant 1 : i32
    %while3A_50 = arith.divsi %while3A_47, %while3A_49 : i32
    %while3A_51 = arith.muli %while3A_50, %while3A_49 : i32
    %while3A_52 = arith.addi %while3A_46, %while3A_51 : i32
    %while3A_53 = arith.constant 1 : i32
    scf.for %while3A_55 = %while3A_46 to %while3A_52 step %while3A_53  : i32 {
      %mul3A_56 = arith.constant 640 : i32
      %mul3A_57 = arith.muli %arg1, %mul3A_56 : i32
      %mul3A_58 = arith.constant 80 : i32
      %mul3A_59 = arith.muli %while3A_55, %mul3A_58 : i32
      %add3A_60 = arith.addi %mul3A_57, %mul3A_59 : i32
      "tpu.region"() ({
        %run_scoped3A = tpu.sem_alloc : memref<!tpu.dma_semaphore, #tpu.memory_space<semaphore_mem>>
        %dma_start3A = arith.constant 0 : i32
        %dma_start3A_61 = tpu.memref_slice %arg14[%add3A_60, %dma_start3A] : memref<10240x128xf32, #tpu.memory_space<vmem_shared>> -> memref<80x128xf32, #tpu.memory_space<vmem_shared>>
        %dma_start3A_62 = arith.constant 0 : i32
        %dma_start3A_63 = tpu.memref_slice %arg14[%add3A_60, %dma_start3A_62] : memref<10240x128xf32, #tpu.memory_space<vmem_shared>> -> memref<80x128xf32, #tpu.memory_space<vmem_shared>>
        tpu.enqueue_dma source(%dma_start3A_63 : memref<80x128xf32, #tpu.memory_space<vmem_shared>>) target(%arg8 : memref<80x128xf32, #tpu.memory_space<vmem>>) target_semaphore(%run_scoped3A : memref<!tpu.dma_semaphore, #tpu.memory_space<semaphore_mem>>)
        %dma_wait3A = arith.constant 0 : i32
        %dma_wait3A_64 = tpu.memref_slice %arg14[%add3A_60, %dma_wait3A] : memref<10240x128xf32, #tpu.memory_space<vmem_shared>> -> memref<80x128xf32, #tpu.memory_space<vmem_shared>>
        %dma_wait3A_65 = arith.constant 0 : i32
        %dma_wait3A_66 = tpu.memref_slice %arg14[%add3A_60, %dma_wait3A_65] : memref<10240x128xf32, #tpu.memory_space<vmem_shared>> -> memref<80x128xf32, #tpu.memory_space<vmem_shared>>
        tpu.wait_dma2 semaphore(%run_scoped3A : memref<!tpu.dma_semaphore, #tpu.memory_space<semaphore_mem>>) src(%dma_wait3A_66 : memref<80x128xf32, #tpu.memory_space<vmem_shared>>) dst(%arg8 : memref<80x128xf32, #tpu.memory_space<vmem>>)
        tpu.yield
      }) : () -> ()
      "tpu.region"() ({
        %run_scoped3A = tpu.sem_alloc : memref<!tpu.dma_semaphore, #tpu.memory_space<semaphore_mem>>
        %dma_start3A = arith.constant 0 : i32
        %dma_start3A_61 = tpu.memref_slice %arg5[%arg0, %add3A_60, %dma_start3A] : memref<2x10000x128xf32, #tpu.memory_space<hbm>> -> memref<1x80x128xf32, #tpu.memory_space<hbm>>
        %dma_start3A_62 = tpu.memref_squeeze %dma_start3A_61 : memref<1x80x128xf32, #tpu.memory_space<hbm>> -> memref<80x128xf32, #tpu.memory_space<hbm>>
        %dma_start3A_63 = arith.constant 0 : i32
        %dma_start3A_64 = tpu.memref_slice %arg5[%arg0, %add3A_60, %dma_start3A_63] : memref<2x10000x128xf32, #tpu.memory_space<hbm>> -> memref<1x80x128xf32, #tpu.memory_space<hbm>>
        %dma_start3A_65 = tpu.memref_squeeze %dma_start3A_64 : memref<1x80x128xf32, #tpu.memory_space<hbm>> -> memref<80x128xf32, #tpu.memory_space<hbm>>
        tpu.enqueue_dma source(%arg8 : memref<80x128xf32, #tpu.memory_space<vmem>>) target(%dma_start3A_65 : memref<80x128xf32, #tpu.memory_space<hbm>>) target_semaphore(%run_scoped3A : memref<!tpu.dma_semaphore, #tpu.memory_space<semaphore_mem>>)
        %dma_wait3A = arith.constant 0 : i32
        %dma_wait3A_66 = tpu.memref_slice %arg5[%arg0, %add3A_60, %dma_wait3A] : memref<2x10000x128xf32, #tpu.memory_space<hbm>> -> memref<1x80x128xf32, #tpu.memory_space<hbm>>
        %dma_wait3A_67 = tpu.memref_squeeze %dma_wait3A_66 : memref<1x80x128xf32, #tpu.memory_space<hbm>> -> memref<80x128xf32, #tpu.memory_space<hbm>>
        %dma_wait3A_68 = arith.constant 0 : i32
        %dma_wait3A_69 = tpu.memref_slice %arg5[%arg0, %add3A_60, %dma_wait3A_68] : memref<2x10000x128xf32, #tpu.memory_space<hbm>> -> memref<1x80x128xf32, #tpu.memory_space<hbm>>
        %dma_wait3A_70 = tpu.memref_squeeze %dma_wait3A_69 : memref<1x80x128xf32, #tpu.memory_space<hbm>> -> memref<80x128xf32, #tpu.memory_space<hbm>>
        tpu.wait_dma2 semaphore(%run_scoped3A : memref<!tpu.dma_semaphore, #tpu.memory_space<semaphore_mem>>) src(%arg8 : memref<80x128xf32, #tpu.memory_space<vmem>>) dst(%dma_wait3A_70 : memref<80x128xf32, #tpu.memory_space<hbm>>)
        tpu.yield
      }) : () -> ()
    }
    %while3A_54 = arith.constant 1 : i32
    scf.for %while3A_55 = %while3A_52 to %while3A_48 step %while3A_54  : i32 {
      %mul3A_56 = arith.constant 640 : i32
      %mul3A_57 = arith.muli %arg1, %mul3A_56 : i32
      %mul3A_58 = arith.constant 80 : i32
      %mul3A_59 = arith.muli %while3A_55, %mul3A_58 : i32
      %add3A_60 = arith.addi %mul3A_57, %mul3A_59 : i32
      "tpu.region"() ({
        %run_scoped3A = tpu.sem_alloc : memref<!tpu.dma_semaphore, #tpu.memory_space<semaphore_mem>>
        %dma_start3A = arith.constant 0 : i32
        %dma_start3A_61 = tpu.memref_slice %arg14[%add3A_60, %dma_start3A] : memref<10240x128xf32, #tpu.memory_space<vmem_shared>> -> memref<80x128xf32, #tpu.memory_space<vmem_shared>>
        %dma_start3A_62 = arith.constant 0 : i32
        %dma_start3A_63 = tpu.memref_slice %arg14[%add3A_60, %dma_start3A_62] : memref<10240x128xf32, #tpu.memory_space<vmem_shared>> -> memref<80x128xf32, #tpu.memory_space<vmem_shared>>
        tpu.enqueue_dma source(%dma_start3A_63 : memref<80x128xf32, #tpu.memory_space<vmem_shared>>) target(%arg8 : memref<80x128xf32, #tpu.memory_space<vmem>>) target_semaphore(%run_scoped3A : memref<!tpu.dma_semaphore, #tpu.memory_space<semaphore_mem>>)
        %dma_wait3A = arith.constant 0 : i32
        %dma_wait3A_64 = tpu.memref_slice %arg14[%add3A_60, %dma_wait3A] : memref<10240x128xf32, #tpu.memory_space<vmem_shared>> -> memref<80x128xf32, #tpu.memory_space<vmem_shared>>
        %dma_wait3A_65 = arith.constant 0 : i32
        %dma_wait3A_66 = tpu.memref_slice %arg14[%add3A_60, %dma_wait3A_65] : memref<10240x128xf32, #tpu.memory_space<vmem_shared>> -> memref<80x128xf32, #tpu.memory_space<vmem_shared>>
        tpu.wait_dma2 semaphore(%run_scoped3A : memref<!tpu.dma_semaphore, #tpu.memory_space<semaphore_mem>>) src(%dma_wait3A_66 : memref<80x128xf32, #tpu.memory_space<vmem_shared>>) dst(%arg8 : memref<80x128xf32, #tpu.memory_space<vmem>>)
        tpu.yield
      }) : () -> ()
      "tpu.region"() ({
        %run_scoped3A = tpu.sem_alloc : memref<!tpu.dma_semaphore, #tpu.memory_space<semaphore_mem>>
        %dma_start3A = arith.constant 0 : i32
        %dma_start3A_61 = tpu.memref_slice %arg5[%arg0, %add3A_60, %dma_start3A] : memref<2x10000x128xf32, #tpu.memory_space<hbm>> -> memref<1x80x128xf32, #tpu.memory_space<hbm>>
        %dma_start3A_62 = tpu.memref_squeeze %dma_start3A_61 : memref<1x80x128xf32, #tpu.memory_space<hbm>> -> memref<80x128xf32, #tpu.memory_space<hbm>>
        %dma_start3A_63 = arith.constant 0 : i32
        %dma_start3A_64 = tpu.memref_slice %arg5[%arg0, %add3A_60, %dma_start3A_63] : memref<2x10000x128xf32, #tpu.memory_space<hbm>> -> memref<1x80x128xf32, #tpu.memory_space<hbm>>
        %dma_start3A_65 = tpu.memref_squeeze %dma_start3A_64 : memref<1x80x128xf32, #tpu.memory_space<hbm>> -> memref<80x128xf32, #tpu.memory_space<hbm>>
        tpu.enqueue_dma source(%arg8 : memref<80x128xf32, #tpu.memory_space<vmem>>) target(%dma_start3A_65 : memref<80x128xf32, #tpu.memory_space<hbm>>) target_semaphore(%run_scoped3A : memref<!tpu.dma_semaphore, #tpu.memory_space<semaphore_mem>>)
        %dma_wait3A = arith.constant 0 : i32
        %dma_wait3A_66 = tpu.memref_slice %arg5[%arg0, %add3A_60, %dma_wait3A] : memref<2x10000x128xf32, #tpu.memory_space<hbm>> -> memref<1x80x128xf32, #tpu.memory_space<hbm>>
        %dma_wait3A_67 = tpu.memref_squeeze %dma_wait3A_66 : memref<1x80x128xf32, #tpu.memory_space<hbm>> -> memref<80x128xf32, #tpu.memory_space<hbm>>
        %dma_wait3A_68 = arith.constant 0 : i32
        %dma_wait3A_69 = tpu.memref_slice %arg5[%arg0, %add3A_60, %dma_wait3A_68] : memref<2x10000x128xf32, #tpu.memory_space<hbm>> -> memref<1x80x128xf32, #tpu.memory_space<hbm>>
        %dma_wait3A_70 = tpu.memref_squeeze %dma_wait3A_69 : memref<1x80x128xf32, #tpu.memory_space<hbm>> -> memref<80x128xf32, #tpu.memory_space<hbm>>
        tpu.wait_dma2 semaphore(%run_scoped3A : memref<!tpu.dma_semaphore, #tpu.memory_space<semaphore_mem>>) src(%arg8 : memref<80x128xf32, #tpu.memory_space<vmem>>) dst(%dma_wait3A_70 : memref<80x128xf32, #tpu.memory_space<hbm>>)
        tpu.yield
      }) : () -> ()
    }
    return
  }
}

module attributes {stable_mosaic.version = 14 : i64} {
  func.func @body(%arg0: i32, %arg1: memref<2000x128xf32, #tpu.memory_space<vmem>>, %arg2: memref<128x256xf32, #tpu.memory_space<vmem>>, %arg3: memref<2000x256xf32, #tpu.memory_space<vmem>>) attributes {dimension_semantics = [#tpu.dimension_semantics<arbitrary>], iteration_bounds = array<i64: 5>, scalar_prefetch = 0 : i64, scratch_operands = 0 : i64, tpu.core_type = #tpu.core_type<tc>, window_params = [{transform_indices = @transform_0, window_bounds = array<i64: 2000, 128>}, {pipeline_mode = #tpu.pipeline_mode<synchronous>, transform_indices = @transform_1, window_bounds = array<i64: 128, 256>}, {transform_indices = @transform_2, window_bounds = array<i64: 2000, 256>}]} {
    %get3A = arith.constant 0 : index
    %get3A_0 = arith.constant 0 : index
    %get3A_1 = vector.load %arg1[%get3A, %get3A_0] : memref<2000x128xf32, #tpu.memory_space<vmem>>, vector<2000x128xf32>
    %convert_element_type3A = arith.truncf %get3A_1 : vector<2000x128xf32> to vector<2000x128xbf16>
    %get3A_2 = arith.constant 0 : index
    %get3A_3 = arith.constant 0 : index
    %get3A_4 = vector.load %arg2[%get3A_2, %get3A_3] : memref<128x256xf32, #tpu.memory_space<vmem>>, vector<128x256xf32>
    %convert_element_type3A_5 = arith.truncf %get3A_4 : vector<128x256xf32> to vector<128x256xbf16>
    %dot_general3A = arith.constant dense<0.000000e+00> : vector<2000x256xf32>
    %dot_general3A_6 = tpu.matmul %convert_element_type3A, %convert_element_type3A_5, %dot_general3A {dimension_numbers = #tpu.dot_dimension_numbers<[1], [0], [0], [1], [0, 0, 1, 1], [], []>, transpose_lhs_hint = false} : vector<2000x128xbf16>, vector<128x256xbf16>, vector<2000x256xf32> -> vector<2000x256xf32>
    %swap3A = arith.constant 0 : index
    %swap3A_7 = arith.constant 0 : index
    %swap3A_8 = vector.load %arg3[%swap3A, %swap3A_7] : memref<2000x256xf32, #tpu.memory_space<vmem>>, vector<2000x256xf32>
    tpu.vector_store %arg3[%swap3A, %swap3A_7], %dot_general3A_6 {strides = array<i32>} : memref<2000x256xf32, #tpu.memory_space<vmem>>, vector<2000x256xf32>,
    return
  }
  func.func @transform_0(%arg0: i32) -> (i32, i32) {
    %c0_i32 = arith.constant 0 : i32
    %c0_i32_0 = arith.constant 0 : i32
    return %arg0, %c0_i32 : i32, i32
  }
  func.func @transform_1(%arg0: i32) -> (i32, i32) {
    %c0_i32 = arith.constant 0 : i32
    %c0_i32_0 = arith.constant 0 : i32
    %c0_i32_1 = arith.constant 0 : i32
    return %c0_i32, %c0_i32_0 : i32, i32
  }
  func.func @transform_2(%arg0: i32) -> (i32, i32) {
    %c0_i32 = arith.constant 0 : i32
    %c0_i32_0 = arith.constant 0 : i32
    return %arg0, %c0_i32 : i32, i32
  }
}

module attributes {stable_mosaic.version = 14 : i64} {
  func.func @body(%arg0: i32, %arg1: memref<2000x256xf32, #tpu.memory_space<vmem>>, %arg2: memref<2000x1xf32, #tpu.memory_space<vmem>>, %arg3: memref<2x2000x128xf32, #tpu.memory_space<vmem>>) attributes {dimension_semantics = [#tpu.dimension_semantics<arbitrary>], iteration_bounds = array<i64: 5>, scalar_prefetch = 0 : i64, scratch_operands = 0 : i64, tpu.core_type = #tpu.core_type<tc>, window_params = [{transform_indices = @transform_0, window_bounds = array<i64: 2000, 256>}, {transform_indices = @transform_1, window_bounds = array<i64: 2000, 1>}, {transform_indices = @transform_2, window_bounds = array<i64: 2, 2000, 128>}]} {
    %get3A = arith.constant 0 : index
    %get3A_0 = arith.constant 0 : index
    %get3A_1 = vector.load %arg2[%get3A, %get3A_0] : memref<2000x1xf32, #tpu.memory_space<vmem>>, vector<2000x1xf32>
    %max3A = arith.constant 1.000000e+00 : f32
    %max3A_2 = vector.broadcast %max3A : f32 to vector<2000x1xf32>
    %max3A_3 = arith.maximumf %get3A_1, %max3A_2 : vector<2000x1xf32>
    %rsqrt3A = math.rsqrt %max3A_3 : vector<2000x1xf32>
    %get3A_4 = arith.constant 0 : index
    %get3A_5 = arith.constant 0 : index
    %get3A_6 = vector.load %arg1[%get3A_4, %get3A_5] : memref<2000x256xf32, #tpu.memory_space<vmem>>, vector<2000x256xf32>
    %mul3A = vector.broadcast %rsqrt3A : vector<2000x1xf32> to vector<2000x256xf32>
    %mul3A_7 = arith.mulf %get3A_6, %mul3A : vector<2000x256xf32>
    %slice3A = vector.extract_strided_slice %mul3A_7 {offsets = [0, 0], sizes = [2000, 128], strides = [1, 1]} : vector<2000x256xf32> to vector<2000x128xf32>
    %swap3A = arith.constant 0 : index
    %swap3A_8 = arith.constant 0 : index
    %swap3A_9 = arith.constant 0 : index
    %swap3A_10 = vector.load %arg3[%swap3A, %swap3A_8, %swap3A_9] : memref<2x2000x128xf32, #tpu.memory_space<vmem>>, vector<1x2000x128xf32>
    %swap3A_11 = vector.shape_cast %swap3A_10 : vector<1x2000x128xf32> to vector<2000x128xf32>
    %swap3A_12 = vector.shape_cast %slice3A : vector<2000x128xf32> to vector<1x2000x128xf32>
    tpu.vector_store %arg3[%swap3A, %swap3A_8, %swap3A_9], %swap3A_12 {strides = array<i32>} : memref<2x2000x128xf32, #tpu.memory_space<vmem>>, vector<1x2000x128xf32>,
    %slice3A_13 = vector.extract_strided_slice %mul3A_7 {offsets = [0, 128], sizes = [2000, 128], strides = [1, 1]} : vector<2000x256xf32> to vector<2000x128xf32>
    %swap3A_14 = arith.constant 1 : index
    %swap3A_15 = arith.constant 0 : index
    %swap3A_16 = arith.constant 0 : index
    %swap3A_17 = vector.load %arg3[%swap3A_14, %swap3A_15, %swap3A_16] : memref<2x2000x128xf32, #tpu.memory_space<vmem>>, vector<1x2000x128xf32>
    %swap3A_18 = vector.shape_cast %swap3A_17 : vector<1x2000x128xf32> to vector<2000x128xf32>
    %swap3A_19 = vector.shape_cast %slice3A_13 : vector<2000x128xf32> to vector<1x2000x128xf32>
    tpu.vector_store %arg3[%swap3A_14, %swap3A_15, %swap3A_16], %swap3A_19 {strides = array<i32>} : memref<2x2000x128xf32, #tpu.memory_space<vmem>>, vector<1x2000x128xf32>,
    return
  }
  func.func @transform_0(%arg0: i32) -> (i32, i32) {
    %c0_i32 = arith.constant 0 : i32
    %c0_i32_0 = arith.constant 0 : i32
    return %arg0, %c0_i32 : i32, i32
  }
  func.func @transform_1(%arg0: i32) -> (i32, i32) {
    %c0_i32 = arith.constant 0 : i32
    %c0_i32_0 = arith.constant 0 : i32
    return %arg0, %c0_i32 : i32, i32
  }
  func.func @transform_2(%arg0: i32) -> (i32, i32, i32) {
    %c0_i32 = arith.constant 0 : i32
    %c0_i32_0 = arith.constant 0 : i32
    %c0_i32_1 = arith.constant 0 : i32
    return %c0_i32, %arg0, %c0_i32_0 : i32, i32, i32
  }
}

module attributes {stable_mosaic.version = 14 : i64} {
  func.func @body(%arg0: i32, %arg1: memref<2x2000x128xf32, #tpu.memory_space<vmem>>, %arg2: memref<2000x1xf32, #tpu.memory_space<vmem>>, %arg3: memref<2000x1xf32, #tpu.memory_space<vmem>>, %arg4: memref<1x256xf32, #tpu.memory_space<vmem>>, %arg5: memref<256x256xf32, #tpu.memory_space<vmem>>, %arg6: memref<2x2000x128xf32, #tpu.memory_space<vmem>>) attributes {dimension_semantics = [#tpu.dimension_semantics<arbitrary>], iteration_bounds = array<i64: 5>, scalar_prefetch = 0 : i64, scratch_operands = 0 : i64, tpu.core_type = #tpu.core_type<tc>, window_params = [{transform_indices = @transform_0, window_bounds = array<i64: 2, 2000, 128>}, {transform_indices = @transform_1, window_bounds = array<i64: 2000, 1>}, {transform_indices = @transform_2, window_bounds = array<i64: 2000, 1>}, {pipeline_mode = #tpu.pipeline_mode<synchronous>, transform_indices = @transform_3, window_bounds = array<i64: 1, 256>}, {pipeline_mode = #tpu.pipeline_mode<synchronous>, transform_indices = @transform_4, window_bounds = array<i64: 256, 256>}, {transform_indices = @transform_5, window_bounds = array<i64: 2, 2000, 128>}]} {
    %get3A = arith.constant 0 : index
    %get3A_0 = arith.constant 0 : index
    %get3A_1 = vector.load %arg2[%get3A, %get3A_0] : memref<2000x1xf32, #tpu.memory_space<vmem>>, vector<2000x1xf32>
    %max3A = arith.constant 1.000000e+00 : f32
    %max3A_2 = vector.broadcast %max3A : f32 to vector<2000x1xf32>
    %max3A_3 = arith.maximumf %get3A_1, %max3A_2 : vector<2000x1xf32>
    %rsqrt3A = math.rsqrt %max3A_3 : vector<2000x1xf32>
    %get3A_4 = arith.constant 0 : index
    %get3A_5 = arith.constant 0 : index
    %get3A_6 = vector.load %arg3[%get3A_4, %get3A_5] : memref<2000x1xf32, #tpu.memory_space<vmem>>, vector<2000x1xf32>
    %max3A_7 = arith.constant 1.000000e+00 : f32
    %max3A_8 = vector.broadcast %max3A_7 : f32 to vector<2000x1xf32>
    %max3A_9 = arith.maximumf %get3A_6, %max3A_8 : vector<2000x1xf32>
    %rsqrt3A_10 = math.rsqrt %max3A_9 : vector<2000x1xf32>
    %get3A_11 = arith.constant 0 : index
    %get3A_12 = arith.constant 0 : index
    %get3A_13 = arith.constant 0 : index
    %get3A_14 = vector.load %arg1[%get3A_11, %get3A_12, %get3A_13] : memref<2x2000x128xf32, #tpu.memory_space<vmem>>, vector<1x2000x128xf32>
    %get3A_15 = vector.shape_cast %get3A_14 : vector<1x2000x128xf32> to vector<2000x128xf32>
    %get3A_16 = arith.constant 1 : index
    %get3A_17 = arith.constant 0 : index
    %get3A_18 = arith.constant 0 : index
    %get3A_19 = vector.load %arg1[%get3A_16, %get3A_17, %get3A_18] : memref<2x2000x128xf32, #tpu.memory_space<vmem>>, vector<1x2000x128xf32>
    %get3A_20 = vector.shape_cast %get3A_19 : vector<1x2000x128xf32> to vector<2000x128xf32>
    %concatenate3A = tpu.concatenate %get3A_15, %get3A_20 in 1 : vector<2000x128xf32>, vector<2000x128xf32> -> vector<2000x256xf32>
    %mul3A = vector.broadcast %rsqrt3A : vector<2000x1xf32> to vector<2000x256xf32>
    %mul3A_21 = arith.mulf %concatenate3A, %mul3A : vector<2000x256xf32>
    %get3A_22 = arith.constant 0 : index
    %get3A_23 = arith.constant 0 : index
    %get3A_24 = vector.load %arg4[%get3A_22, %get3A_23] : memref<1x256xf32, #tpu.memory_space<vmem>>, vector<1x256xf32>
    %add3A = vector.broadcast %get3A_24 : vector<1x256xf32> to vector<2000x256xf32>
    %add3A_25 = arith.addf %mul3A_21, %add3A : vector<2000x256xf32>
    %max3A_26 = arith.constant 0.000000e+00 : f32
    %max3A_27 = vector.broadcast %max3A_26 : f32 to vector<2000x256xf32>
    %max3A_28 = arith.maximumf %add3A_25, %max3A_27 : vector<2000x256xf32>
    %convert_element_type3A = arith.truncf %max3A_28 : vector<2000x256xf32> to vector<2000x256xbf16>
    %get3A_29 = arith.constant 0 : index
    %get3A_30 = arith.constant 0 : index
    %get3A_31 = vector.load %arg5[%get3A_29, %get3A_30] : memref<256x256xf32, #tpu.memory_space<vmem>>, vector<256x256xf32>
    %convert_element_type3A_32 = arith.truncf %get3A_31 : vector<256x256xf32> to vector<256x256xbf16>
    %dot_general3A = arith.constant dense<0.000000e+00> : vector<2000x256xf32>
    %dot_general3A_33 = tpu.matmul %convert_element_type3A, %convert_element_type3A_32, %dot_general3A {dimension_numbers = #tpu.dot_dimension_numbers<[1], [0], [0], [1], [0, 0, 1, 1], [], []>, transpose_lhs_hint = false} : vector<2000x256xbf16>, vector<256x256xbf16>, vector<2000x256xf32> -> vector<2000x256xf32>
    %mul3A_34 = vector.broadcast %rsqrt3A_10 : vector<2000x1xf32> to vector<2000x256xf32>
    %mul3A_35 = arith.mulf %dot_general3A_33, %mul3A_34 : vector<2000x256xf32>
    %slice3A = vector.extract_strided_slice %mul3A_35 {offsets = [0, 0], sizes = [2000, 128], strides = [1, 1]} : vector<2000x256xf32> to vector<2000x128xf32>
    %swap3A = arith.constant 0 : index
    %swap3A_36 = arith.constant 0 : index
    %swap3A_37 = arith.constant 0 : index
    %swap3A_38 = vector.load %arg6[%swap3A, %swap3A_36, %swap3A_37] : memref<2x2000x128xf32, #tpu.memory_space<vmem>>, vector<1x2000x128xf32>
    %swap3A_39 = vector.shape_cast %swap3A_38 : vector<1x2000x128xf32> to vector<2000x128xf32>
    %swap3A_40 = vector.shape_cast %slice3A : vector<2000x128xf32> to vector<1x2000x128xf32>
    tpu.vector_store %arg6[%swap3A, %swap3A_36, %swap3A_37], %swap3A_40 {strides = array<i32>} : memref<2x2000x128xf32, #tpu.memory_space<vmem>>, vector<1x2000x128xf32>,
    %slice3A_41 = vector.extract_strided_slice %mul3A_35 {offsets = [0, 128], sizes = [2000, 128], strides = [1, 1]} : vector<2000x256xf32> to vector<2000x128xf32>
    %swap3A_42 = arith.constant 1 : index
    %swap3A_43 = arith.constant 0 : index
    %swap3A_44 = arith.constant 0 : index
    %swap3A_45 = vector.load %arg6[%swap3A_42, %swap3A_43, %swap3A_44] : memref<2x2000x128xf32, #tpu.memory_space<vmem>>, vector<1x2000x128xf32>
    %swap3A_46 = vector.shape_cast %swap3A_45 : vector<1x2000x128xf32> to vector<2000x128xf32>
    %swap3A_47 = vector.shape_cast %slice3A_41 : vector<2000x128xf32> to vector<1x2000x128xf32>
    tpu.vector_store %arg6[%swap3A_42, %swap3A_43, %swap3A_44], %swap3A_47 {strides = array<i32>} : memref<2x2000x128xf32, #tpu.memory_space<vmem>>, vector<1x2000x128xf32>,
    return
  }
  func.func @transform_0(%arg0: i32) -> (i32, i32, i32) {
    %c0_i32 = arith.constant 0 : i32
    %c0_i32_0 = arith.constant 0 : i32
    %c0_i32_1 = arith.constant 0 : i32
    return %c0_i32, %arg0, %c0_i32_0 : i32, i32, i32
  }
  func.func @transform_1(%arg0: i32) -> (i32, i32) {
    %c0_i32 = arith.constant 0 : i32
    %c0_i32_0 = arith.constant 0 : i32
    return %arg0, %c0_i32 : i32, i32
  }
  func.func @transform_2(%arg0: i32) -> (i32, i32) {
    %c0_i32 = arith.constant 0 : i32
    %c0_i32_0 = arith.constant 0 : i32
    return %arg0, %c0_i32 : i32, i32
  }
  func.func @transform_3(%arg0: i32) -> (i32, i32) {
    %c0_i32 = arith.constant 0 : i32
    %c0_i32_0 = arith.constant 0 : i32
    %c0_i32_1 = arith.constant 0 : i32
    return %c0_i32, %c0_i32_0 : i32, i32
  }
  func.func @transform_4(%arg0: i32) -> (i32, i32) {
    %c0_i32 = arith.constant 0 : i32
    %c0_i32_0 = arith.constant 0 : i32
    %c0_i32_1 = arith.constant 0 : i32
    return %c0_i32, %c0_i32_0 : i32, i32
  }
  func.func @transform_5(%arg0: i32) -> (i32, i32, i32) {
    %c0_i32 = arith.constant 0 : i32
    %c0_i32_0 = arith.constant 0 : i32
    %c0_i32_1 = arith.constant 0 : i32
    return %c0_i32, %arg0, %c0_i32_0 : i32, i32, i32
  }
}

module attributes {stable_mosaic.version = 14 : i64} {
  func.func @body(%arg0: i32, %arg1: memref<2x2000x128xf32, #tpu.memory_space<vmem>>, %arg2: memref<2000x1xf32, #tpu.memory_space<vmem>>, %arg3: memref<1x256xf32, #tpu.memory_space<vmem>>, %arg4: memref<256x256xf32, #tpu.memory_space<vmem>>, %arg5: memref<1x256xf32, #tpu.memory_space<vmem>>, %arg6: memref<1x1xf32, #tpu.memory_space<vmem>>, %arg7: memref<256x256xf32, #tpu.memory_space<vmem>>, %arg8: memref<1x256xf32, #tpu.memory_space<vmem>>, %arg9: memref<1x1xf32, #tpu.memory_space<vmem>>) attributes {dimension_semantics = [#tpu.dimension_semantics<arbitrary>], iteration_bounds = array<i64: 5>, scalar_prefetch = 0 : i64, scratch_operands = 0 : i64, tpu.core_type = #tpu.core_type<tc>, window_params = [{transform_indices = @transform_0, window_bounds = array<i64: 2, 2000, 128>}, {transform_indices = @transform_1, window_bounds = array<i64: 2000, 1>}, {pipeline_mode = #tpu.pipeline_mode<synchronous>, transform_indices = @transform_2, window_bounds = array<i64: 1, 256>}, {pipeline_mode = #tpu.pipeline_mode<synchronous>, transform_indices = @transform_3, window_bounds = array<i64: 256, 256>}, {pipeline_mode = #tpu.pipeline_mode<synchronous>, transform_indices = @transform_4, window_bounds = array<i64: 1, 256>}, {pipeline_mode = #tpu.pipeline_mode<synchronous>, transform_indices = @transform_5, window_bounds = array<i64: 1, 1>}, {pipeline_mode = #tpu.pipeline_mode<synchronous>, transform_indices = @transform_6, window_bounds = array<i64: 256, 256>}, {pipeline_mode = #tpu.pipeline_mode<synchronous>, transform_indices = @transform_7, window_bounds = array<i64: 1, 256>}, {pipeline_mode = #tpu.pipeline_mode<synchronous>, transform_indices = @transform_8, window_bounds = array<i64: 1, 1>}]} {
    %get3A = arith.constant 0 : index
    %get3A_0 = arith.constant 0 : index
    %get3A_1 = vector.load %arg2[%get3A, %get3A_0] : memref<2000x1xf32, #tpu.memory_space<vmem>>, vector<2000x1xf32>
    %max3A = arith.constant 1.000000e+00 : f32
    %max3A_2 = vector.broadcast %max3A : f32 to vector<2000x1xf32>
    %max3A_3 = arith.maximumf %get3A_1, %max3A_2 : vector<2000x1xf32>
    %rsqrt3A = math.rsqrt %max3A_3 : vector<2000x1xf32>
    %get3A_4 = arith.constant 0 : index
    %get3A_5 = arith.constant 0 : index
    %get3A_6 = arith.constant 0 : index
    %get3A_7 = vector.load %arg1[%get3A_4, %get3A_5, %get3A_6] : memref<2x2000x128xf32, #tpu.memory_space<vmem>>, vector<1x2000x128xf32>
    %get3A_8 = vector.shape_cast %get3A_7 : vector<1x2000x128xf32> to vector<2000x128xf32>
    %get3A_9 = arith.constant 1 : index
    %get3A_10 = arith.constant 0 : index
    %get3A_11 = arith.constant 0 : index
    %get3A_12 = vector.load %arg1[%get3A_9, %get3A_10, %get3A_11] : memref<2x2000x128xf32, #tpu.memory_space<vmem>>, vector<1x2000x128xf32>
    %get3A_13 = vector.shape_cast %get3A_12 : vector<1x2000x128xf32> to vector<2000x128xf32>
    %concatenate3A = tpu.concatenate %get3A_8, %get3A_13 in 1 : vector<2000x128xf32>, vector<2000x128xf32> -> vector<2000x256xf32>
    %mul3A = vector.broadcast %rsqrt3A : vector<2000x1xf32> to vector<2000x256xf32>
    %mul3A_14 = arith.mulf %concatenate3A, %mul3A : vector<2000x256xf32>
    %get3A_15 = arith.constant 0 : index
    %get3A_16 = arith.constant 0 : index
    %get3A_17 = vector.load %arg3[%get3A_15, %get3A_16] : memref<1x256xf32, #tpu.memory_space<vmem>>, vector<1x256xf32>
    %add3A = vector.broadcast %get3A_17 : vector<1x256xf32> to vector<2000x256xf32>
    %add3A_18 = arith.addf %mul3A_14, %add3A : vector<2000x256xf32>
    %convert_element_type3A = arith.truncf %add3A_18 : vector<2000x256xf32> to vector<2000x256xbf16>
    %get3A_19 = arith.constant 0 : index
    %get3A_20 = arith.constant 0 : index
    %get3A_21 = vector.load %arg4[%get3A_19, %get3A_20] : memref<256x256xf32, #tpu.memory_space<vmem>>, vector<256x256xf32>
    %convert_element_type3A_22 = arith.truncf %get3A_21 : vector<256x256xf32> to vector<256x256xbf16>
    %dot_general3A = arith.constant dense<0.000000e+00> : vector<2000x256xf32>
    %dot_general3A_23 = tpu.matmul %convert_element_type3A, %convert_element_type3A_22, %dot_general3A {dimension_numbers = #tpu.dot_dimension_numbers<[1], [0], [0], [1], [0, 0, 1, 1], [], []>, transpose_lhs_hint = false} : vector<2000x256xbf16>, vector<256x256xbf16>, vector<2000x256xf32> -> vector<2000x256xf32>
    %get3A_24 = arith.constant 0 : index
    %get3A_25 = arith.constant 0 : index
    %get3A_26 = vector.load %arg5[%get3A_24, %get3A_25] : memref<1x256xf32, #tpu.memory_space<vmem>>, vector<1x256xf32>
    %add3A_27 = vector.broadcast %get3A_26 : vector<1x256xf32> to vector<2000x256xf32>
    %add3A_28 = arith.addf %dot_general3A_23, %add3A_27 : vector<2000x256xf32>
    %gt3A = arith.constant 0.000000e+00 : f32
    %gt3A_29 = vector.broadcast %gt3A : f32 to vector<2000x256xf32>
    %gt3A_30 = arith.cmpf ogt, %add3A_28, %gt3A_29 : vector<2000x256xf32>
    %get3A_31 = arith.constant 0 : index
    %get3A_32 = arith.constant 0 : index
    %get3A_33 = vector.load %arg6[%get3A_31, %get3A_32] : memref<1x1xf32, #tpu.memory_space<vmem>>, vector<1x1xf32>
    %get3A_34 = vector.extract %get3A_33[0, 0] : f32 from vector<1x1xf32>
    %mul3A_35 = vector.broadcast %get3A_34 : f32 to vector<2000x256xf32>
    %mul3A_36 = arith.mulf %mul3A_35, %add3A_28 : vector<2000x256xf32>
    %select_n3A = arith.select %gt3A_30, %add3A_28, %mul3A_36 : vector<2000x256xi1>, vector<2000x256xf32>
    %convert_element_type3A_37 = arith.truncf %select_n3A : vector<2000x256xf32> to vector<2000x256xbf16>
    %get3A_38 = arith.constant 0 : index
    %get3A_39 = arith.constant 0 : index
    %get3A_40 = vector.load %arg7[%get3A_38, %get3A_39] : memref<256x256xf32, #tpu.memory_space<vmem>>, vector<256x256xf32>
    %convert_element_type3A_41 = arith.truncf %get3A_40 : vector<256x256xf32> to vector<256x256xbf16>
    %dot_general3A_42 = arith.constant dense<0.000000e+00> : vector<2000x256xf32>
    %dot_general3A_43 = tpu.matmul %convert_element_type3A_37, %convert_element_type3A_41, %dot_general3A_42 {dimension_numbers = #tpu.dot_dimension_numbers<[1], [0], [0], [1], [0, 0, 1, 1], [], []>, transpose_lhs_hint = false} : vector<2000x256xbf16>, vector<256x256xbf16>, vector<2000x256xf32> -> vector<2000x256xf32>
    %get3A_44 = arith.constant 0 : index
    %get3A_45 = arith.constant 0 : index
    %get3A_46 = vector.load %arg8[%get3A_44, %get3A_45] : memref<1x256xf32, #tpu.memory_space<vmem>>, vector<1x256xf32>
    %add3A_47 = vector.broadcast %get3A_46 : vector<1x256xf32> to vector<2000x256xf32>
    %add3A_48 = arith.addf %dot_general3A_43, %add3A_47 : vector<2000x256xf32>
    %mul3A_49 = arith.mulf %add3A_48, %add3A_18 : vector<2000x256xf32>
    %reduce_sum3A = arith.constant dense<0.000000e+00> : vector<2000xf32>
    %reduce_sum3A_50 = vector.multi_reduction <add>, %mul3A_49, %reduce_sum3A [1] : vector<2000x256xf32> to vector<2000xf32>
    %mul3A_51 = arith.mulf %add3A_48, %add3A_48 : vector<2000x256xf32>
    %reduce_sum3A_52 = arith.constant dense<0.000000e+00> : vector<2000xf32>
    %reduce_sum3A_53 = vector.multi_reduction <add>, %mul3A_51, %reduce_sum3A_52 [1] : vector<2000x256xf32> to vector<2000xf32>
    %sqrt3A = math.sqrt %reduce_sum3A_53 : vector<2000xf32>
    %max3A_54 = arith.constant 9.99999996E-13 : f32
    %max3A_55 = vector.broadcast %max3A_54 : f32 to vector<2000xf32>
    %max3A_56 = arith.maximumf %sqrt3A, %max3A_55 : vector<2000xf32>
    %mul3A_57 = arith.mulf %add3A_18, %add3A_18 : vector<2000x256xf32>
    %reduce_sum3A_58 = arith.constant dense<0.000000e+00> : vector<2000xf32>
    %reduce_sum3A_59 = vector.multi_reduction <add>, %mul3A_57, %reduce_sum3A_58 [1] : vector<2000x256xf32> to vector<2000xf32>
    %sqrt3A_60 = math.sqrt %reduce_sum3A_59 : vector<2000xf32>
    %max3A_61 = arith.constant 9.99999996E-13 : f32
    %max3A_62 = vector.broadcast %max3A_61 : f32 to vector<2000xf32>
    %max3A_63 = arith.maximumf %sqrt3A_60, %max3A_62 : vector<2000xf32>
    %mul3A_64 = arith.mulf %max3A_56, %max3A_63 : vector<2000xf32>
    %div3A = arith.divf %reduce_sum3A_50, %mul3A_64 : vector<2000xf32>
    %reduce_sum3A_65 = vector.shape_cast %div3A : vector<2000xf32> to vector<1x2000xf32>
    %reduce_sum3A_66 = arith.constant dense<0.000000e+00> : vector<1xf32>
    %reduce_sum3A_67 = vector.multi_reduction <add>, %reduce_sum3A_65, %reduce_sum3A_66 [1] : vector<1x2000xf32> to vector<1xf32>
    %reduce_sum3A_68 = vector.shape_cast %reduce_sum3A_67 : vector<1xf32> to vector<1x1xf32>
    %reduce_sum3A_69 = vector.extract %reduce_sum3A_68[0, 0] : f32 from vector<1x1xf32>
    %eq3A = arith.constant 0 : i32
    %eq3A_70 = arith.cmpi eq, %arg0, %eq3A : i32
    %convert_element_type3A_71 = arith.extui %eq3A_70 : i1 to i32
    %cond3A = arith.constant 0 : i32
    %cond3A_72 = arith.cmpi ne, %convert_element_type3A_71, %cond3A : i32
    scf.if %cond3A_72 {
      %broadcast_in_dim3A = arith.constant 0.000000e+00 : f32
      %broadcast_in_dim3A_85 = vector.broadcast %broadcast_in_dim3A : f32 to vector<1x1xf32>
      %swap3A_86 = arith.constant 0 : index
      %swap3A_87 = arith.constant 0 : index
      %swap3A_88 = vector.load %arg9[%swap3A_86, %swap3A_87] : memref<1x1xf32, #tpu.memory_space<vmem>>, vector<1x1xf32>
      tpu.vector_store %arg9[%swap3A_86, %swap3A_87], %broadcast_in_dim3A_85 {strides = array<i32>} : memref<1x1xf32, #tpu.memory_space<vmem>>, vector<1x1xf32>,
    } else {
    }
    %get3A_73 = arith.constant 0 : index
    %get3A_74 = arith.constant 0 : index
    %get3A_75 = vector.load %arg9[%get3A_73, %get3A_74] : memref<1x1xf32, #tpu.memory_space<vmem>>, vector<1x1xf32>
    %add3A_76 = vector.broadcast %reduce_sum3A_69 : f32 to vector<1x1xf32>
    %add3A_77 = arith.addf %get3A_75, %add3A_76 : vector<1x1xf32>
    %swap3A = arith.constant 0 : index
    %swap3A_78 = arith.constant 0 : index
    %swap3A_79 = vector.load %arg9[%swap3A, %swap3A_78] : memref<1x1xf32, #tpu.memory_space<vmem>>, vector<1x1xf32>
    tpu.vector_store %arg9[%swap3A, %swap3A_78], %add3A_77 {strides = array<i32>} : memref<1x1xf32, #tpu.memory_space<vmem>>, vector<1x1xf32>,
    %eq3A_80 = arith.constant 4 : i32
    %eq3A_81 = arith.cmpi eq, %arg0, %eq3A_80 : i32
    %convert_element_type3A_82 = arith.extui %eq3A_81 : i1 to i32
    %cond3A_83 = arith.constant 0 : i32
    %cond3A_84 = arith.cmpi ne, %convert_element_type3A_82, %cond3A_83 : i32
    scf.if %cond3A_84 {
      %get3A_85 = arith.constant 0 : index
      %get3A_86 = arith.constant 0 : index
      %get3A_87 = vector.load %arg9[%get3A_85, %get3A_86] : memref<1x1xf32, #tpu.memory_space<vmem>>, vector<1x1xf32>
      %mul3A_88 = arith.constant 4.000000e+00 : f32
      %mul3A_89 = vector.broadcast %mul3A_88 : f32 to vector<1x1xf32>
      %mul3A_90 = arith.mulf %mul3A_89, %get3A_87 : vector<1x1xf32>
      %div3A_91 = arith.constant 1.000000e+04 : f32
      %div3A_92 = vector.broadcast %div3A_91 : f32 to vector<1x1xf32>
      %div3A_93 = arith.divf %mul3A_90, %div3A_92 : vector<1x1xf32>
      %sub3A = arith.constant 4.000000e+00 : f32
      %sub3A_94 = vector.broadcast %sub3A : f32 to vector<1x1xf32>
      %sub3A_95 = arith.subf %sub3A_94, %div3A_93 : vector<1x1xf32>
      %swap3A_96 = arith.constant 0 : index
      %swap3A_97 = arith.constant 0 : index
      %swap3A_98 = vector.load %arg9[%swap3A_96, %swap3A_97] : memref<1x1xf32, #tpu.memory_space<vmem>>, vector<1x1xf32>
      tpu.vector_store %arg9[%swap3A_96, %swap3A_97], %sub3A_95 {strides = array<i32>} : memref<1x1xf32, #tpu.memory_space<vmem>>, vector<1x1xf32>,
    } else {
    }
    return
  }
  func.func @transform_0(%arg0: i32) -> (i32, i32, i32) {
    %c0_i32 = arith.constant 0 : i32
    %c0_i32_0 = arith.constant 0 : i32
    %c0_i32_1 = arith.constant 0 : i32
    return %c0_i32, %arg0, %c0_i32_0 : i32, i32, i32
  }
  func.func @transform_1(%arg0: i32) -> (i32, i32) {
    %c0_i32 = arith.constant 0 : i32
    %c0_i32_0 = arith.constant 0 : i32
    return %arg0, %c0_i32 : i32, i32
  }
  func.func @transform_2(%arg0: i32) -> (i32, i32) {
    %c0_i32 = arith.constant 0 : i32
    %c0_i32_0 = arith.constant 0 : i32
    %c0_i32_1 = arith.constant 0 : i32
    return %c0_i32, %c0_i32_0 : i32, i32
  }
  func.func @transform_3(%arg0: i32) -> (i32, i32) {
    %c0_i32 = arith.constant 0 : i32
    %c0_i32_0 = arith.constant 0 : i32
    %c0_i32_1 = arith.constant 0 : i32
    return %c0_i32, %c0_i32_0 : i32, i32
  }
  func.func @transform_4(%arg0: i32) -> (i32, i32) {
    %c0_i32 = arith.constant 0 : i32
    %c0_i32_0 = arith.constant 0 : i32
    %c0_i32_1 = arith.constant 0 : i32
    return %c0_i32, %c0_i32_0 : i32, i32
  }
  func.func @transform_5(%arg0: i32) -> (i32, i32) {
    %c0_i32 = arith.constant 0 : i32
    %c0_i32_0 = arith.constant 0 : i32
    %c0_i32_1 = arith.constant 0 : i32
    return %c0_i32, %c0_i32_0 : i32, i32
  }
  func.func @transform_6(%arg0: i32) -> (i32, i32) {
    %c0_i32 = arith.constant 0 : i32
    %c0_i32_0 = arith.constant 0 : i32
    %c0_i32_1 = arith.constant 0 : i32
    return %c0_i32, %c0_i32_0 : i32, i32
  }
  func.func @transform_7(%arg0: i32) -> (i32, i32) {
    %c0_i32 = arith.constant 0 : i32
    %c0_i32_0 = arith.constant 0 : i32
    %c0_i32_1 = arith.constant 0 : i32
    return %c0_i32, %c0_i32_0 : i32, i32
  }
  func.func @transform_8(%arg0: i32) -> (i32, i32) {
    %c0_i32 = arith.constant 0 : i32
    %c0_i32_0 = arith.constant 0 : i32
    %c0_i32_1 = arith.constant 0 : i32
    return %c0_i32, %c0_i32_0 : i32, i32
  }
}

</mosaic_0001>

<sc_bundles>
// kernel: kernel.12.cloned.1.call-start
scs
__scs_entry_jumppad:
0x0: {  	(pc) =	sbr.rel $0x88, $3  }
0x1: {  	(tag) =	ssettag $0x0;
	lr =	simm.s32 $0x1  }
0x2: {  	[smem:$0x3F96] =	sst lr;
	_ =	strace $0xD0000000  }
0x3: {  	_ = 	snop  }
0x4: {  	_ = 	snop  }
0x5: {  	_ = 	snop  }
0x6: {  	_ = 	snop  }
0x7: {  	_ = 	snop  }
__scs_overlays_trampoline_lowered:
0x8: {  	[smem:$0x3FA5] =	sst s0  }
0x9: {  	[smem:$0x3FA6] =	sst s1  }
0xa: {  	[smem:$0x3FA7] =	sst s2  }
0xb: {  	[smem:$0x3FA8] =	sst s3  }
0xc: {  	[smem:$0x3FA9] =	sst s4  }
0xd: {  	[smem:$0x3FAA] =	sst s5  }
0xe: {  	[smem:$0x3FAB] =	sst s6  }
0xf: {  	[smem:$0x3FAC] =	sst s7  }
0x10: {  	[smem:$0x3FAD] =	sst s8  }
0x11: {  	[smem:$0x3FAE] =	sst s9;
	s0 =	simm.s32 @!p0 $0x0  }
0x12: {  	s1 =	sld [smem:$0x3F94];
	s0 =	simm.s32 @p0 $0x1  }
0x13: {  	[smem:$0x3FAF] =	sst s0;
	s0 =	simm.s32 @!p1 $0x0  }
0x14: {  	s2 =	sld [smem:$0x3F93];
	s0 =	simm.s32 @p1 $0x1  }
0x15: {  	[smem:$0x3FB0] =	sst s0;
	s0 =	simm.s32 @!p2 $0x0  }
0x16: {  	s3 =	sld [smem:$0x3FDB];
	s0 =	simm.s32 @p2 $0x1  }
0x17: {  	s4 =	simm.s32 $0x1BF5;
	[smem:$0x3FB2] =	sst s0  }
0x18: {  	s0 =	sld [smem:$0x3F95];
	_ =	swait.ge [sflag:s4], $0x0  }
0x19: {  	s7 =	sld [smem:$0x3F96]  }
0x1a: {  	s8 =	sadd.s32 $0xFFFFE003, lr  }
0x1b: {  	s9 =	sadd.s32 $0xFFFFFEF7, lr;
	s5 =	simm.s32 $0xFFFFFFFF;
	p2 =	slt.u32 s8, $0xFFFFF086  }
0x1c: {  	p1 =	slt.u32 s9, $0xF7A;
	s5 =	simm.s32 @!p2 $0x0  }
0x1d: {  	s5 =	simm.s32 @p1 $0x1;
	p0 =	seq.s32 s7, s2  }
0x1e: {  	s7 =	smul.u32 @!p0 $0xF7A, s2;
	p2 =	seq.s32 @!p0 s5, $0x0  }
0x1f: {  	s9 =	smul.u32 $0xF7A, s1;
	s8 =	simm.s32 @!p0 $0x1BF5;
	p2 =	por !p2, p0  }
0x20: {  	[sflag:s8] =	ssyncset.s32 @!p0 $0xFFFFF086;
	s6 =	sadd.s32 @!p0 s3, s7;
	s7 =	simm.s32 @!p0 $0x108  }
0x21: {  	s3 =	sadd.s32 s3, s9;
	s6 =	sadd.s32 @!p0 $0x88, s6;
	s7 =	simm.s32 @p2 $0x1082  }
0x22: {  	[simem:s7], [sflag:s8] =	dma.local @!p0 [hbm:s6], $0xF7A  }
0x23: {  	s9 =	sor.u32 $0xD0000000, s2;
	s6 =	simm.s32 $0x108;
	_ =	swait.ge @!p0 [sflag:s8], $0x0  }
0x24: {  	s3 =	sadd.s32 $0x88, s3;
	s6 =	simm.s32 @!p1 $0x1082;
	[sflag:s4] =	ssyncset.s32 $0xFFFFF086  }
0x25: {  	[simem:s6], [sflag:s4] =	dma.local [hbm:s3], $0xF7A  }
0x26: {  	[smem:$0x3F96] =	sst s1;
	(tag) =	ssettag s2;
	_ =	strace s9  }
0x27: {  	s1 =	sld [smem:$0x3FA6]  }
0x28: {  	s2 =	sld [smem:$0x3FA7]  }
0x29: {  	s4 =	sld [smem:$0x3FA9]  }
0x2a: {  	p0 =	seq.s32 s5, $0x0;
	s5 =	sld [smem:$0x3FAA]  }
0x2b: {  	s6 =	sld [smem:$0x3FAB]  }
0x2c: {  	s7 =	sld [smem:$0x3FAC]  }
0x2d: {  	s3 =	simm.s32 $0x108;
	s8 =	sld [smem:$0x3FAD]  }
0x2e: {  	s3 =	simm.s32 @!p0 $0x1082;
	s9 =	sld [smem:$0x3FAE]  }
0x2f: {  	lr =	sadd.s32 s0, s3;
	s0 =	sld [smem:$0x3FA5]  }
0x30: {  	s3 =	sld [smem:$0x3FA8]  }
0x31: {  	[smem:$0x3FB1] =	sst s10  }
0x32: {  	s10 =	sld [smem:$0x3FAF];
	_ =	sdelay $0x3  }
0x33: {  	p0 =	seq.s32 s10, $0x1;
	s10 =	sld [smem:$0x3FB1];
	_ =	sdelay $0x3  }
0x34: {  	[smem:$0x3FB1] =	sst s10  }
0x35: {  	s10 =	sld [smem:$0x3FB0];
	_ =	sdelay $0x3  }
0x36: {  	p1 =	seq.s32 s10, $0x1;
	s10 =	sld [smem:$0x3FB1];
	_ =	sdelay $0x3  }
0x37: {  	[smem:$0x3FB1] =	sst s10  }
0x38: {  	s10 =	sld [smem:$0x3FB2]  }
0x39: {  	_ = 	snop;
	(pc) =	sbr.ind lr, $3  }
0x3a: {  	_ = 	snop  }
0x3b: {  	_ = 	snop  }
0x3c: {  	p2 =	seq.s32 s10, $0x1;
	s10 =	sld [smem:$0x3FB1]  }
0x3d: {  	_ =	shalt  }
0x3e: {  	_ =	shalt  }
0x3f: {  	_ =	shalt  }
0x40: {  	_ =	shalt  }
0x41: {  	_ =	shalt  }
0x42: {  	_ =	shalt  }
0x43: {  	_ =	shalt  }
0x44: {  	_ =	shalt  }
0x45: {  	_ =	shalt  }
0x46: {  	_ =	shalt  }
0x47: {  	_ =	shalt  }
0x48: {  	_ =	shalt  }
0x49: {  	_ =	shalt  }
0x4a: {  	_ =	shalt  }
0x4b: {  	_ =	shalt  }
0x4c: {  	_ =	shalt  }
0x4d: {  	_ =	shalt  }
0x4e: {  	_ =	shalt  }
0x4f: {  	_ =	shalt  }
0x50: {  	_ =	shalt  }
0x51: {  	_ =	shalt  }
0x52: {  	_ =	shalt  }
0x53: {  	_ =	shalt  }
0x54: {  	_ =	shalt  }
0x55: {  	_ =	shalt  }
0x56: {  	_ =	shalt  }
0x57: {  	_ =	shalt  }
0x58: {  	_ =	shalt  }
0x59: {  	_ =	shalt  }
0x5a: {  	_ =	shalt  }
0x5b: {  	_ =	shalt  }
0x5c: {  	_ =	shalt  }
0x5d: {  	_ =	shalt  }
0x5e: {  	_ =	shalt  }
0x5f: {  	_ =	shalt  }
0x60: {  	_ =	shalt  }
0x61: {  	_ =	shalt  }
0x62: {  	_ =	shalt  }
0x63: {  	_ =	shalt  }
0x64: {  	_ =	shalt  }
0x65: {  	_ =	shalt  }
0x66: {  	_ =	shalt  }
0x67: {  	_ =	shalt  }
0x68: {  	_ =	shalt  }
0x69: {  	_ =	shalt  }
0x6a: {  	_ =	shalt  }
0x6b: {  	_ =	shalt  }
0x6c: {  	_ =	shalt  }
0x6d: {  	_ =	shalt  }
0x6e: {  	_ =	shalt  }
0x6f: {  	_ =	shalt  }
0x70: {  	_ =	shalt  }
0x71: {  	_ =	shalt  }
0x72: {  	_ =	shalt  }
0x73: {  	_ =	shalt  }
0x74: {  	_ =	shalt  }
0x75: {  	_ =	shalt  }
0x76: {  	_ =	shalt  }
0x77: {  	_ =	shalt  }
0x78: {  	_ =	shalt  }
0x79: {  	_ =	shalt  }
0x7a: {  	_ =	shalt  }
0x7b: {  	_ =	shalt  }
0x7c: {  	_ =	shalt  }
0x7d: {  	_ =	shalt  }
0x7e: {  	_ =	shalt  }
0x7f: {  	_ =	shalt  }
0x80: {  	_ =	shalt  }
0x81: {  	_ =	shalt  }
0x82: {  	_ =	shalt  }
0x83: {  	_ =	shalt  }
0x84: {  	_ =	shalt  }
0x85: {  	_ =	shalt  }
0x86: {  	_ =	shalt  }
0x87: {  	_ =	shalt  }
.Lfunc_end0:
.L_simem_size_0:
called_computation.1_lowered:
.L_overlay_start_0:
0x88: {  	s2 =	sld [smem:$0x3FD9]  }
0x89: {  	s3 =	sld [smem:$0x3FFE];
	_ =	sdelay $0x1  }
0x8a: {  	s1 =	srdreg.scid  }
0x8b: {  	s0 =	sand.u32 $0x1, s1  }
0x8c: {  	s16 =	sshll.u32 s0, $0xA;
	s2 =	sadd.s32 s3, s2  }
0x8d: {  	s2 =	sadd.s32 s2, s16  }
0x8e: {  	[smem:$0x3FBD] =	sst s2  }
0x8f: {  	_ = 	snop  }
0x90: {  	(tm) =	ssettm $0x1  }
0x91: {  	s17 =	sld [smem:$0x3FFB];
	_ =	sdelay $0x3  }
0x92: {  	_ =	strace s17  }
0x93: {  	s2 =	sld [smem:$0x3FFC];
	_ =	sdelay $0x3  }
0x94: {  	_ =	strace s2  }
0x95: {  	s2 =	sld [smem:$0x3FFD];
	_ =	sdelay $0x3  }
0x96: {  	_ =	strace s2  }
0x97: {  	_ =	strace $0x8FFFFFFF  }
0x98: {  	s18 =	sld [smem:$0x3FDB];
	_ =	sdelay $0x1  }
0x99: {  	s19 =	simm.s32 $_scs_section_size  }
0x9a: {  	s4 =	simm.s32 $_size__tile_overlayer_lowered;
	s5 =	simm.s32 $_tile_overlayer_lowered  }
0x9b: {  	s22 =	simm.s32 $0x1BFF;
	s21 =	sshll.u32 s5, $0x1;
	s2 =	sadd.s32 s19, s18  }
0x9c: {  	s6 =	simm.s32 $0x0;
	s20 =	sshll.u32 s4, $0x1;
	s4 =	sadd.s32 s21, s2  }
0x9d: {  	[timem:s6], [sflag:s22] =	dma.local [hbm:s4], s20  }
0x9e: {  	_ =	swait.ge [sflag:s22], s20  }
0x9f: {  	s3 =	ssub.s32 $0x0, s20;
	[sflag:s22] =	ssyncset.done $0x0  }
0xa0: {  	[sflag:s22] =	ssyncadd.s32 s3;
	_ =	sdelay $0x1  }
0xa1: {  	s23 =	simm.s32 $0x1B8B  }
0xa2: {  	_ =	swait.ge [sflag:s23], $0x1  }
0xa3: {  	[sflag:s23] =	ssyncset.done $0x0  }
0xa4: {  	s25 =	simm.s32 $0x1B8E;
	s24 =	sld [smem:$0x3FFE];
	[sflag:s23] =	ssyncadd.s32 $0xFFFFFFFF  }
0xa5: {  	s26 =	simm.s32 $execute0_lowered;
	[smem:$0x3FD2] =	sst s25  }
0xa6: {  	s4 =	sshll.u32 s26, $0x1;
	_ =	strace $0x80000049;
	[dreg:$0x1] =	wrdreg $0xFFFFFFFF  }
0xa7: {  	s28 =	simm.s32 $_size_execute0_lowered;
	s2 =	sadd.s32 s2, s4;
	[dreg:$0x0] =	wrdreg $0x0  }
0xa8: {  	s4 =	sshll.u32 s28, $0x1;
	[dreg:$0x2] =	wrdreg s2  }
0xa9: {  	[dreg:$0x3] =	wrdreg s4  }
0xaa: {  	[dreg:$0x4] =	wrdreg $0xC0  }
0xab: {  	_ =	task [dreg:s6], $0x5FFFF  }
0xac: {  	[dreg:$0x1] =	wrdreg $0xFFFFFFFF  }
0xad: {  	[dreg:$0x0] =	wrdreg $0x60  }
0xae: {  	[dreg:$0x2] =	wrdreg s24  }
0xaf: {  	[dreg:$0x3] =	wrdreg $0x7C000  }
0xb0: {  	[dreg:$0x4] =	wrdreg $0x9  }
0xb1: {  	_ =	task.clear_ibuf [dreg:s6], $0x5FFFF;
	_ =	strace $0x90000049  }
0xb2: {  	s29 =	simm.s32 $0x9;
	_ =	strace $0x8000004B  }
0xb3: {  	_ =	swait.ge [sflag:s29], $0x1  }
0xb4: {  	[sflag:s29] =	ssyncadd.s32 $0xFFFFFFFF  }
0xb5: {  	_ =	strace $0x9000004B  }
0xb6: {  	_ =	sfence  }
0xb7: {  	s30 =	sld [smem:$0x0];
	_ =	sdelay $0x2  }
0xb8: {  	s31 =	sshll.u32 s1, $0xD;
	s1 =	sshrl.u32 s1, $0x2  }
0xb9: {  	s3 =	sand.u32 $0x4000, s31;
	s1 =	sadd.s32 s1, s30  }
0xba: {  	s0 =	sor.u32 s3, s0;
	s1 =	sshll.u32 s1, $0x11  }
0xbb: {  	s0 =	sor.u32 s1, s0  }
0xbc: {  	s0 =	sadd.s32 $0x8F2B, s0  }
0xbd: {  	[sflag:s0] =	ssyncadd.remote.s32 $0x1  }
0xbe: {  	_ =	sfence.sel $0xFFFF  }
0xbf: {  	[dreg:$0x0] =	wrdreg $0xFFFFFFFF;
	(pc) =	sbr.abs _section_cstart, $3  }
0xc0: {  	[dreg:$0x1] =	wrdreg $0xFFFFFFFF  }
0xc1: {  	_ =	task.clear_ibuf [dreg:s6], $0x2FFFF;
	_ =	strace $0x9FFFFFFF  }
0xc2: {  	(tm) =	ssettm $0x7FFFFFFF  }
0xc3: {  	_ =	shalt  }
tec
execute0_lowered:
.L_overlay_start_1:
0x0: {  	(tag) =	ssettag $0x1  }
0x1: {  	s0 =	rddreg [dreg:$0x0]  }
0x2: {  	s1 =	rddreg [dreg:$0x1];
	s3 =	simm.s32 $0x0;
	s12 =	stileid.u32  }
0x3: {  	s2 =	srdreg.scid;
	s28 =	simm.s32 $0x2;
	s29 =	simm.s32 $0x3  }
0x4: {  	s30 =	simm.s32 $0xA0;
	s31 =	simm.s32 $0x1080;
	[smem:$0x7FF] =	sst s3  }
0x5: {  	s4 =	sadd.s32 $0x3EE00, s0;
	s8 =	smul.u32 $0x50000, s12;
	s5 =	sadd.s32 $0x2C00, s0  }
0x6: {  	s6 =	sadd.s32 $0x2D600, s0;
	s2 =	sand.u32 $0x1, s2;
	s10 =	smul.u32 $0x4E20, s12  }
0x7: {  	s7 =	sadd.s32 $0x8D000, s0;
	s13 =	smul.u32 $0x8C00, s12;
	s8 =	sshrl.u32 s8, $0x2  }
0x8: {  	s26 =	smul.u32 $0x14000, s12;
	p0 =	seq.s32 s12, $0xF;
	s8 =	sadd.s32 s8, s1  }
0x9: {  	_ =	strace $0x8000004A;
	s18 =	ssub.s32 $0x2, s2;
	s19 =	sadd.s32 $0x2800, s8  }
0xa: {  	s11 =	smul.u32 $0x2710, s2;
	s20 =	sadd.s32 $0x5000, s8;
	[dreg:$0x3] =	wrdreg s19  }
0xb: {  	s2 =	smul.u32 $0x138800, s2;
	s21 =	sadd.s32 $0x7800, s8;
	[dreg:$0x4] =	wrdreg s20  }
0xc: {  	s9 =	sshrl.u32 s18, $0x1;
	s22 =	sadd.s32 $0xA000, s8;
	[dreg:$0x5] =	wrdreg s21  }
0xd: {  	s0 =	ssub.s32 s18, s9;
	s23 =	sadd.s32 $0xC800, s8;
	[dreg:$0x6] =	wrdreg s22  }
0xe: {  	s18 =	simm.s32 $0x5;
	s24 =	sadd.s32 $0xF000, s8;
	[dreg:$0x7] =	wrdreg s23  }
0xf: {  	s9 =	simm.s32 $0x0;
	s25 =	sadd.s32 $0x11800, s8;
	[dreg:$0x8] =	wrdreg s24  }
0x10: {  	[dreg:$0x9] =	wrdreg s25;
	s19 =	simm.s32 $0x5;
	s20 =	smax.u32 s0, $0x1  }
0x11: {  	s21 =	sadd.s32 s26, s2;
	s22 =	simm.s32 $0x2C00;
	s23 =	simm.s32 $0x1000  }
0x12: {  	s24 =	simm.s32 $0x50;
	s25 =	simm.s32 $0x1;
	s26 =	simm.s32 $0x5400  }
0x13: {  	v1 =	vimm.f32 $0.0e+00;
	v0 =	vmov s11;
	s0 =	simm.s32 $0x4;
	s2 =	simm.s32 $0x2880;
	s19 =	simm.s32 @!p0 $0x8  }
.LBB2_1:
0x14: {  	s11 =	simm.s32 $0x0;
	s12 =	simm.s32 $0x200  }
.LBB2_2:
0x15: {  	p0 =	sne.s32 s12, $0x9E00;
	[tilespmem:s11+$0x2C70] =	vst v1  }
0x16: {  	[tilespmem:s11+$0x2C00] =	vst v1  }
0x17: {  	[tilespmem:s11+$0x2C10] =	vst v1  }
.Ltmp0:
0x18: {  	[tilespmem:s11+$0x2C20] =	vst v1;
	(pc) =	sbr.rel @p0 .LBB2_2-.Ltmp0, $4  }
0x19: {  	[tilespmem:s11+$0x2C30] =	vst v1  }
0x1a: {  	[tilespmem:s11+$0x2C40] =	vst v1  }
0x1b: {  	[tilespmem:s11+$0x2C50] =	vst v1  }
0x1c: {  	[tilespmem:s11+$0x2C60] =	vst v1;
	s11 =	sshra.s32 s12, $0x2;
	s12 =	sadd.s32 $0x200, s12  }
0x1d: {  	[tilespmem:s11+$0x2C70] =	vst v1  }
0x1e: {  	[tilespmem:s11+$0x2C00] =	vst v1  }
0x1f: {  	[tilespmem:s11+$0x2C10] =	vst v1  }
0x20: {  	[tilespmem:s11+$0x2C20] =	vst v1  }
0x21: {  	[tilespmem:s11+$0x2C30] =	vst v1  }
0x22: {  	[tilespmem:s11+$0x2C40] =	vst v1  }
0x23: {  	[tilespmem:s11+$0x2C50] =	vst v1  }
0x24: {  	[tilespmem:s11+$0x2C60] =	vst v1  }
0x25: {  	[spmem:s8] =	stream.linear.scatter [tilespmem:s22], [sflag:$0x5], $0x2800, $0x38;
	[tilespmem:$0x1BC00] =	vst v63  }
0x26: {  	_ =	swait.ge [sflag:s18], $0x2800  }
0x27: {  	[sflag:s18] =	ssyncset.done $0x0  }
0x28: {  	s16 =	rddreg [dreg:$0x3];
	[sflag:s18] =	ssyncadd.s32 $0xFFFFD800  }
0x29: {  	[spmem:s16] =	stream.linear.scatter [tilespmem:s22], [sflag:$0x5], $0x2800, $0x38;
	[tilespmem:$0x1BC00] =	vst v63  }
0x2a: {  	_ =	swait.ge [sflag:s18], $0x2800  }
0x2b: {  	[sflag:s18] =	ssyncset.done $0x0  }
0x2c: {  	s17 =	rddreg [dreg:$0x4];
	[sflag:s18] =	ssyncadd.s32 $0xFFFFD800  }
0x2d: {  	[spmem:s17] =	stream.linear.scatter [tilespmem:s22], [sflag:$0x5], $0x2800, $0x38;
	[tilespmem:$0x1BC00] =	vst v63  }
0x2e: {  	_ =	swait.ge [sflag:s18], $0x2800  }
0x2f: {  	[sflag:s18] =	ssyncset.done $0x0  }
0x30: {  	s12 =	rddreg [dreg:$0x5];
	[sflag:s18] =	ssyncadd.s32 $0xFFFFD800  }
0x31: {  	[spmem:s12] =	stream.linear.scatter [tilespmem:s22], [sflag:$0x5], $0x2800, $0x38;
	[tilespmem:$0x1BC00] =	vst v63  }
0x32: {  	_ =	swait.ge [sflag:s18], $0x2800  }
0x33: {  	[sflag:s18] =	ssyncset.done $0x0  }
0x34: {  	s14 =	rddreg [dreg:$0x6];
	[sflag:s18] =	ssyncadd.s32 $0xFFFFD800  }
0x35: {  	[spmem:s14] =	stream.linear.scatter [tilespmem:s22], [sflag:$0x5], $0x2800, $0x38;
	[tilespmem:$0x1BC00] =	vst v63  }
0x36: {  	_ =	swait.ge [sflag:s18], $0x2800  }
0x37: {  	[sflag:s18] =	ssyncset.done $0x0  }
0x38: {  	s15 =	rddreg [dreg:$0x7];
	[sflag:s18] =	ssyncadd.s32 $0xFFFFD800  }
0x39: {  	[spmem:s15] =	stream.linear.scatter [tilespmem:s22], [sflag:$0x5], $0x2800, $0x38;
	[tilespmem:$0x1BC00] =	vst v63  }
0x3a: {  	_ =	swait.ge [sflag:s18], $0x2800  }
0x3b: {  	[sflag:s18] =	ssyncset.done $0x0  }
0x3c: {  	s16 =	rddreg [dreg:$0x8];
	[sflag:s18] =	ssyncadd.s32 $0xFFFFD800  }
0x3d: {  	[spmem:s16] =	stream.linear.scatter [tilespmem:s22], [sflag:$0x5], $0x2800, $0x38;
	[tilespmem:$0x1BC00] =	vst v63  }
0x3e: {  	_ =	swait.ge [sflag:s18], $0x2800  }
0x3f: {  	[sflag:s18] =	ssyncset.done $0x0  }
0x40: {  	s17 =	rddreg [dreg:$0x9];
	[sflag:s18] =	ssyncadd.s32 $0xFFFFD800  }
0x41: {  	[spmem:s17] =	stream.linear.scatter [tilespmem:s22], [sflag:$0x5], $0x2800, $0x38;
	[tilespmem:$0x1BC00] =	vst v63  }
.Ltmp1:
0x42: {  	_ =	swait.ge [sflag:s18], $0x2800;
	(pc) =	sbr.rel .LBB2_4-.Ltmp1, $4  }
0x43: {  	[sflag:s18] =	ssyncset.done $0x0  }
0x44: {  	[sflag:s18] =	ssyncadd.s32 $0xFFFFD800  }
0x45: {  	[bflag:$0x0] =	sbarrier.arrive $0xFFFF  }
0x46: {  	s11 =	simm.s32 $0x0;
	s12 =	simm.s32 $0x0  }
.LBB2_9:
0x47: {  	s12 =	sadd.s32 $0x1, s12  }
0x48: {  	p0 =	sne.s32 s12, $0x5  }
.Ltmp2:
0x49: {  	_ = 	snop;
	(pc) =	sbr.rel @!p0 .LBB2_10-.Ltmp2, $4  }
0x4a: {  	[spmem:s1] =	stream.indirect.scatter.add.f32 [tilespmem:s26], [sflag:$0x4], $0x80, s2, s24, $0xb8;
	[tilespmem:$0x1BC00] =	vst v63  }
0x4b: {  	_ =	swait.ge [sflag:s0], $0x2800  }
0x4c: {  	[sflag:s0] =	ssyncset.done $0x0  }
0x4d: {  	[sflag:s0] =	ssyncadd.s32 $0xFFFFD800  }
.LBB2_4:
0x4e: {  	s14 =	smul.u32 $0xFA0, s12;
	_ =	sdelay $0x1  }
0x4f: {  	s14 =	sadd.s32 s10, s14  }
0x50: {  	s14 =	sshrl.u32 s14, $0x3  }
0x51: {  	s15 =	smul.u32 $0x1C00, s12;
	s14 =	sadd.s32 s5, s14  }
0x52: {  	[tilespmem:s11], [sflag:$0x5] =	stream.linear.gather [hbm4b:s14+s11], $0xFA0, $0x38;
	[tilespmem:$0x1BC00] =	vst v63  }
0x53: {  	s17 =	sadd.s32 s13, s15;
	_ =	swait.ge [sflag:s18], $0xFA0  }
0x54: {  	s14 =	sshrl.u32 s17, $0x3;
	[sflag:s18] =	ssyncset.done $0x0  }
0x55: {  	s14 =	sadd.s32 s6, s14;
	[sflag:s18] =	ssyncadd.s32 $0xFFFFF060  }
0x56: {  	[tilespmem:s23], [sflag:$0x5] =	stream.linear.gather [hbm4b:s14+s11], $0x1900, $0x38;
	[tilespmem:$0x1BC00] =	vst v63  }
0x57: {  	_ =	swait.ge [sflag:s18], $0x1900  }
0x58: {  	[sflag:s18] =	ssyncset.done $0x0  }
0x59: {  	s15 =	simm.s32 $0x40;
	s14 =	simm.s32 $0x0;
	[sflag:s18] =	ssyncadd.s32 $0xFFFFE700  }
.LBB2_5:
0x5a: {  	p0 =	sne.s32 s15, $0x3E40;
	v2 =	vld [tilespmem:s14+$0x0];
	_ =	sdelay $0x1  }
.Ltmp3:
0x5b: {  	(pc) =	sbr.rel @p0 .LBB2_5-.Ltmp3, $3  }
0x5c: {  	_ =	sdelay $0x1  }
0x5d: {  	v2 =	vadd.s32 v0, v2  }
0x5e: {  	[tilespmem:s14+$0x0] =	vst v2;
	s14 =	sshra.s32 s15, $0x2;
	s15 =	sadd.s32 $0x40, s15  }
0x5f: {  	v2 =	vld [tilespmem:s14+$0x0];
	_ =	sdelay $0x4  }
0x60: {  	v2 =	vadd.s32 v0, v2  }
0x61: {  	[tilespmem:s14+$0x0] =	vst v2  }
0x62: {  	[tilespmem:s22], [sflag:$0x1] =	stream.indirect.gather [hbm4b:s4+s24], $0x80, s3, s24, $0xb8;
	[tilespmem:$0x1BC00] =	vst v63  }
0x63: {  	_ =	swait.ge [sflag:s25], $0x2800  }
0x64: {  	[sflag:s25] =	ssyncset.done $0x0  }
0x65: {  	[sflag:s25] =	ssyncadd.s32 $0xFFFFD800  }
0x66: {  	[tilespmem:s26], [sflag:$0x2] =	stream.indirect.gather [hbm4b:s4+s24], $0x80, s24, s24, $0xb8;
	[tilespmem:$0x1BC00] =	vst v63  }
0x67: {  	_ = 	snop  }
0x68: {  	[spmem:s1] =	stream.indirect.scatter.add.f32 [tilespmem:s22], [sflag:$0x3], $0x80, s23, s24, $0xb8;
	[tilespmem:$0x1BC00] =	vst v63  }
0x69: {  	_ =	swait.ge [sflag:s28], $0x2800  }
0x6a: {  	[sflag:s28] =	ssyncset.done $0x0  }
0x6b: {  	[sflag:s28] =	ssyncadd.s32 $0xFFFFD800  }
0x6c: {  	_ =	swait.ge [sflag:s29], $0x2800  }
0x6d: {  	[sflag:s29] =	ssyncset.done $0x0  }
0x6e: {  	[sflag:s29] =	ssyncadd.s32 $0xFFFFD800  }
0x6f: {  	[tilespmem:s22], [sflag:$0x1] =	stream.indirect.gather [hbm4b:s4+s24], $0x80, s30, s24, $0xb8;
	[tilespmem:$0x1BC00] =	vst v63  }
0x70: {  	s15 =	simm.s32 $0xFFFFA400;
	s14 =	simm.s32 $0x140  }
0x71: {  	[spmem:s1] =	stream.indirect.scatter.add.f32 [tilespmem:s26], [sflag:$0x4], $0x80, s31, s24, $0xb8;
	[tilespmem:$0x1BC00] =	vst v63  }
.LBB2_7:
0x72: {  	_ =	swait.ge [sflag:s25], $0x2800  }
0x73: {  	[sflag:s25] =	ssyncset.done $0x0  }
0x74: {  	[sflag:s25] =	ssyncadd.s32 $0xFFFFD800  }
0x75: {  	_ =	swait.ge [sflag:s0], $0x2800  }
0x76: {  	[sflag:s0] =	ssyncset.done $0x0  }
0x77: {  	s16 =	sadd.s32 $0xFFFFFFB0, s14;
	[sflag:s0] =	ssyncadd.s32 $0xFFFFD800  }
0x78: {  	[tilespmem:s26], [sflag:$0x2] =	stream.indirect.gather [hbm4b:s4+s24], $0x80, s16, s24, $0xb8;
	[tilespmem:$0x1BC00] =	vst v63  }
0x79: {  	s16 =	sshra.s32 s15, $0x2  }
0x7a: {  	s17 =	sadd.s32 $0x2800, s16  }
0x7b: {  	[spmem:s1] =	stream.indirect.scatter.add.f32 [tilespmem:s22], [sflag:$0x3], $0x80, s17, s24, $0xb8;
	[tilespmem:$0x1BC00] =	vst v63  }
0x7c: {  	p0 =	seq.s32 s15, $0x0;
	_ =	swait.ge [sflag:s28], $0x2800  }
.Ltmp4:
0x7d: {  	[sflag:s28] =	ssyncset.done $0x0;
	(pc) =	sbr.rel @p0 .LBB2_9-.Ltmp4, $4  }
0x7e: {  	[sflag:s28] =	ssyncadd.s32 $0xFFFFD800  }
0x7f: {  	_ =	swait.ge [sflag:s29], $0x2800  }
0x80: {  	[sflag:s29] =	ssyncset.done $0x0  }
0x81: {  	[sflag:s29] =	ssyncadd.s32 $0xFFFFD800  }
.Ltmp5:
0x82: {  	(pc) =	sbr.rel .LBB2_7-.Ltmp5, $4  }
0x83: {  	_ = 	snop  }
0x84: {  	[tilespmem:s22], [sflag:$0x1] =	stream.indirect.gather [hbm4b:s4+s24], $0x80, s14, s24, $0xb8;
	[tilespmem:$0x1BC00] =	vst v63  }
0x85: {  	s16 =	sadd.s32 $0x2880, s16;
	s14 =	sadd.s32 $0xA0, s14;
	s15 =	sadd.s32 $0x400, s15  }
0x86: {  	[spmem:s1] =	stream.indirect.scatter.add.f32 [tilespmem:s26], [sflag:$0x4], $0x80, s16, s24, $0xb8;
	[tilespmem:$0x1BC00] =	vst v63  }
.LBB2_10:
0x87: {  	[bflag:$0x0] =	sbarrier.arrive $0xFFFF  }
0x88: {  	[tilespmem:s22], [sflag:$0x5] =	stream.linear.gather [spmem:s8], $0x2800, $0x38;
	[tilespmem:$0x1BC00] =	vst v63  }
0x89: {  	p0 =	sne.s32 s19, $0x1;
	_ =	swait.ge [sflag:s18], $0x2800  }
.Ltmp6:
0x8a: {  	s11 =	sshrl.u32 s21, $0x3;
	[sflag:s18] =	ssyncset.done $0x0;
	(pc) =	sbr.rel @!p0 .LBB2_12-.Ltmp6, $4  }
0x8b: {  	s11 =	sadd.s32 s7, s11;
	[sflag:s18] =	ssyncadd.s32 $0xFFFFD800  }
0x8c: {  	[hbm4b:s11+s3] =	stream.linear.scatter [tilespmem:s22], [sflag:$0x5], $0x2800, $0x38;
	[tilespmem:$0x1BC00] =	vst v63  }
0x8d: {  	s12 =	smov.u32 s21;
	_ =	swait.ge [sflag:s18], $0x2800  }
0x8e: {  	s14 =	smov.u32 s8;
	s11 =	sadd.s32 $0xFFFFFFFF, s19;
	[sflag:s18] =	ssyncset.done $0x0  }
.LBB2_11:
0x8f: {  	[sflag:s18] =	ssyncadd.s32 $0xFFFFD800;
	s12 =	sadd.s32 $0x2800, s12;
	s14 =	sadd.s32 $0x2800, s14  }
0x90: {  	[tilespmem:s22], [sflag:$0x5] =	stream.linear.gather [spmem:s14], $0x2800, $0x38;
	[tilespmem:$0x1BC00] =	vst v63  }
0x91: {  	p0 =	sne.s32 s11, $0x1;
	s11 =	sadd.s32 $0xFFFFFFFF, s11;
	_ =	swait.ge [sflag:s18], $0x2800  }
.Ltmp7:
0x92: {  	s15 =	sshrl.u32 s12, $0x3;
	[sflag:s18] =	ssyncset.done $0x0;
	(pc) =	sbr.rel @p0 .LBB2_11-.Ltmp7, $4  }
0x93: {  	s15 =	sadd.s32 s7, s15;
	[sflag:s18] =	ssyncadd.s32 $0xFFFFD800  }
0x94: {  	[hbm4b:s15+s3] =	stream.linear.scatter [tilespmem:s22], [sflag:$0x5], $0x2800, $0x38;
	[tilespmem:$0x1BC00] =	vst v63  }
0x95: {  	_ =	swait.ge [sflag:s18], $0x2800  }
0x96: {  	[sflag:s18] =	ssyncset.done $0x0  }
.LBB2_12:
0x97: {  	s9 =	sadd.s32 $0x1, s9  }
0x98: {  	p0 =	sne.s32 s9, s20  }
.Ltmp8:
0x99: {  	_ = 	snop;
	(pc) =	sbr.rel @p0 .LBB2_1-.Ltmp8, $2  }
0x9a: {  	_ =	sdelay $0x2  }
0x9b: {  	[sflag:s18] =	ssyncadd.s32 $0xFFFFD800  }
0x9c: {  	_ =	sfence.sel $0x180000  }
0x9d: {  	[bflag:$0x0] =	sbarrier.arrive $0xFFFF  }
0x9e: {  	_ =	strace $0x9000004A  }
0x9f: {  	s0 =	stileid.u32;
	[bflag:$0x2] =	sbarrier.arrive $0xFFFF  }
0xa0: {  	p0 =	sne.s32 s0, $0x0;
	s0 =	rddreg [dreg:$0x2]  }
0xa1: {  	s0 =	sadd.s32 @!p0 $0x100000, s0  }
0xa2: {  	[sflag:s0] =	ssyncadd.tile.s32 @!p0 $0x1;
	_ =	shalt  }
.Lfunc_end2:
_tile_overlayer_lowered:
.L_overlay_start_2:
0xa3: {  	(tag) =	ssettag $0x2  }
0xa4: {  	s0 =	rddreg [dreg:$0x0];
	s2 =	stileid.u32  }
0xa5: {  	s1 =	rddreg [dreg:$0x1];
	p0 =	sne.s32 s2, $0x0  }
0xa6: {  	s3 =	rddreg [dreg:$0x2];
	[bflag:$0x3] =	sbarrier.arrive $0xFFFF;
	s2 =	simm.s32 @!p0 $0x1C05  }
0xa7: {  	[timem:s3], [sflag:s2] =	dma.local @!p0 [hbm:s0], s1  }
0xa8: {  	s0 =	simm.s32 @!p0 $0x5  }
0xa9: {  	_ =	swait.ge @!p0 [sflag:s0], s1  }
0xaa: {  	s1 =	ssub.s32 @!p0 $0x0, s1;
	[sflag:s0] =	ssyncset.done @!p0 $0x0  }
0xab: {  	[sflag:s0] =	ssyncadd.s32 @!p0 s1  }
0xac: {  	[bflag:$0x3] =	sbarrier.arrive $0xFFFF  }
0xad: {  	_ =	shalt  }

// kernel: kernel.15.cloned.1.call-start
scs
__scs_entry_jumppad:
0x0: {  	(pc) =	sbr.rel $0x88, $3  }
0x1: {  	(tag) =	ssettag $0x0;
	lr =	simm.s32 $0x1  }
0x2: {  	[smem:$0x3F96] =	sst lr;
	_ =	strace $0xD0000000  }
0x3: {  	_ = 	snop  }
0x4: {  	_ = 	snop  }
0x5: {  	_ = 	snop  }
0x6: {  	_ = 	snop  }
0x7: {  	_ = 	snop  }
__scs_overlays_trampoline_lowered:
0x8: {  	[smem:$0x3FA5] =	sst s0  }
0x9: {  	[smem:$0x3FA6] =	sst s1  }
0xa: {  	[smem:$0x3FA7] =	sst s2  }
0xb: {  	[smem:$0x3FA8] =	sst s3  }
0xc: {  	[smem:$0x3FA9] =	sst s4  }
0xd: {  	[smem:$0x3FAA] =	sst s5  }
0xe: {  	[smem:$0x3FAB] =	sst s6  }
0xf: {  	[smem:$0x3FAC] =	sst s7  }
0x10: {  	[smem:$0x3FAD] =	sst s8  }
0x11: {  	[smem:$0x3FAE] =	sst s9;
	s0 =	simm.s32 @!p0 $0x0  }
0x12: {  	s1 =	sld [smem:$0x3F94];
	s0 =	simm.s32 @p0 $0x1  }
0x13: {  	[smem:$0x3FAF] =	sst s0;
	s0 =	simm.s32 @!p1 $0x0  }
0x14: {  	s2 =	sld [smem:$0x3F93];
	s0 =	simm.s32 @p1 $0x1  }
0x15: {  	[smem:$0x3FB0] =	sst s0;
	s0 =	simm.s32 @!p2 $0x0  }
0x16: {  	s3 =	sld [smem:$0x3FDB];
	s0 =	simm.s32 @p2 $0x1  }
0x17: {  	s4 =	simm.s32 $0x1BF5;
	[smem:$0x3FB2] =	sst s0  }
0x18: {  	s0 =	sld [smem:$0x3F95];
	_ =	swait.ge [sflag:s4], $0x0  }
0x19: {  	s7 =	sld [smem:$0x3F96]  }
0x1a: {  	s8 =	sadd.s32 $0xFFFFE003, lr  }
0x1b: {  	s9 =	sadd.s32 $0xFFFFFEF7, lr;
	s5 =	simm.s32 $0xFFFFFFFF;
	p2 =	slt.u32 s8, $0xFFFFF086  }
0x1c: {  	p1 =	slt.u32 s9, $0xF7A;
	s5 =	simm.s32 @!p2 $0x0  }
0x1d: {  	s5 =	simm.s32 @p1 $0x1;
	p0 =	seq.s32 s7, s2  }
0x1e: {  	s7 =	smul.u32 @!p0 $0xF7A, s2;
	p2 =	seq.s32 @!p0 s5, $0x0  }
0x1f: {  	s9 =	smul.u32 $0xF7A, s1;
	s8 =	simm.s32 @!p0 $0x1BF5;
	p2 =	por !p2, p0  }
0x20: {  	[sflag:s8] =	ssyncset.s32 @!p0 $0xFFFFF086;
	s6 =	sadd.s32 @!p0 s3, s7;
	s7 =	simm.s32 @!p0 $0x108  }
0x21: {  	s3 =	sadd.s32 s3, s9;
	s6 =	sadd.s32 @!p0 $0x88, s6;
	s7 =	simm.s32 @p2 $0x1082  }
0x22: {  	[simem:s7], [sflag:s8] =	dma.local @!p0 [hbm:s6], $0xF7A  }
0x23: {  	s9 =	sor.u32 $0xD0000000, s2;
	s6 =	simm.s32 $0x108;
	_ =	swait.ge @!p0 [sflag:s8], $0x0  }
0x24: {  	s3 =	sadd.s32 $0x88, s3;
	s6 =	simm.s32 @!p1 $0x1082;
	[sflag:s4] =	ssyncset.s32 $0xFFFFF086  }
0x25: {  	[simem:s6], [sflag:s4] =	dma.local [hbm:s3], $0xF7A  }
0x26: {  	[smem:$0x3F96] =	sst s1;
	(tag) =	ssettag s2;
	_ =	strace s9  }
0x27: {  	s1 =	sld [smem:$0x3FA6]  }
0x28: {  	s2 =	sld [smem:$0x3FA7]  }
0x29: {  	s4 =	sld [smem:$0x3FA9]  }
0x2a: {  	p0 =	seq.s32 s5, $0x0;
	s5 =	sld [smem:$0x3FAA]  }
0x2b: {  	s6 =	sld [smem:$0x3FAB]  }
0x2c: {  	s7 =	sld [smem:$0x3FAC]  }
0x2d: {  	s3 =	simm.s32 $0x108;
	s8 =	sld [smem:$0x3FAD]  }
0x2e: {  	s3 =	simm.s32 @!p0 $0x1082;
	s9 =	sld [smem:$0x3FAE]  }
0x2f: {  	lr =	sadd.s32 s0, s3;
	s0 =	sld [smem:$0x3FA5]  }
0x30: {  	s3 =	sld [smem:$0x3FA8]  }
0x31: {  	[smem:$0x3FB1] =	sst s10  }
0x32: {  	s10 =	sld [smem:$0x3FAF];
	_ =	sdelay $0x3  }
0x33: {  	p0 =	seq.s32 s10, $0x1;
	s10 =	sld [smem:$0x3FB1];
	_ =	sdelay $0x3  }
0x34: {  	[smem:$0x3FB1] =	sst s10  }
0x35: {  	s10 =	sld [smem:$0x3FB0];
	_ =	sdelay $0x3  }
0x36: {  	p1 =	seq.s32 s10, $0x1;
	s10 =	sld [smem:$0x3FB1];
	_ =	sdelay $0x3  }
0x37: {  	[smem:$0x3FB1] =	sst s10  }
0x38: {  	s10 =	sld [smem:$0x3FB2]  }
0x39: {  	_ = 	snop;
	(pc) =	sbr.ind lr, $3  }
0x3a: {  	_ = 	snop  }
0x3b: {  	_ = 	snop  }
0x3c: {  	p2 =	seq.s32 s10, $0x1;
	s10 =	sld [smem:$0x3FB1]  }
0x3d: {  	_ =	shalt  }
0x3e: {  	_ =	shalt  }
0x3f: {  	_ =	shalt  }
0x40: {  	_ =	shalt  }
0x41: {  	_ =	shalt  }
0x42: {  	_ =	shalt  }
0x43: {  	_ =	shalt  }
0x44: {  	_ =	shalt  }
0x45: {  	_ =	shalt  }
0x46: {  	_ =	shalt  }
0x47: {  	_ =	shalt  }
0x48: {  	_ =	shalt  }
0x49: {  	_ =	shalt  }
0x4a: {  	_ =	shalt  }
0x4b: {  	_ =	shalt  }
0x4c: {  	_ =	shalt  }
0x4d: {  	_ =	shalt  }
0x4e: {  	_ =	shalt  }
0x4f: {  	_ =	shalt  }
0x50: {  	_ =	shalt  }
0x51: {  	_ =	shalt  }
0x52: {  	_ =	shalt  }
0x53: {  	_ =	shalt  }
0x54: {  	_ =	shalt  }
0x55: {  	_ =	shalt  }
0x56: {  	_ =	shalt  }
0x57: {  	_ =	shalt  }
0x58: {  	_ =	shalt  }
0x59: {  	_ =	shalt  }
0x5a: {  	_ =	shalt  }
0x5b: {  	_ =	shalt  }
0x5c: {  	_ =	shalt  }
0x5d: {  	_ =	shalt  }
0x5e: {  	_ =	shalt  }
0x5f: {  	_ =	shalt  }
0x60: {  	_ =	shalt  }
0x61: {  	_ =	shalt  }
0x62: {  	_ =	shalt  }
0x63: {  	_ =	shalt  }
0x64: {  	_ =	shalt  }
0x65: {  	_ =	shalt  }
0x66: {  	_ =	shalt  }
0x67: {  	_ =	shalt  }
0x68: {  	_ =	shalt  }
0x69: {  	_ =	shalt  }
0x6a: {  	_ =	shalt  }
0x6b: {  	_ =	shalt  }
0x6c: {  	_ =	shalt  }
0x6d: {  	_ =	shalt  }
0x6e: {  	_ =	shalt  }
0x6f: {  	_ =	shalt  }
0x70: {  	_ =	shalt  }
0x71: {  	_ =	shalt  }
0x72: {  	_ =	shalt  }
0x73: {  	_ =	shalt  }
0x74: {  	_ =	shalt  }
0x75: {  	_ =	shalt  }
0x76: {  	_ =	shalt  }
0x77: {  	_ =	shalt  }
0x78: {  	_ =	shalt  }
0x79: {  	_ =	shalt  }
0x7a: {  	_ =	shalt  }
0x7b: {  	_ =	shalt  }
0x7c: {  	_ =	shalt  }
0x7d: {  	_ =	shalt  }
0x7e: {  	_ =	shalt  }
0x7f: {  	_ =	shalt  }
0x80: {  	_ =	shalt  }
0x81: {  	_ =	shalt  }
0x82: {  	_ =	shalt  }
0x83: {  	_ =	shalt  }
0x84: {  	_ =	shalt  }
0x85: {  	_ =	shalt  }
0x86: {  	_ =	shalt  }
0x87: {  	_ =	shalt  }
.Lfunc_end0:
.L_simem_size_0:
called_computation.2_lowered:
.L_overlay_start_0:
0x88: {  	s2 =	sld [smem:$0x3FD9]  }
0x89: {  	s3 =	sld [smem:$0x3FFE];
	_ =	sdelay $0x1  }
0x8a: {  	s1 =	srdreg.scid  }
0x8b: {  	s0 =	sand.u32 $0x1, s1  }
0x8c: {  	s16 =	sshll.u32 s0, $0xA;
	s2 =	sadd.s32 s3, s2  }
0x8d: {  	s2 =	sadd.s32 s2, s16  }
0x8e: {  	[smem:$0x3FBD] =	sst s2  }
0x8f: {  	_ = 	snop  }
0x90: {  	(tm) =	ssettm $0x1  }
0x91: {  	s17 =	sld [smem:$0x3FFB];
	_ =	sdelay $0x3  }
0x92: {  	_ =	strace s17  }
0x93: {  	s2 =	sld [smem:$0x3FFC];
	_ =	sdelay $0x3  }
0x94: {  	_ =	strace s2  }
0x95: {  	s2 =	sld [smem:$0x3FFD];
	_ =	sdelay $0x3  }
0x96: {  	_ =	strace s2  }
0x97: {  	_ =	strace $0x8FFFFFFF  }
0x98: {  	s18 =	sld [smem:$0x3FDB];
	_ =	sdelay $0x1  }
0x99: {  	s19 =	simm.s32 $_scs_section_size  }
0x9a: {  	s4 =	simm.s32 $_size__tile_overlayer_lowered;
	s5 =	simm.s32 $_tile_overlayer_lowered  }
0x9b: {  	s22 =	simm.s32 $0x1BFF;
	s21 =	sshll.u32 s5, $0x1;
	s2 =	sadd.s32 s19, s18  }
0x9c: {  	s6 =	simm.s32 $0x0;
	s20 =	sshll.u32 s4, $0x1;
	s4 =	sadd.s32 s21, s2  }
0x9d: {  	[timem:s6], [sflag:s22] =	dma.local [hbm:s4], s20  }
0x9e: {  	_ =	swait.ge [sflag:s22], s20  }
0x9f: {  	s3 =	ssub.s32 $0x0, s20;
	[sflag:s22] =	ssyncset.done $0x0  }
0xa0: {  	[sflag:s22] =	ssyncadd.s32 s3;
	_ =	sdelay $0x1  }
0xa1: {  	s23 =	simm.s32 $0x1B8B  }
0xa2: {  	_ =	swait.ge [sflag:s23], $0x1  }
0xa3: {  	[sflag:s23] =	ssyncset.done $0x0  }
0xa4: {  	s25 =	simm.s32 $0x1B8E;
	s24 =	sld [smem:$0x3FFE];
	[sflag:s23] =	ssyncadd.s32 $0xFFFFFFFF  }
0xa5: {  	s26 =	simm.s32 $execute0_lowered;
	[smem:$0x3FD2] =	sst s25  }
0xa6: {  	s4 =	sshll.u32 s26, $0x1;
	_ =	strace $0x8000004C;
	[dreg:$0x1] =	wrdreg $0xFFFFFFFF  }
0xa7: {  	s28 =	simm.s32 $_size_execute0_lowered;
	s2 =	sadd.s32 s2, s4;
	[dreg:$0x0] =	wrdreg $0x0  }
0xa8: {  	s4 =	sshll.u32 s28, $0x1;
	[dreg:$0x2] =	wrdreg s2  }
0xa9: {  	[dreg:$0x3] =	wrdreg s4  }
0xaa: {  	[dreg:$0x4] =	wrdreg $0xC0  }
0xab: {  	_ =	task [dreg:s6], $0x5FFFF  }
0xac: {  	[dreg:$0x1] =	wrdreg $0xFFFFFFFF  }
0xad: {  	[dreg:$0x0] =	wrdreg $0x60  }
0xae: {  	[dreg:$0x2] =	wrdreg s24  }
0xaf: {  	[dreg:$0x3] =	wrdreg $0x7C000  }
0xb0: {  	[dreg:$0x4] =	wrdreg $0x9  }
0xb1: {  	_ =	task.clear_ibuf [dreg:s6], $0x5FFFF;
	_ =	strace $0x9000004C  }
0xb2: {  	s29 =	simm.s32 $0x9;
	_ =	strace $0x8000004E  }
0xb3: {  	_ =	swait.ge [sflag:s29], $0x1  }
0xb4: {  	[sflag:s29] =	ssyncadd.s32 $0xFFFFFFFF  }
0xb5: {  	_ =	strace $0x9000004E  }
0xb6: {  	_ =	sfence  }
0xb7: {  	s30 =	sld [smem:$0x0];
	_ =	sdelay $0x2  }
0xb8: {  	s31 =	sshll.u32 s1, $0xD;
	s1 =	sshrl.u32 s1, $0x2  }
0xb9: {  	s3 =	sand.u32 $0x4000, s31;
	s1 =	sadd.s32 s1, s30  }
0xba: {  	s0 =	sor.u32 s3, s0;
	s1 =	sshll.u32 s1, $0x11  }
0xbb: {  	s0 =	sor.u32 s1, s0  }
0xbc: {  	s0 =	sadd.s32 $0x8F2B, s0  }
0xbd: {  	[sflag:s0] =	ssyncadd.remote.s32 $0x1  }
0xbe: {  	_ =	sfence.sel $0xFFFF  }
0xbf: {  	[dreg:$0x0] =	wrdreg $0xFFFFFFFF;
	(pc) =	sbr.abs _section_cstart, $3  }
0xc0: {  	[dreg:$0x1] =	wrdreg $0xFFFFFFFF  }
0xc1: {  	_ =	task.clear_ibuf [dreg:s6], $0x2FFFF;
	_ =	strace $0x9FFFFFFF  }
0xc2: {  	(tm) =	ssettm $0x7FFFFFFF  }
0xc3: {  	_ =	shalt  }
tec
execute0_lowered:
.L_overlay_start_1:
0x0: {  	(tag) =	ssettag $0x1  }
0x1: {  	s0 =	rddreg [dreg:$0x0]  }
0x2: {  	s1 =	rddreg [dreg:$0x1];
	s3 =	simm.s32 $0x0;
	s12 =	stileid.u32  }
0x3: {  	s2 =	srdreg.scid;
	s28 =	simm.s32 $0x2;
	s29 =	simm.s32 $0x3  }
0x4: {  	s30 =	simm.s32 $0xA0;
	s31 =	simm.s32 $0x1080;
	[smem:$0x7FF] =	sst s3  }
0x5: {  	s4 =	sadd.s32 $0x3EE00, s0;
	s8 =	smul.u32 $0x50000, s12;
	s5 =	sadd.s32 $0x2C00, s0  }
0x6: {  	s6 =	sadd.s32 $0x2D600, s0;
	s2 =	sand.u32 $0x1, s2;
	s10 =	smul.u32 $0x4E20, s12  }
0x7: {  	s7 =	sadd.s32 $0x8D000, s0;
	s13 =	smul.u32 $0x8C00, s12;
	s8 =	sshrl.u32 s8, $0x2  }
0x8: {  	s26 =	smul.u32 $0x14000, s12;
	p0 =	seq.s32 s12, $0xF;
	s8 =	sadd.s32 s8, s1  }
0x9: {  	_ =	strace $0x8000004D;
	s18 =	ssub.s32 $0x2, s2;
	s19 =	sadd.s32 $0x2800, s8  }
0xa: {  	s11 =	smul.u32 $0x2710, s2;
	s20 =	sadd.s32 $0x5000, s8;
	[dreg:$0x3] =	wrdreg s19  }
0xb: {  	s2 =	smul.u32 $0x138800, s2;
	s21 =	sadd.s32 $0x7800, s8;
	[dreg:$0x4] =	wrdreg s20  }
0xc: {  	s9 =	sshrl.u32 s18, $0x1;
	s22 =	sadd.s32 $0xA000, s8;
	[dreg:$0x5] =	wrdreg s21  }
0xd: {  	s0 =	ssub.s32 s18, s9;
	s23 =	sadd.s32 $0xC800, s8;
	[dreg:$0x6] =	wrdreg s22  }
0xe: {  	s18 =	simm.s32 $0x5;
	s24 =	sadd.s32 $0xF000, s8;
	[dreg:$0x7] =	wrdreg s23  }
0xf: {  	s9 =	simm.s32 $0x0;
	s25 =	sadd.s32 $0x11800, s8;
	[dreg:$0x8] =	wrdreg s24  }
0x10: {  	[dreg:$0x9] =	wrdreg s25;
	s19 =	simm.s32 $0x5;
	s20 =	smax.u32 s0, $0x1  }
0x11: {  	s21 =	sadd.s32 s26, s2;
	s22 =	simm.s32 $0x2C00;
	s23 =	simm.s32 $0x1000  }
0x12: {  	s24 =	simm.s32 $0x50;
	s25 =	simm.s32 $0x1;
	s26 =	simm.s32 $0x5400  }
0x13: {  	v1 =	vimm.f32 $0.0e+00;
	v0 =	vmov s11;
	s0 =	simm.s32 $0x4;
	s2 =	simm.s32 $0x2880;
	s19 =	simm.s32 @!p0 $0x8  }
.LBB2_1:
0x14: {  	s11 =	simm.s32 $0x0;
	s12 =	simm.s32 $0x200  }
.LBB2_2:
0x15: {  	p0 =	sne.s32 s12, $0x9E00;
	[tilespmem:s11+$0x2C70] =	vst v1  }
0x16: {  	[tilespmem:s11+$0x2C00] =	vst v1  }
0x17: {  	[tilespmem:s11+$0x2C10] =	vst v1  }
.Ltmp0:
0x18: {  	[tilespmem:s11+$0x2C20] =	vst v1;
	(pc) =	sbr.rel @p0 .LBB2_2-.Ltmp0, $4  }
0x19: {  	[tilespmem:s11+$0x2C30] =	vst v1  }
0x1a: {  	[tilespmem:s11+$0x2C40] =	vst v1  }
0x1b: {  	[tilespmem:s11+$0x2C50] =	vst v1  }
0x1c: {  	[tilespmem:s11+$0x2C60] =	vst v1;
	s11 =	sshra.s32 s12, $0x2;
	s12 =	sadd.s32 $0x200, s12  }
0x1d: {  	[tilespmem:s11+$0x2C70] =	vst v1  }
0x1e: {  	[tilespmem:s11+$0x2C00] =	vst v1  }
0x1f: {  	[tilespmem:s11+$0x2C10] =	vst v1  }
0x20: {  	[tilespmem:s11+$0x2C20] =	vst v1  }
0x21: {  	[tilespmem:s11+$0x2C30] =	vst v1  }
0x22: {  	[tilespmem:s11+$0x2C40] =	vst v1  }
0x23: {  	[tilespmem:s11+$0x2C50] =	vst v1  }
0x24: {  	[tilespmem:s11+$0x2C60] =	vst v1  }
0x25: {  	[spmem:s8] =	stream.linear.scatter [tilespmem:s22], [sflag:$0x5], $0x2800, $0x38;
	[tilespmem:$0x1BC00] =	vst v63  }
0x26: {  	_ =	swait.ge [sflag:s18], $0x2800  }
0x27: {  	[sflag:s18] =	ssyncset.done $0x0  }
0x28: {  	s16 =	rddreg [dreg:$0x3];
	[sflag:s18] =	ssyncadd.s32 $0xFFFFD800  }
0x29: {  	[spmem:s16] =	stream.linear.scatter [tilespmem:s22], [sflag:$0x5], $0x2800, $0x38;
	[tilespmem:$0x1BC00] =	vst v63  }
0x2a: {  	_ =	swait.ge [sflag:s18], $0x2800  }
0x2b: {  	[sflag:s18] =	ssyncset.done $0x0  }
0x2c: {  	s17 =	rddreg [dreg:$0x4];
	[sflag:s18] =	ssyncadd.s32 $0xFFFFD800  }
0x2d: {  	[spmem:s17] =	stream.linear.scatter [tilespmem:s22], [sflag:$0x5], $0x2800, $0x38;
	[tilespmem:$0x1BC00] =	vst v63  }
0x2e: {  	_ =	swait.ge [sflag:s18], $0x2800  }
0x2f: {  	[sflag:s18] =	ssyncset.done $0x0  }
0x30: {  	s12 =	rddreg [dreg:$0x5];
	[sflag:s18] =	ssyncadd.s32 $0xFFFFD800  }
0x31: {  	[spmem:s12] =	stream.linear.scatter [tilespmem:s22], [sflag:$0x5], $0x2800, $0x38;
	[tilespmem:$0x1BC00] =	vst v63  }
0x32: {  	_ =	swait.ge [sflag:s18], $0x2800  }
0x33: {  	[sflag:s18] =	ssyncset.done $0x0  }
0x34: {  	s14 =	rddreg [dreg:$0x6];
	[sflag:s18] =	ssyncadd.s32 $0xFFFFD800  }
0x35: {  	[spmem:s14] =	stream.linear.scatter [tilespmem:s22], [sflag:$0x5], $0x2800, $0x38;
	[tilespmem:$0x1BC00] =	vst v63  }
0x36: {  	_ =	swait.ge [sflag:s18], $0x2800  }
0x37: {  	[sflag:s18] =	ssyncset.done $0x0  }
0x38: {  	s15 =	rddreg [dreg:$0x7];
	[sflag:s18] =	ssyncadd.s32 $0xFFFFD800  }
0x39: {  	[spmem:s15] =	stream.linear.scatter [tilespmem:s22], [sflag:$0x5], $0x2800, $0x38;
	[tilespmem:$0x1BC00] =	vst v63  }
0x3a: {  	_ =	swait.ge [sflag:s18], $0x2800  }
0x3b: {  	[sflag:s18] =	ssyncset.done $0x0  }
0x3c: {  	s16 =	rddreg [dreg:$0x8];
	[sflag:s18] =	ssyncadd.s32 $0xFFFFD800  }
0x3d: {  	[spmem:s16] =	stream.linear.scatter [tilespmem:s22], [sflag:$0x5], $0x2800, $0x38;
	[tilespmem:$0x1BC00] =	vst v63  }
0x3e: {  	_ =	swait.ge [sflag:s18], $0x2800  }
0x3f: {  	[sflag:s18] =	ssyncset.done $0x0  }
0x40: {  	s17 =	rddreg [dreg:$0x9];
	[sflag:s18] =	ssyncadd.s32 $0xFFFFD800  }
0x41: {  	[spmem:s17] =	stream.linear.scatter [tilespmem:s22], [sflag:$0x5], $0x2800, $0x38;
	[tilespmem:$0x1BC00] =	vst v63  }
.Ltmp1:
0x42: {  	_ =	swait.ge [sflag:s18], $0x2800;
	(pc) =	sbr.rel .LBB2_4-.Ltmp1, $4  }
0x43: {  	[sflag:s18] =	ssyncset.done $0x0  }
0x44: {  	[sflag:s18] =	ssyncadd.s32 $0xFFFFD800  }
0x45: {  	[bflag:$0x0] =	sbarrier.arrive $0xFFFF  }
0x46: {  	s11 =	simm.s32 $0x0;
	s12 =	simm.s32 $0x0  }
.LBB2_9:
0x47: {  	s12 =	sadd.s32 $0x1, s12  }
0x48: {  	p0 =	sne.s32 s12, $0x5  }
.Ltmp2:
0x49: {  	_ = 	snop;
	(pc) =	sbr.rel @!p0 .LBB2_10-.Ltmp2, $4  }
0x4a: {  	[spmem:s1] =	stream.indirect.scatter.add.f32 [tilespmem:s26], [sflag:$0x4], $0x80, s2, s24, $0xb8;
	[tilespmem:$0x1BC00] =	vst v63  }
0x4b: {  	_ =	swait.ge [sflag:s0], $0x2800  }
0x4c: {  	[sflag:s0] =	ssyncset.done $0x0  }
0x4d: {  	[sflag:s0] =	ssyncadd.s32 $0xFFFFD800  }
.LBB2_4:
0x4e: {  	s14 =	smul.u32 $0xFA0, s12;
	_ =	sdelay $0x1  }
0x4f: {  	s14 =	sadd.s32 s10, s14  }
0x50: {  	s14 =	sshrl.u32 s14, $0x3  }
0x51: {  	s15 =	smul.u32 $0x1C00, s12;
	s14 =	sadd.s32 s5, s14  }
0x52: {  	[tilespmem:s11], [sflag:$0x5] =	stream.linear.gather [hbm4b:s14+s11], $0xFA0, $0x38;
	[tilespmem:$0x1BC00] =	vst v63  }
0x53: {  	s17 =	sadd.s32 s13, s15;
	_ =	swait.ge [sflag:s18], $0xFA0  }
0x54: {  	s14 =	sshrl.u32 s17, $0x3;
	[sflag:s18] =	ssyncset.done $0x0  }
0x55: {  	s14 =	sadd.s32 s6, s14;
	[sflag:s18] =	ssyncadd.s32 $0xFFFFF060  }
0x56: {  	[tilespmem:s23], [sflag:$0x5] =	stream.linear.gather [hbm4b:s14+s11], $0x1900, $0x38;
	[tilespmem:$0x1BC00] =	vst v63  }
0x57: {  	_ =	swait.ge [sflag:s18], $0x1900  }
0x58: {  	[sflag:s18] =	ssyncset.done $0x0  }
0x59: {  	s15 =	simm.s32 $0x40;
	s14 =	simm.s32 $0x0;
	[sflag:s18] =	ssyncadd.s32 $0xFFFFE700  }
.LBB2_5:
0x5a: {  	p0 =	sne.s32 s15, $0x3E40;
	v2 =	vld [tilespmem:s14+$0x0];
	_ =	sdelay $0x1  }
.Ltmp3:
0x5b: {  	(pc) =	sbr.rel @p0 .LBB2_5-.Ltmp3, $3  }
0x5c: {  	_ =	sdelay $0x1  }
0x5d: {  	v2 =	vadd.s32 v0, v2  }
0x5e: {  	[tilespmem:s14+$0x0] =	vst v2;
	s14 =	sshra.s32 s15, $0x2;
	s15 =	sadd.s32 $0x40, s15  }
0x5f: {  	v2 =	vld [tilespmem:s14+$0x0];
	_ =	sdelay $0x4  }
0x60: {  	v2 =	vadd.s32 v0, v2  }
0x61: {  	[tilespmem:s14+$0x0] =	vst v2  }
0x62: {  	[tilespmem:s22], [sflag:$0x1] =	stream.indirect.gather [hbm4b:s4+s24], $0x80, s3, s24, $0xb8;
	[tilespmem:$0x1BC00] =	vst v63  }
0x63: {  	_ =	swait.ge [sflag:s25], $0x2800  }
0x64: {  	[sflag:s25] =	ssyncset.done $0x0  }
0x65: {  	[sflag:s25] =	ssyncadd.s32 $0xFFFFD800  }
0x66: {  	[tilespmem:s26], [sflag:$0x2] =	stream.indirect.gather [hbm4b:s4+s24], $0x80, s24, s24, $0xb8;
	[tilespmem:$0x1BC00] =	vst v63  }
0x67: {  	_ = 	snop  }
0x68: {  	[spmem:s1] =	stream.indirect.scatter.add.f32 [tilespmem:s22], [sflag:$0x3], $0x80, s23, s24, $0xb8;
	[tilespmem:$0x1BC00] =	vst v63  }
0x69: {  	_ =	swait.ge [sflag:s28], $0x2800  }
0x6a: {  	[sflag:s28] =	ssyncset.done $0x0  }
0x6b: {  	[sflag:s28] =	ssyncadd.s32 $0xFFFFD800  }
0x6c: {  	_ =	swait.ge [sflag:s29], $0x2800  }
0x6d: {  	[sflag:s29] =	ssyncset.done $0x0  }
0x6e: {  	[sflag:s29] =	ssyncadd.s32 $0xFFFFD800  }
0x6f: {  	[tilespmem:s22], [sflag:$0x1] =	stream.indirect.gather [hbm4b:s4+s24], $0x80, s30, s24, $0xb8;
	[tilespmem:$0x1BC00] =	vst v63  }
0x70: {  	s15 =	simm.s32 $0xFFFFA400;
	s14 =	simm.s32 $0x140  }
0x71: {  	[spmem:s1] =	stream.indirect.scatter.add.f32 [tilespmem:s26], [sflag:$0x4], $0x80, s31, s24, $0xb8;
	[tilespmem:$0x1BC00] =	vst v63  }
.LBB2_7:
0x72: {  	_ =	swait.ge [sflag:s25], $0x2800  }
0x73: {  	[sflag:s25] =	ssyncset.done $0x0  }
0x74: {  	[sflag:s25] =	ssyncadd.s32 $0xFFFFD800  }
0x75: {  	_ =	swait.ge [sflag:s0], $0x2800  }
0x76: {  	[sflag:s0] =	ssyncset.done $0x0  }
0x77: {  	s16 =	sadd.s32 $0xFFFFFFB0, s14;
	[sflag:s0] =	ssyncadd.s32 $0xFFFFD800  }
0x78: {  	[tilespmem:s26], [sflag:$0x2] =	stream.indirect.gather [hbm4b:s4+s24], $0x80, s16, s24, $0xb8;
	[tilespmem:$0x1BC00] =	vst v63  }
0x79: {  	s16 =	sshra.s32 s15, $0x2  }
0x7a: {  	s17 =	sadd.s32 $0x2800, s16  }
0x7b: {  	[spmem:s1] =	stream.indirect.scatter.add.f32 [tilespmem:s22], [sflag:$0x3], $0x80, s17, s24, $0xb8;
	[tilespmem:$0x1BC00] =	vst v63  }
0x7c: {  	p0 =	seq.s32 s15, $0x0;
	_ =	swait.ge [sflag:s28], $0x2800  }
.Ltmp4:
0x7d: {  	[sflag:s28] =	ssyncset.done $0x0;
	(pc) =	sbr.rel @p0 .LBB2_9-.Ltmp4, $4  }
0x7e: {  	[sflag:s28] =	ssyncadd.s32 $0xFFFFD800  }
0x7f: {  	_ =	swait.ge [sflag:s29], $0x2800  }
0x80: {  	[sflag:s29] =	ssyncset.done $0x0  }
0x81: {  	[sflag:s29] =	ssyncadd.s32 $0xFFFFD800  }
.Ltmp5:
0x82: {  	(pc) =	sbr.rel .LBB2_7-.Ltmp5, $4  }
0x83: {  	_ = 	snop  }
0x84: {  	[tilespmem:s22], [sflag:$0x1] =	stream.indirect.gather [hbm4b:s4+s24], $0x80, s14, s24, $0xb8;
	[tilespmem:$0x1BC00] =	vst v63  }
0x85: {  	s16 =	sadd.s32 $0x2880, s16;
	s14 =	sadd.s32 $0xA0, s14;
	s15 =	sadd.s32 $0x400, s15  }
0x86: {  	[spmem:s1] =	stream.indirect.scatter.add.f32 [tilespmem:s26], [sflag:$0x4], $0x80, s16, s24, $0xb8;
	[tilespmem:$0x1BC00] =	vst v63  }
.LBB2_10:
0x87: {  	[bflag:$0x0] =	sbarrier.arrive $0xFFFF  }
0x88: {  	[tilespmem:s22], [sflag:$0x5] =	stream.linear.gather [spmem:s8], $0x2800, $0x38;
	[tilespmem:$0x1BC00] =	vst v63  }
0x89: {  	p0 =	sne.s32 s19, $0x1;
	_ =	swait.ge [sflag:s18], $0x2800  }
.Ltmp6:
0x8a: {  	s11 =	sshrl.u32 s21, $0x3;
	[sflag:s18] =	ssyncset.done $0x0;
	(pc) =	sbr.rel @!p0 .LBB2_12-.Ltmp6, $4  }
0x8b: {  	s11 =	sadd.s32 s7, s11;
	[sflag:s18] =	ssyncadd.s32 $0xFFFFD800  }
0x8c: {  	[hbm4b:s11+s3] =	stream.linear.scatter [tilespmem:s22], [sflag:$0x5], $0x2800, $0x38;
	[tilespmem:$0x1BC00] =	vst v63  }
0x8d: {  	s12 =	smov.u32 s21;
	_ =	swait.ge [sflag:s18], $0x2800  }
0x8e: {  	s14 =	smov.u32 s8;
	s11 =	sadd.s32 $0xFFFFFFFF, s19;
	[sflag:s18] =	ssyncset.done $0x0  }
.LBB2_11:
0x8f: {  	[sflag:s18] =	ssyncadd.s32 $0xFFFFD800;
	s12 =	sadd.s32 $0x2800, s12;
	s14 =	sadd.s32 $0x2800, s14  }
0x90: {  	[tilespmem:s22], [sflag:$0x5] =	stream.linear.gather [spmem:s14], $0x2800, $0x38;
	[tilespmem:$0x1BC00] =	vst v63  }
0x91: {  	p0 =	sne.s32 s11, $0x1;
	s11 =	sadd.s32 $0xFFFFFFFF, s11;
	_ =	swait.ge [sflag:s18], $0x2800  }
.Ltmp7:
0x92: {  	s15 =	sshrl.u32 s12, $0x3;
	[sflag:s18] =	ssyncset.done $0x0;
	(pc) =	sbr.rel @p0 .LBB2_11-.Ltmp7, $4  }
0x93: {  	s15 =	sadd.s32 s7, s15;
	[sflag:s18] =	ssyncadd.s32 $0xFFFFD800  }
0x94: {  	[hbm4b:s15+s3] =	stream.linear.scatter [tilespmem:s22], [sflag:$0x5], $0x2800, $0x38;
	[tilespmem:$0x1BC00] =	vst v63  }
0x95: {  	_ =	swait.ge [sflag:s18], $0x2800  }
0x96: {  	[sflag:s18] =	ssyncset.done $0x0  }
.LBB2_12:
0x97: {  	s9 =	sadd.s32 $0x1, s9  }
0x98: {  	p0 =	sne.s32 s9, s20  }
.Ltmp8:
0x99: {  	_ = 	snop;
	(pc) =	sbr.rel @p0 .LBB2_1-.Ltmp8, $2  }
0x9a: {  	_ =	sdelay $0x2  }
0x9b: {  	[sflag:s18] =	ssyncadd.s32 $0xFFFFD800  }
0x9c: {  	_ =	sfence.sel $0x180000  }
0x9d: {  	[bflag:$0x0] =	sbarrier.arrive $0xFFFF  }
0x9e: {  	_ =	strace $0x9000004D  }
0x9f: {  	s0 =	stileid.u32;
	[bflag:$0x2] =	sbarrier.arrive $0xFFFF  }
0xa0: {  	p0 =	sne.s32 s0, $0x0;
	s0 =	rddreg [dreg:$0x2]  }
0xa1: {  	s0 =	sadd.s32 @!p0 $0x100000, s0  }
0xa2: {  	[sflag:s0] =	ssyncadd.tile.s32 @!p0 $0x1;
	_ =	shalt  }
.Lfunc_end2:
_tile_overlayer_lowered:
.L_overlay_start_2:
0xa3: {  	(tag) =	ssettag $0x2  }
0xa4: {  	s0 =	rddreg [dreg:$0x0];
	s2 =	stileid.u32  }
0xa5: {  	s1 =	rddreg [dreg:$0x1];
	p0 =	sne.s32 s2, $0x0  }
0xa6: {  	s3 =	rddreg [dreg:$0x2];
	[bflag:$0x3] =	sbarrier.arrive $0xFFFF;
	s2 =	simm.s32 @!p0 $0x1C05  }
0xa7: {  	[timem:s3], [sflag:s2] =	dma.local @!p0 [hbm:s0], s1  }
0xa8: {  	s0 =	simm.s32 @!p0 $0x5  }
0xa9: {  	_ =	swait.ge @!p0 [sflag:s0], s1  }
0xaa: {  	s1 =	ssub.s32 @!p0 $0x0, s1;
	[sflag:s0] =	ssyncset.done @!p0 $0x0  }
0xab: {  	[sflag:s0] =	ssyncadd.s32 @!p0 s1  }
0xac: {  	[bflag:$0x3] =	sbarrier.arrive $0xFFFF  }
0xad: {  	_ =	shalt  }

// kernel: kernel.9.cloned.1.call-start
scs
__scs_entry_jumppad:
0x0: {  	(pc) =	sbr.rel $0x88, $3  }
0x1: {  	(tag) =	ssettag $0x0;
	lr =	simm.s32 $0x1  }
0x2: {  	[smem:$0x3F96] =	sst lr;
	_ =	strace $0xD0000000  }
0x3: {  	_ = 	snop  }
0x4: {  	_ = 	snop  }
0x5: {  	_ = 	snop  }
0x6: {  	_ = 	snop  }
0x7: {  	_ = 	snop  }
__scs_overlays_trampoline_lowered:
0x8: {  	[smem:$0x3FA5] =	sst s0  }
0x9: {  	[smem:$0x3FA6] =	sst s1  }
0xa: {  	[smem:$0x3FA7] =	sst s2  }
0xb: {  	[smem:$0x3FA8] =	sst s3  }
0xc: {  	[smem:$0x3FA9] =	sst s4  }
0xd: {  	[smem:$0x3FAA] =	sst s5  }
0xe: {  	[smem:$0x3FAB] =	sst s6  }
0xf: {  	[smem:$0x3FAC] =	sst s7  }
0x10: {  	[smem:$0x3FAD] =	sst s8  }
0x11: {  	[smem:$0x3FAE] =	sst s9;
	s0 =	simm.s32 @!p0 $0x0  }
0x12: {  	s1 =	sld [smem:$0x3F94];
	s0 =	simm.s32 @p0 $0x1  }
0x13: {  	[smem:$0x3FAF] =	sst s0;
	s0 =	simm.s32 @!p1 $0x0  }
0x14: {  	s2 =	sld [smem:$0x3F93];
	s0 =	simm.s32 @p1 $0x1  }
0x15: {  	[smem:$0x3FB0] =	sst s0;
	s0 =	simm.s32 @!p2 $0x0  }
0x16: {  	s3 =	sld [smem:$0x3FDB];
	s0 =	simm.s32 @p2 $0x1  }
0x17: {  	s4 =	simm.s32 $0x1BF5;
	[smem:$0x3FB2] =	sst s0  }
0x18: {  	s0 =	sld [smem:$0x3F95];
	_ =	swait.ge [sflag:s4], $0x0  }
0x19: {  	s7 =	sld [smem:$0x3F96]  }
0x1a: {  	s8 =	sadd.s32 $0xFFFFE003, lr  }
0x1b: {  	s9 =	sadd.s32 $0xFFFFFEF7, lr;
	s5 =	simm.s32 $0xFFFFFFFF;
	p2 =	slt.u32 s8, $0xFFFFF086  }
0x1c: {  	p1 =	slt.u32 s9, $0xF7A;
	s5 =	simm.s32 @!p2 $0x0  }
0x1d: {  	s5 =	simm.s32 @p1 $0x1;
	p0 =	seq.s32 s7, s2  }
0x1e: {  	s7 =	smul.u32 @!p0 $0xF7A, s2;
	p2 =	seq.s32 @!p0 s5, $0x0  }
0x1f: {  	s9 =	smul.u32 $0xF7A, s1;
	s8 =	simm.s32 @!p0 $0x1BF5;
	p2 =	por !p2, p0  }
0x20: {  	[sflag:s8] =	ssyncset.s32 @!p0 $0xFFFFF086;
	s6 =	sadd.s32 @!p0 s3, s7;
	s7 =	simm.s32 @!p0 $0x108  }
0x21: {  	s3 =	sadd.s32 s3, s9;
	s6 =	sadd.s32 @!p0 $0x88, s6;
	s7 =	simm.s32 @p2 $0x1082  }
0x22: {  	[simem:s7], [sflag:s8] =	dma.local @!p0 [hbm:s6], $0xF7A  }
0x23: {  	s9 =	sor.u32 $0xD0000000, s2;
	s6 =	simm.s32 $0x108;
	_ =	swait.ge @!p0 [sflag:s8], $0x0  }
0x24: {  	s3 =	sadd.s32 $0x88, s3;
	s6 =	simm.s32 @!p1 $0x1082;
	[sflag:s4] =	ssyncset.s32 $0xFFFFF086  }
0x25: {  	[simem:s6], [sflag:s4] =	dma.local [hbm:s3], $0xF7A  }
0x26: {  	[smem:$0x3F96] =	sst s1;
	(tag) =	ssettag s2;
	_ =	strace s9  }
0x27: {  	s1 =	sld [smem:$0x3FA6]  }
0x28: {  	s2 =	sld [smem:$0x3FA7]  }
0x29: {  	s4 =	sld [smem:$0x3FA9]  }
0x2a: {  	p0 =	seq.s32 s5, $0x0;
	s5 =	sld [smem:$0x3FAA]  }
0x2b: {  	s6 =	sld [smem:$0x3FAB]  }
0x2c: {  	s7 =	sld [smem:$0x3FAC]  }
0x2d: {  	s3 =	simm.s32 $0x108;
	s8 =	sld [smem:$0x3FAD]  }
0x2e: {  	s3 =	simm.s32 @!p0 $0x1082;
	s9 =	sld [smem:$0x3FAE]  }
0x2f: {  	lr =	sadd.s32 s0, s3;
	s0 =	sld [smem:$0x3FA5]  }
0x30: {  	s3 =	sld [smem:$0x3FA8]  }
0x31: {  	[smem:$0x3FB1] =	sst s10  }
0x32: {  	s10 =	sld [smem:$0x3FAF];
	_ =	sdelay $0x3  }
0x33: {  	p0 =	seq.s32 s10, $0x1;
	s10 =	sld [smem:$0x3FB1];
	_ =	sdelay $0x3  }
0x34: {  	[smem:$0x3FB1] =	sst s10  }
0x35: {  	s10 =	sld [smem:$0x3FB0];
	_ =	sdelay $0x3  }
0x36: {  	p1 =	seq.s32 s10, $0x1;
	s10 =	sld [smem:$0x3FB1];
	_ =	sdelay $0x3  }
0x37: {  	[smem:$0x3FB1] =	sst s10  }
0x38: {  	s10 =	sld [smem:$0x3FB2]  }
0x39: {  	_ = 	snop;
	(pc) =	sbr.ind lr, $3  }
0x3a: {  	_ = 	snop  }
0x3b: {  	_ = 	snop  }
0x3c: {  	p2 =	seq.s32 s10, $0x1;
	s10 =	sld [smem:$0x3FB1]  }
0x3d: {  	_ =	shalt  }
0x3e: {  	_ =	shalt  }
0x3f: {  	_ =	shalt  }
0x40: {  	_ =	shalt  }
0x41: {  	_ =	shalt  }
0x42: {  	_ =	shalt  }
0x43: {  	_ =	shalt  }
0x44: {  	_ =	shalt  }
0x45: {  	_ =	shalt  }
0x46: {  	_ =	shalt  }
0x47: {  	_ =	shalt  }
0x48: {  	_ =	shalt  }
0x49: {  	_ =	shalt  }
0x4a: {  	_ =	shalt  }
0x4b: {  	_ =	shalt  }
0x4c: {  	_ =	shalt  }
0x4d: {  	_ =	shalt  }
0x4e: {  	_ =	shalt  }
0x4f: {  	_ =	shalt  }
0x50: {  	_ =	shalt  }
0x51: {  	_ =	shalt  }
0x52: {  	_ =	shalt  }
0x53: {  	_ =	shalt  }
0x54: {  	_ =	shalt  }
0x55: {  	_ =	shalt  }
0x56: {  	_ =	shalt  }
0x57: {  	_ =	shalt  }
0x58: {  	_ =	shalt  }
0x59: {  	_ =	shalt  }
0x5a: {  	_ =	shalt  }
0x5b: {  	_ =	shalt  }
0x5c: {  	_ =	shalt  }
0x5d: {  	_ =	shalt  }
0x5e: {  	_ =	shalt  }
0x5f: {  	_ =	shalt  }
0x60: {  	_ =	shalt  }
0x61: {  	_ =	shalt  }
0x62: {  	_ =	shalt  }
0x63: {  	_ =	shalt  }
0x64: {  	_ =	shalt  }
0x65: {  	_ =	shalt  }
0x66: {  	_ =	shalt  }
0x67: {  	_ =	shalt  }
0x68: {  	_ =	shalt  }
0x69: {  	_ =	shalt  }
0x6a: {  	_ =	shalt  }
0x6b: {  	_ =	shalt  }
0x6c: {  	_ =	shalt  }
0x6d: {  	_ =	shalt  }
0x6e: {  	_ =	shalt  }
0x6f: {  	_ =	shalt  }
0x70: {  	_ =	shalt  }
0x71: {  	_ =	shalt  }
0x72: {  	_ =	shalt  }
0x73: {  	_ =	shalt  }
0x74: {  	_ =	shalt  }
0x75: {  	_ =	shalt  }
0x76: {  	_ =	shalt  }
0x77: {  	_ =	shalt  }
0x78: {  	_ =	shalt  }
0x79: {  	_ =	shalt  }
0x7a: {  	_ =	shalt  }
0x7b: {  	_ =	shalt  }
0x7c: {  	_ =	shalt  }
0x7d: {  	_ =	shalt  }
0x7e: {  	_ =	shalt  }
0x7f: {  	_ =	shalt  }
0x80: {  	_ =	shalt  }
0x81: {  	_ =	shalt  }
0x82: {  	_ =	shalt  }
0x83: {  	_ =	shalt  }
0x84: {  	_ =	shalt  }
0x85: {  	_ =	shalt  }
0x86: {  	_ =	shalt  }
0x87: {  	_ =	shalt  }
.Lfunc_end0:
.L_simem_size_0:
called_computation_lowered:
.L_overlay_start_0:
0x88: {  	s2 =	sld [smem:$0x3FD9]  }
0x89: {  	s3 =	sld [smem:$0x3FFE];
	_ =	sdelay $0x1  }
0x8a: {  	s1 =	srdreg.scid  }
0x8b: {  	s0 =	sand.u32 $0x1, s1  }
0x8c: {  	s16 =	sshll.u32 s0, $0xA;
	s2 =	sadd.s32 s3, s2  }
0x8d: {  	s2 =	sadd.s32 s2, s16  }
0x8e: {  	[smem:$0x3FBD] =	sst s2  }
0x8f: {  	_ = 	snop  }
0x90: {  	(tm) =	ssettm $0x1  }
0x91: {  	s17 =	sld [smem:$0x3FFB];
	_ =	sdelay $0x3  }
0x92: {  	_ =	strace s17  }
0x93: {  	s2 =	sld [smem:$0x3FFC];
	_ =	sdelay $0x3  }
0x94: {  	_ =	strace s2  }
0x95: {  	s2 =	sld [smem:$0x3FFD];
	_ =	sdelay $0x3  }
0x96: {  	_ =	strace s2  }
0x97: {  	_ =	strace $0x8FFFFFFF  }
0x98: {  	s18 =	sld [smem:$0x3FDB];
	_ =	sdelay $0x1  }
0x99: {  	s19 =	simm.s32 $_scs_section_size  }
0x9a: {  	s4 =	simm.s32 $_size__tile_overlayer_lowered;
	s5 =	simm.s32 $_tile_overlayer_lowered  }
0x9b: {  	s22 =	simm.s32 $0x1BFF;
	s21 =	sshll.u32 s5, $0x1;
	s2 =	sadd.s32 s19, s18  }
0x9c: {  	s6 =	simm.s32 $0x0;
	s20 =	sshll.u32 s4, $0x1;
	s4 =	sadd.s32 s21, s2  }
0x9d: {  	[timem:s6], [sflag:s22] =	dma.local [hbm:s4], s20  }
0x9e: {  	_ =	swait.ge [sflag:s22], s20  }
0x9f: {  	s3 =	ssub.s32 $0x0, s20;
	[sflag:s22] =	ssyncset.done $0x0  }
0xa0: {  	[sflag:s22] =	ssyncadd.s32 s3;
	_ =	sdelay $0x1  }
0xa1: {  	s23 =	simm.s32 $0x1B8B  }
0xa2: {  	_ =	swait.ge [sflag:s23], $0x1  }
0xa3: {  	[sflag:s23] =	ssyncset.done $0x0  }
0xa4: {  	s25 =	simm.s32 $0x1B8E;
	s24 =	sld [smem:$0x3FFE];
	[sflag:s23] =	ssyncadd.s32 $0xFFFFFFFF  }
0xa5: {  	s26 =	simm.s32 $execute0_lowered;
	[smem:$0x3FD2] =	sst s25  }
0xa6: {  	s4 =	sshll.u32 s26, $0x1;
	_ =	strace $0x80000046;
	[dreg:$0x1] =	wrdreg $0xFFFFFFFF  }
0xa7: {  	s28 =	simm.s32 $_size_execute0_lowered;
	s2 =	sadd.s32 s2, s4;
	[dreg:$0x0] =	wrdreg $0x0  }
0xa8: {  	s4 =	sshll.u32 s28, $0x1;
	[dreg:$0x2] =	wrdreg s2  }
0xa9: {  	[dreg:$0x3] =	wrdreg s4  }
0xaa: {  	[dreg:$0x4] =	wrdreg $0xC0  }
0xab: {  	_ =	task [dreg:s6], $0x5FFFF  }
0xac: {  	[dreg:$0x1] =	wrdreg $0xFFFFFFFF  }
0xad: {  	[dreg:$0x0] =	wrdreg $0x60  }
0xae: {  	[dreg:$0x2] =	wrdreg s24  }
0xaf: {  	[dreg:$0x3] =	wrdreg $0x83000  }
0xb0: {  	[dreg:$0x4] =	wrdreg $0x9  }
0xb1: {  	_ =	task.clear_ibuf [dreg:s6], $0x5FFFF;
	_ =	strace $0x90000046  }
0xb2: {  	s29 =	simm.s32 $0x9;
	_ =	strace $0x80000048  }
0xb3: {  	_ =	swait.ge [sflag:s29], $0x1  }
0xb4: {  	[sflag:s29] =	ssyncadd.s32 $0xFFFFFFFF  }
0xb5: {  	_ =	strace $0x90000048  }
0xb6: {  	_ =	sfence  }
0xb7: {  	s30 =	sld [smem:$0x0];
	_ =	sdelay $0x2  }
0xb8: {  	s31 =	sshll.u32 s1, $0xD;
	s1 =	sshrl.u32 s1, $0x2  }
0xb9: {  	s3 =	sand.u32 $0x4000, s31;
	s1 =	sadd.s32 s1, s30  }
0xba: {  	s0 =	sor.u32 s3, s0;
	s1 =	sshll.u32 s1, $0x11  }
0xbb: {  	s0 =	sor.u32 s1, s0  }
0xbc: {  	s0 =	sadd.s32 $0x8F2B, s0  }
0xbd: {  	[sflag:s0] =	ssyncadd.remote.s32 $0x1  }
0xbe: {  	_ =	sfence.sel $0xFFFF  }
0xbf: {  	[dreg:$0x0] =	wrdreg $0xFFFFFFFF;
	(pc) =	sbr.abs _section_cstart, $3  }
0xc0: {  	[dreg:$0x1] =	wrdreg $0xFFFFFFFF  }
0xc1: {  	_ =	task.clear_ibuf [dreg:s6], $0x2FFFF;
	_ =	strace $0x9FFFFFFF  }
0xc2: {  	(tm) =	ssettm $0x7FFFFFFF  }
0xc3: {  	_ =	shalt  }
tec
execute0_lowered:
.L_overlay_start_1:
0x0: {  	(tag) =	ssettag $0x1  }
0x1: {  	s4 =	rddreg [dreg:$0x0]  }
0x2: {  	s1 =	rddreg [dreg:$0x1]  }
0x3: {  	s0 =	rddreg [dreg:$0x2];
	s2 =	simm.s32 $0x0;
	s3 =	srdreg.scid  }
0x4: {  	s13 =	simm.s32 $0x0;
	[smem:$0x7FF] =	sst s2;
	s5 =	sand.u32 $0x1, s3  }
0x5: {  	s6 =	sadd.s32 $0xCA00, s4;
	s3 =	stileid.u32;
	s8 =	sadd.s32 $0x1CA00, s4  }
0x6: {  	s11 =	sadd.s32 $0x2D000, s4;
	s12 =	sadd.s32 $0x2CA00, s4;
	_ =	strace $0x80000047  }
0x7: {  	s7 =	ssub.s32 $0x2, s5;
	s10 =	smul.u32 $0x280, s3;
	p0 =	seq.s32 s5, $0x0  }
0x8: {  	s31 =	sshll.u32 s3, $0xC;
	s9 =	sshrl.u32 s7, $0x1;
	s6 =	smov.u32 @p0 s8  }
0x9: {  	s12 =	smov.u32 @p0 s11;
	s8 =	simm.s32 $0x8080;
	s11 =	simm.s32 $0x8000  }
0xa: {  	s7 =	ssub.s32 s7, s9;
	s4 =	sadd.s32 s10, s1;
	s10 =	sshrl.u32 s10, $0x3  }
0xb: {  	s6 =	sadd.s32 s6, s31;
	s9 =	simm.s32 $0x2;
	s5 =	smax.u32 s7, $0x1  }
0xc: {  	v0 =	vimm.f32 $0.0e+00;
	v1 =	vimm.f32 $1.000000000e+00;
	s7 =	sadd.s32 s12, s10;
	s10 =	simm.s32 $0x50;
	s12 =	simm.s32 $0x1  }
.LBB2_1:
0xd: {  	[tilespmem:$0x8080] =	vst v0  }
0xe: {  	[tilespmem:$0x8090] =	vst v0  }
0xf: {  	[tilespmem:$0x80A0] =	vst v0  }
0x10: {  	[tilespmem:$0x80B0] =	vst v0  }
0x11: {  	[tilespmem:$0x80C0] =	vst v0  }
0x12: {  	[tilespmem:$0x80D0] =	vst v0  }
0x13: {  	[tilespmem:$0x80E0] =	vst v0  }
0x14: {  	[tilespmem:$0x80F0] =	vst v0  }
0x15: {  	[tilespmem:$0x8100] =	vst v0  }
0x16: {  	[tilespmem:$0x8110] =	vst v0  }
0x17: {  	[tilespmem:$0x8120] =	vst v0  }
0x18: {  	[tilespmem:$0x8130] =	vst v0  }
0x19: {  	[tilespmem:$0x8140] =	vst v0  }
0x1a: {  	[tilespmem:$0x8150] =	vst v0  }
0x1b: {  	[tilespmem:$0x8160] =	vst v0  }
0x1c: {  	[tilespmem:$0x8170] =	vst v0  }
0x1d: {  	[tilespmem:$0x8180] =	vst v0  }
0x1e: {  	[tilespmem:$0x8190] =	vst v0  }
0x1f: {  	[tilespmem:$0x81A0] =	vst v0  }
0x20: {  	[tilespmem:$0x81B0] =	vst v0  }
0x21: {  	[tilespmem:$0x81C0] =	vst v0  }
0x22: {  	[tilespmem:$0x81D0] =	vst v0  }
0x23: {  	[tilespmem:$0x81E0] =	vst v0  }
0x24: {  	[tilespmem:$0x81F0] =	vst v0  }
0x25: {  	[tilespmem:$0x8200] =	vst v0  }
0x26: {  	[tilespmem:$0x8210] =	vst v0  }
0x27: {  	[tilespmem:$0x8220] =	vst v0  }
0x28: {  	[tilespmem:$0x8230] =	vst v0  }
0x29: {  	[tilespmem:$0x8240] =	vst v0  }
0x2a: {  	[tilespmem:$0x8250] =	vst v0  }
0x2b: {  	[tilespmem:$0x8260] =	vst v0  }
0x2c: {  	[tilespmem:$0x8270] =	vst v0  }
0x2d: {  	[tilespmem:$0x8280] =	vst v0  }
0x2e: {  	[tilespmem:$0x8290] =	vst v0  }
0x2f: {  	[tilespmem:$0x82A0] =	vst v0  }
0x30: {  	[tilespmem:$0x82B0] =	vst v0  }
0x31: {  	[tilespmem:$0x82C0] =	vst v0  }
0x32: {  	[tilespmem:$0x82D0] =	vst v0  }
0x33: {  	[tilespmem:$0x82E0] =	vst v0  }
0x34: {  	[tilespmem:$0x82F0] =	vst v0  }
0x35: {  	[tilespmem:$0x8000] =	vst v1  }
0x36: {  	[tilespmem:$0x8010] =	vst v1  }
0x37: {  	[tilespmem:$0x8020] =	vst v1  }
0x38: {  	[tilespmem:$0x8030] =	vst v1  }
0x39: {  	[tilespmem:$0x8040] =	vst v1  }
0x3a: {  	[spmem:s4] =	stream.linear.scatter [tilespmem:s8], [sflag:$0x2], $0x280, $0x38;
	[tilespmem:$0x8580] =	vst v63  }
0x3b: {  	_ =	swait.ge [sflag:s9], $0x280  }
0x3c: {  	[sflag:s9] =	ssyncset.done $0x0  }
0x3d: {  	[sflag:s9] =	ssyncadd.s32 $0xFFFFFD80  }
0x3e: {  	[bflag:$0x0] =	sbarrier.arrive $0xFFFF  }
0x3f: {  	[tilespmem:s2], [sflag:$0x2] =	stream.linear.gather [hbm4b:s6+s2], $0x7D00, $0x38;
	[tilespmem:$0x8580] =	vst v63  }
0x40: {  	_ =	swait.ge [sflag:s9], $0x7D00  }
0x41: {  	p0 =	por $0x1, $0x1;
	[sflag:s9] =	ssyncset.done $0x0  }
0x42: {  	s15 =	simm.s32 @!p0 $0x1;
	[sflag:s9] =	ssyncadd.s32 $0xFFFF8300  }
0x43: {  	_ =	swait.ge @!p0 [sflag:s15], $0x50  }
0x44: {  	s14 =	simm.s32 $0x1;
	[sflag:s15] =	ssyncset.done @!p0 $0x0  }
0x45: {  	s16 =	simm.s32 $0x0;
	[sflag:s15] =	ssyncadd.s32 @!p0 $0xFFFFFFB0;
	s15 =	simm.s32 $0x80  }
.LBB2_2:
0x46: {  	[spmem:s1] =	stream.indirect.scatter.add.f32 [tilespmem:s11], [sflag:$0x1], $0x1, s16, s10, $0xb8;
	[tilespmem:$0x8580] =	vst v63  }
0x47: {  	p0 =	slt.u32 s14, $0x8;
	s14 =	sadd.s32 $0x1, s14  }
0x48: {  	p1 =	sne.s32 s14, $0xFA  }
.Ltmp0:
0x49: {  	(pc) =	sbr.rel @p1 .LBB2_2-.Ltmp0, $4  }
0x4a: {  	s16 =	smov.u32 s15;
	s17 =	simm.s32 @!p0 $0x1  }
0x4b: {  	_ =	swait.ge @!p0 [sflag:s17], $0x50  }
0x4c: {  	[sflag:s17] =	ssyncset.done @!p0 $0x0  }
0x4d: {  	s15 =	sadd.s32 $0x80, s15;
	[sflag:s17] =	ssyncadd.s32 @!p0 $0xFFFFFFB0  }
0x4e: {  	[spmem:s1] =	stream.indirect.scatter.add.f32 [tilespmem:s11], [sflag:$0x1], $0x1, s16, s10, $0xb8;
	[tilespmem:$0x8580] =	vst v63  }
0x4f: {  	_ =	swait.ge [sflag:s12], $0x50  }
0x50: {  	[sflag:s12] =	ssyncset.done $0x0  }
0x51: {  	[sflag:s12] =	ssyncadd.s32 $0xFFFFFFB0  }
0x52: {  	_ =	swait.ge [sflag:s12], $0x50  }
0x53: {  	[sflag:s12] =	ssyncset.done $0x0  }
0x54: {  	[sflag:s12] =	ssyncadd.s32 $0xFFFFFFB0  }
0x55: {  	_ =	swait.ge [sflag:s12], $0x50  }
0x56: {  	[sflag:s12] =	ssyncset.done $0x0  }
0x57: {  	[sflag:s12] =	ssyncadd.s32 $0xFFFFFFB0  }
0x58: {  	_ =	swait.ge [sflag:s12], $0x50  }
0x59: {  	[sflag:s12] =	ssyncset.done $0x0  }
0x5a: {  	[sflag:s12] =	ssyncadd.s32 $0xFFFFFFB0  }
0x5b: {  	_ =	swait.ge [sflag:s12], $0x50  }
0x5c: {  	[sflag:s12] =	ssyncset.done $0x0  }
0x5d: {  	[sflag:s12] =	ssyncadd.s32 $0xFFFFFFB0  }
0x5e: {  	_ =	swait.ge [sflag:s12], $0x50  }
0x5f: {  	[sflag:s12] =	ssyncset.done $0x0  }
0x60: {  	[sflag:s12] =	ssyncadd.s32 $0xFFFFFFB0  }
0x61: {  	_ =	swait.ge [sflag:s12], $0x50  }
0x62: {  	[sflag:s12] =	ssyncset.done $0x0  }
0x63: {  	[sflag:s12] =	ssyncadd.s32 $0xFFFFFFB0  }
0x64: {  	_ =	swait.ge [sflag:s12], $0x50  }
0x65: {  	[sflag:s12] =	ssyncset.done $0x0  }
0x66: {  	[sflag:s12] =	ssyncadd.s32 $0xFFFFFFB0  }
0x67: {  	[bflag:$0x0] =	sbarrier.arrive $0xFFFF  }
0x68: {  	[tilespmem:s8], [sflag:$0x2] =	stream.linear.gather [spmem:s4], $0x280, $0x38;
	[tilespmem:$0x8580] =	vst v63  }
0x69: {  	s13 =	sadd.s32 $0x1, s13;
	_ =	swait.ge [sflag:s9], $0x280  }
0x6a: {  	p0 =	sne.s32 s13, s5;
	[sflag:s9] =	ssyncset.done $0x0  }
.Ltmp1:
0x6b: {  	[sflag:s9] =	ssyncadd.s32 $0xFFFFFD80;
	(pc) =	sbr.rel @p0 .LBB2_1-.Ltmp1, $4  }
0x6c: {  	[hbm4b:s7+s2] =	stream.linear.scatter [tilespmem:s8], [sflag:$0x2], $0x280, $0x38;
	[tilespmem:$0x8580] =	vst v63  }
0x6d: {  	_ =	swait.ge [sflag:s9], $0x280  }
0x6e: {  	[sflag:s9] =	ssyncset.done $0x0  }
0x6f: {  	[sflag:s9] =	ssyncadd.s32 $0xFFFFFD80  }
0x70: {  	_ =	sfence.sel $0x180000  }
0x71: {  	[bflag:$0x0] =	sbarrier.arrive $0xFFFF  }
0x72: {  	p0 =	sne.s32 s3, $0x0;
	_ =	strace $0x90000047  }
0x73: {  	s0 =	sadd.s32 @!p0 $0x100000, s0;
	[bflag:$0x2] =	sbarrier.arrive $0xFFFF  }
0x74: {  	[sflag:s0] =	ssyncadd.tile.s32 @!p0 $0x1;
	_ =	shalt  }
.Lfunc_end2:
_tile_overlayer_lowered:
.L_overlay_start_2:
0x75: {  	(tag) =	ssettag $0x2  }
0x76: {  	s0 =	rddreg [dreg:$0x0];
	s2 =	stileid.u32  }
0x77: {  	s1 =	rddreg [dreg:$0x1];
	p0 =	sne.s32 s2, $0x0  }
0x78: {  	s3 =	rddreg [dreg:$0x2];
	[bflag:$0x3] =	sbarrier.arrive $0xFFFF;
	s2 =	simm.s32 @!p0 $0x1C02  }
0x79: {  	[timem:s3], [sflag:s2] =	dma.local @!p0 [hbm:s0], s1  }
0x7a: {  	s0 =	simm.s32 @!p0 $0x2  }
0x7b: {  	_ =	swait.ge @!p0 [sflag:s0], s1  }
0x7c: {  	s1 =	ssub.s32 @!p0 $0x0, s1;
	[sflag:s0] =	ssyncset.done @!p0 $0x0  }
0x7d: {  	[sflag:s0] =	ssyncadd.s32 @!p0 s1  }
0x7e: {  	[bflag:$0x3] =	sbarrier.arrive $0xFFFF  }
0x7f: {  	_ =	shalt  }

</sc_bundles>
